<compile_context>
chip_gen: v7x
topology: tpu7x:2x2x1
jax: 0.10.2.dev20260603
libtpu: 0.0.44.dev20260713+nightly
codegen_flags: <defaults>
</compile_context>

<pallas_src>
import functools

import jax
import jax.numpy as jnp
from jax import lax
from jax.experimental import pallas as pl
from jax.experimental.pallas import tpu as pltpu
from jax.experimental.pallas import tpu_sc as plsc

VOCAB = 1000000
EMB = 64
BATCH = 16384

NC = 2
NS = 16
NW = NC * NS
B_PER_W = BATCH // NW
ROWS_W = B_PER_W // 2
LANES = 16
VBLK = 8192


def _tc_transpose_body(x_ref, o_ref):
    y = jnp.transpose(x_ref[...])
    o_ref[...] = jnp.concatenate(
        [y[:VBLK // 2], y[VBLK // 2:]], axis=1)


def _tc_transpose(embT):
    n_blk = (VOCAB + VBLK - 1) // VBLK
    return pl.pallas_call(
        _tc_transpose_body,
        grid=(n_blk,),
        in_specs=[pl.BlockSpec((EMB, VBLK), lambda i: (0, i))],
        out_specs=pl.BlockSpec((VBLK // 2, 2 * EMB), lambda i: (i, 0)),
        out_shape=jax.ShapeDtypeStruct((n_blk * (VBLK // 2), 2 * EMB),
                                       jnp.float32),
    )(embT)


def _sc_body(emb_t3, emb_c2, tv_hbm, cv_hbm, out_hbm,
             idx_t, idx_c, rows_t, rows_c, sem):
    wid = lax.axis_index("s") * NC + lax.axis_index("c")
    base = wid * B_PER_W

    pltpu.sync_copy(tv_hbm.at[pl.ds(base, B_PER_W)], idx_t)
    pltpu.sync_copy(cv_hbm.at[pl.ds(base, B_PER_W)], idx_c)

    def fetch_body(g, _):
        gb = g * LANES
        vt = idx_t[pl.ds(gb, LANES)]
        vc = idx_c[pl.ds(gb, LANES)]
        for j in range(LANES):
            it = vt[j]
            ic = vc[j]
            i = gb + j
            dst = pl.ds((i & 1) * EMB, EMB)
            pltpu.async_copy(emb_t3.at[it >> 3, it & 7],
                             rows_t.at[i >> 1, dst], sem)
            rc = ((ic >> 13) << 12) + (ic & 4095)
            pltpu.async_copy(emb_c2.at[rc], rows_c.at[i], sem)
        return _

    lax.fori_loop(0, B_PER_W // LANES, fetch_body, None)

    pltpu.make_async_copy(out_hbm.at[pl.ds(wid * ROWS_W, ROWS_W)],
                          rows_t, sem).wait()
    pltpu.make_async_copy(out_hbm.at[pl.ds(0, B_PER_W)],
                          rows_c, sem).wait()

    def mul_grp(g, _):
        gb = g * LANES
        vc = idx_c[pl.ds(gb, LANES)]
        for j in range(LANES):
            i = gb + j
            hc = ((vc[j] >> 12) & 1) * EMB
            for c in range(EMB // LANES):
                tsl = pl.ds((i & 1) * EMB + c * LANES, LANES)
                csl = pl.ds(hc + c * LANES, LANES)
                rows_t[i >> 1, tsl] = rows_t[i >> 1, tsl] * rows_c[i, csl]
        return _

    lax.fori_loop(0, B_PER_W // LANES, mul_grp, None)

    pltpu.sync_copy(rows_t, out_hbm.at[pl.ds(wid * ROWS_W, ROWS_W)])


def _sc_gather_mul(tvec, cvec, emb_t3, emb_c2):
    mesh = plsc.VectorSubcoreMesh(core_axis_name="c", subcore_axis_name="s")
    run = functools.partial(
        pl.kernel,
        mesh=mesh,
        out_type=jax.ShapeDtypeStruct((BATCH // 2, 128), jnp.float32),
        scratch_types=[
            pltpu.VMEM((B_PER_W,), jnp.int32),
            pltpu.VMEM((B_PER_W,), jnp.int32),
            pltpu.VMEM((ROWS_W, 128), jnp.float32),
            pltpu.VMEM((B_PER_W, 128), jnp.float32),
            pltpu.SemaphoreType.DMA,
        ],
    )(_sc_body)
    return run(emb_t3, emb_c2, tvec, cvec)


def _tc_reduce_body(x_ref, o_ref):
    i = pl.program_id(0)
    x = x_ref[...]
    ls = jnp.minimum(x, 0.0) - jnp.log1p(jnp.exp(-jnp.abs(x)))
    s = -jnp.sum(ls) * (1.0 / (BATCH * EMB))

    @pl.when(i == 0)
    def _():
        o_ref[0, 0] = s

    @pl.when(i > 0)
    def _():
        o_ref[0, 0] += s


def _tc_reduce(x):
    n_blk = 8
    rows = x.shape[0] // n_blk
    return pl.pallas_call(
        _tc_reduce_body,
        grid=(n_blk,),
        in_specs=[pl.BlockSpec((rows, 128), lambda i: (i, 0))],
        out_specs=pl.BlockSpec((1, 1), lambda i: (0, 0),
                               memory_space=pltpu.SMEM),
        out_shape=jax.ShapeDtypeStruct((1, 1), jnp.float32),
    )(x)


def kernel(target_vec, context_vec, emb_target, emb_context):
    tvec = target_vec.astype(jnp.int32)
    cvec = context_vec.astype(jnp.int32)
    emb_t3 = emb_target.reshape(VOCAB // 8, 8, EMB)
    emb_c2 = _tc_transpose(emb_context.T)
    prod = _sc_gather_mul(tvec, cvec, emb_t3, emb_c2)
    loss = _tc_reduce(prod)
    return loss.reshape(())

# --- scband reference (transcript-rebuilt; emitter-appended) ---
"""Pipeline reference for scband-skip-gram-2989297238207 (READ-ONLY COPY).

The authoritative reference and input builder live on the scoring server;
editing this copy changes nothing except your own understanding.
"""

import jax, jax.numpy as jnp
import numpy as np

VOCAB = 1000000
EMB = 64
BATCH = 16384

def setup_inputs(seed: int = 0) -> dict:
    key = jax.random.key(seed)
    k1, k2, k3, k4 = jax.random.split(key, 4)
    target_vec = jax.random.randint(k1, (BATCH,), 0, VOCAB, dtype=jnp.int64) if jax.config.jax_enable_x64 else jax.random.randint(k1, (BATCH,), 0, VOCAB).astype(jnp.int32)
    context_vec = jax.random.randint(k2, (BATCH,), 0, VOCAB).astype(target_vec.dtype)
    emb_target = jax.random.uniform(k3, (VOCAB, EMB), minval=-1.0, maxval=1.0, dtype=jnp.float32)
    emb_context = jax.random.uniform(k4, (VOCAB, EMB), minval=-1.0, maxval=1.0, dtype=jnp.float32)
    return {"target_vec": target_vec, "context_vec": context_vec, "emb_target": emb_target, "emb_context": emb_context}

def reference(target_vec, context_vec, emb_target, emb_context):
    # embedding lookups (gather)
    emb_input = jnp.take(emb_target, target_vec, axis=0)      # [B, E]
    emb_ctx = jnp.take(emb_context, context_vec, axis=0)      # [B, E]
    emb_product = emb_input * emb_ctx                          # [B, E]
    emb_sum = jnp.sum(emb_product, axis=1)                     # [B] (computed in original but unused)
    out_loss = jax.nn.log_sigmoid(emb_product)                 # [B, E]
    return -jnp.mean(out_loss)

if __name__ == "__main__":
    import jax
    _d = setup_inputs()
    print(jax.jit(kernel)(*tuple(_d.values())))

</pallas_src>

<mosaic_0001>
#map = affine_map<(d0, d1) -> (0, 0, 0)>
#map1 = affine_map<(d0, d1) -> (0, 0)>
#map2 = affine_map<(d0, d1) -> (0)>
module attributes {stable_mosaic.version = 14 : i64} {
  func.func @_sc_body(%arg0: i32, %arg1: i32, %arg2: memref<125000x8x64xf32, #tpu.memory_space<hbm>>, %arg3: memref<503808x128xf32, #tpu.memory_space<hbm>>, %arg4: memref<16384xi32, #tpu.memory_space<hbm>>, %arg5: memref<16384xi32, #tpu.memory_space<hbm>>, %arg6: memref<8192x128xf32, #tpu.memory_space<hbm>>, %arg7: memref<512xi32, #tpu.memory_space<vmem>>, %arg8: memref<512xi32, #tpu.memory_space<vmem>>, %arg9: memref<256x128xf32, #tpu.memory_space<vmem>>, %arg10: memref<512x128xf32, #tpu.memory_space<vmem>>, %arg11: memref<!tpu.dma_semaphore, #tpu.memory_space<semaphore_mem>>) attributes {dimension_semantics = [#tpu.dimension_semantics<core_parallel>, #tpu.dimension_semantics<subcore_parallel>], iteration_bounds = array<i64: 2, 16>, scalar_prefetch = 0 : i64, scratch_operands = 5 : i64, tpu.core_type = #tpu.core_type<sc_vector_subcore>, window_params = [{transform_indices = #map}, {transform_indices = #map1}, {transform_indices = #map2}, {transform_indices = #map2}, {transform_indices = #map1}]} {
    %mul3A = arith.constant 2 : i32
    %mul3A_0 = arith.muli %arg1, %mul3A : i32
    %add3A = arith.addi %mul3A_0, %arg0 : i32
    %mul3A_1 = arith.constant 512 : i32
    %mul3A_2 = arith.muli %add3A, %mul3A_1 : i32
    "tpu.region"() ({
      %run_scoped3A = tpu.sem_alloc : memref<!tpu.dma_semaphore, #tpu.memory_space<semaphore_mem>>
      %dma_start3A = tpu.memref_slice %arg4[%mul3A_2] : memref<16384xi32, #tpu.memory_space<hbm>> -> memref<512xi32, #tpu.memory_space<hbm>>
      %dma_start3A_25 = tpu.memref_slice %arg4[%mul3A_2] : memref<16384xi32, #tpu.memory_space<hbm>> -> memref<512xi32, #tpu.memory_space<hbm>>
      tpu.enqueue_dma source(%dma_start3A_25 : memref<512xi32, #tpu.memory_space<hbm>>) target(%arg7 : memref<512xi32, #tpu.memory_space<vmem>>) target_semaphore(%run_scoped3A : memref<!tpu.dma_semaphore, #tpu.memory_space<semaphore_mem>>)
      %dma_wait3A_26 = tpu.memref_slice %arg4[%mul3A_2] : memref<16384xi32, #tpu.memory_space<hbm>> -> memref<512xi32, #tpu.memory_space<hbm>>
      %dma_wait3A_27 = tpu.memref_slice %arg4[%mul3A_2] : memref<16384xi32, #tpu.memory_space<hbm>> -> memref<512xi32, #tpu.memory_space<hbm>>
      tpu.wait_dma2 semaphore(%run_scoped3A : memref<!tpu.dma_semaphore, #tpu.memory_space<semaphore_mem>>) src(%dma_wait3A_27 : memref<512xi32, #tpu.memory_space<hbm>>) dst(%arg7 : memref<512xi32, #tpu.memory_space<vmem>>)
      tpu.yield
    }) : () -> ()
    "tpu.region"() ({
      %run_scoped3A = tpu.sem_alloc : memref<!tpu.dma_semaphore, #tpu.memory_space<semaphore_mem>>
      %dma_start3A = tpu.memref_slice %arg5[%mul3A_2] : memref<16384xi32, #tpu.memory_space<hbm>> -> memref<512xi32, #tpu.memory_space<hbm>>
      %dma_start3A_25 = tpu.memref_slice %arg5[%mul3A_2] : memref<16384xi32, #tpu.memory_space<hbm>> -> memref<512xi32, #tpu.memory_space<hbm>>
      tpu.enqueue_dma source(%dma_start3A_25 : memref<512xi32, #tpu.memory_space<hbm>>) target(%arg8 : memref<512xi32, #tpu.memory_space<vmem>>) target_semaphore(%run_scoped3A : memref<!tpu.dma_semaphore, #tpu.memory_space<semaphore_mem>>)
      %dma_wait3A_26 = tpu.memref_slice %arg5[%mul3A_2] : memref<16384xi32, #tpu.memory_space<hbm>> -> memref<512xi32, #tpu.memory_space<hbm>>
      %dma_wait3A_27 = tpu.memref_slice %arg5[%mul3A_2] : memref<16384xi32, #tpu.memory_space<hbm>> -> memref<512xi32, #tpu.memory_space<hbm>>
      tpu.wait_dma2 semaphore(%run_scoped3A : memref<!tpu.dma_semaphore, #tpu.memory_space<semaphore_mem>>) src(%dma_wait3A_27 : memref<512xi32, #tpu.memory_space<hbm>>) dst(%arg8 : memref<512xi32, #tpu.memory_space<vmem>>)
      tpu.yield
    }) : () -> ()
    %scan3A = arith.constant 0 : i32
    %scan3A_3 = arith.constant 32 : i32
    %scan3A_4 = arith.addi %scan3A, %scan3A_3 : i32
    %scan3A_5 = arith.constant 1 : i32
    scf.for %scan3A_25 = %scan3A to %scan3A_4 step %scan3A_5  : i32 {
      %mul3A_26 = arith.constant 16 : i32
      %mul3A_27 = arith.muli %scan3A_25, %mul3A_26 : i32
      %get3A = arith.index_cast %mul3A_27 : i32 to index
      %get3A_28 = tpu.vector_load %arg7[%get3A] {strides = array<i32>} : memref<512xi32, #tpu.memory_space<vmem>>, vector<16xi32>,
      %get3A_29 = vector.shape_cast %get3A_28 : vector<16xi32> to vector<16xi32>
      %get3A_30 = arith.index_cast %mul3A_27 : i32 to index
      %get3A_31 = tpu.vector_load %arg8[%get3A_30] {strides = array<i32>} : memref<512xi32, #tpu.memory_space<vmem>>, vector<16xi32>,
      %get3A_32 = vector.shape_cast %get3A_31 : vector<16xi32> to vector<16xi32>
      %slice3A = vector.extract_strided_slice %get3A_29 {offsets = [0], sizes = [1], strides = [1]} : vector<16xi32> to vector<1xi32>
      %squeeze3A = vector.extract %slice3A[0] : i32 from vector<1xi32>
      %slice3A_33 = vector.extract_strided_slice %get3A_32 {offsets = [0], sizes = [1], strides = [1]} : vector<16xi32> to vector<1xi32>
      %squeeze3A_34 = vector.extract %slice3A_33[0] : i32 from vector<1xi32>
      %add3A_35 = arith.constant 0 : i32
      %add3A_36 = arith.addi %mul3A_27, %add3A_35 : i32
      %and3A = arith.constant 1 : i32
      %and3A_37 = arith.andi %add3A_36, %and3A : i32
      %mul3A_38 = arith.constant 64 : i32
      %mul3A_39 = arith.muli %and3A_37, %mul3A_38 : i32
      %shift_right_arithmetic3A = arith.constant 3 : i32
      %shift_right_arithmetic3A_40 = arith.shrsi %squeeze3A, %shift_right_arithmetic3A : i32
      %and3A_41 = arith.constant 7 : i32
      %and3A_42 = arith.andi %squeeze3A, %and3A_41 : i32
      %shift_right_arithmetic3A_43 = arith.constant 1 : i32
      %shift_right_arithmetic3A_44 = arith.shrsi %add3A_36, %shift_right_arithmetic3A_43 : i32
      %dma_start3A = tpu.memref_slice %arg9[%shift_right_arithmetic3A_44, %mul3A_39] : memref<256x128xf32, #tpu.memory_space<vmem>> -> memref<1x64xf32, #tpu.memory_space<vmem>>
      %dma_start3A_45 = tpu.memref_squeeze %dma_start3A : memref<1x64xf32, #tpu.memory_space<vmem>> -> memref<64xf32, #tpu.memory_space<vmem>>
      %dma_start3A_46 = arith.constant 0 : i32
      %dma_start3A_47 = tpu.memref_slice %arg2[%shift_right_arithmetic3A_40, %and3A_42, %dma_start3A_46] : memref<125000x8x64xf32, #tpu.memory_space<hbm>> -> memref<1x1x64xf32, #tpu.memory_space<hbm>>
      %dma_start3A_48 = tpu.memref_squeeze %dma_start3A_47 : memref<1x1x64xf32, #tpu.memory_space<hbm>> -> memref<64xf32, #tpu.memory_space<hbm>>
      %dma_start3A_49 = tpu.memref_slice %arg9[%shift_right_arithmetic3A_44, %mul3A_39] : memref<256x128xf32, #tpu.memory_space<vmem>> -> memref<1x64xf32, #tpu.memory_space<vmem>>
      %dma_start3A_50 = tpu.memref_squeeze %dma_start3A_49 : memref<1x64xf32, #tpu.memory_space<vmem>> -> memref<64xf32, #tpu.memory_space<vmem>>
      %dma_start3A_51 = arith.constant 0 : i32
      %dma_start3A_52 = tpu.memref_slice %arg2[%shift_right_arithmetic3A_40, %and3A_42, %dma_start3A_51] : memref<125000x8x64xf32, #tpu.memory_space<hbm>> -> memref<1x1x64xf32, #tpu.memory_space<hbm>>
      %dma_start3A_53 = tpu.memref_squeeze %dma_start3A_52 : memref<1x1x64xf32, #tpu.memory_space<hbm>> -> memref<64xf32, #tpu.memory_space<hbm>>
      tpu.enqueue_dma source(%dma_start3A_53 : memref<64xf32, #tpu.memory_space<hbm>>) target(%dma_start3A_50 : memref<64xf32, #tpu.memory_space<vmem>>) target_semaphore(%arg11 : memref<!tpu.dma_semaphore, #tpu.memory_space<semaphore_mem>>)
      %shift_right_arithmetic3A_54 = arith.constant 13 : i32
      %shift_right_arithmetic3A_55 = arith.shrsi %squeeze3A_34, %shift_right_arithmetic3A_54 : i32
      %shift_left3A = arith.constant 12 : i32
      %shift_left3A_56 = arith.shli %shift_right_arithmetic3A_55, %shift_left3A : i32
      %and3A_57 = arith.constant 4095 : i32
      %and3A_58 = arith.andi %squeeze3A_34, %and3A_57 : i32
      %add3A_59 = arith.addi %shift_left3A_56, %and3A_58 : i32
      %dma_start3A_60 = arith.constant 0 : i32
      %dma_start3A_61 = tpu.memref_slice %arg10[%add3A_36, %dma_start3A_60] : memref<512x128xf32, #tpu.memory_space<vmem>> -> memref<1x128xf32, #tpu.memory_space<vmem>>
      %dma_start3A_62 = tpu.memref_squeeze %dma_start3A_61 : memref<1x128xf32, #tpu.memory_space<vmem>> -> memref<128xf32, #tpu.memory_space<vmem>>
      %dma_start3A_63 = arith.constant 0 : i32
      %dma_start3A_64 = tpu.memref_slice %arg3[%add3A_59, %dma_start3A_63] : memref<503808x128xf32, #tpu.memory_space<hbm>> -> memref<1x128xf32, #tpu.memory_space<hbm>>
      %dma_start3A_65 = tpu.memref_squeeze %dma_start3A_64 : memref<1x128xf32, #tpu.memory_space<hbm>> -> memref<128xf32, #tpu.memory_space<hbm>>
      %dma_start3A_66 = arith.constant 0 : i32
      %dma_start3A_67 = tpu.memref_slice %arg10[%add3A_36, %dma_start3A_66] : memref<512x128xf32, #tpu.memory_space<vmem>> -> memref<1x128xf32, #tpu.memory_space<vmem>>
      %dma_start3A_68 = tpu.memref_squeeze %dma_start3A_67 : memref<1x128xf32, #tpu.memory_space<vmem>> -> memref<128xf32, #tpu.memory_space<vmem>>
      %dma_start3A_69 = arith.constant 0 : i32
      %dma_start3A_70 = tpu.memref_slice %arg3[%add3A_59, %dma_start3A_69] : memref<503808x128xf32, #tpu.memory_space<hbm>> -> memref<1x128xf32, #tpu.memory_space<hbm>>
      %dma_start3A_71 = tpu.memref_squeeze %dma_start3A_70 : memref<1x128xf32, #tpu.memory_space<hbm>> -> memref<128xf32, #tpu.memory_space<hbm>>
      tpu.enqueue_dma source(%dma_start3A_71 : memref<128xf32, #tpu.memory_space<hbm>>) target(%dma_start3A_68 : memref<128xf32, #tpu.memory_space<vmem>>) target_semaphore(%arg11 : memref<!tpu.dma_semaphore, #tpu.memory_space<semaphore_mem>>)
      %slice3A_72 = vector.extract_strided_slice %get3A_29 {offsets = [1], sizes = [1], strides = [1]} : vector<16xi32> to vector<1xi32>
      %squeeze3A_73 = vector.extract %slice3A_72[0] : i32 from vector<1xi32>
      %slice3A_74 = vector.extract_strided_slice %get3A_32 {offsets = [1], sizes = [1], strides = [1]} : vector<16xi32> to vector<1xi32>
      %squeeze3A_75 = vector.extract %slice3A_74[0] : i32 from vector<1xi32>
      %add3A_76 = arith.constant 1 : i32
      %add3A_77 = arith.addi %mul3A_27, %add3A_76 : i32
      %and3A_78 = arith.constant 1 : i32
      %and3A_79 = arith.andi %add3A_77, %and3A_78 : i32
      %mul3A_80 = arith.constant 64 : i32
      %mul3A_81 = arith.muli %and3A_79, %mul3A_80 : i32
      %shift_right_arithmetic3A_82 = arith.constant 3 : i32
      %shift_right_arithmetic3A_83 = arith.shrsi %squeeze3A_73, %shift_right_arithmetic3A_82 : i32
      %and3A_84 = arith.constant 7 : i32
      %and3A_85 = arith.andi %squeeze3A_73, %and3A_84 : i32
      %shift_right_arithmetic3A_86 = arith.constant 1 : i32
      %shift_right_arithmetic3A_87 = arith.shrsi %add3A_77, %shift_right_arithmetic3A_86 : i32
      %dma_start3A_88 = tpu.memref_slice %arg9[%shift_right_arithmetic3A_87, %mul3A_81] : memref<256x128xf32, #tpu.memory_space<vmem>> -> memref<1x64xf32, #tpu.memory_space<vmem>>
      %dma_start3A_89 = tpu.memref_squeeze %dma_start3A_88 : memref<1x64xf32, #tpu.memory_space<vmem>> -> memref<64xf32, #tpu.memory_space<vmem>>
      %dma_start3A_90 = arith.constant 0 : i32
      %dma_start3A_91 = tpu.memref_slice %arg2[%shift_right_arithmetic3A_83, %and3A_85, %dma_start3A_90] : memref<125000x8x64xf32, #tpu.memory_space<hbm>> -> memref<1x1x64xf32, #tpu.memory_space<hbm>>
      %dma_start3A_92 = tpu.memref_squeeze %dma_start3A_91 : memref<1x1x64xf32, #tpu.memory_space<hbm>> -> memref<64xf32, #tpu.memory_space<hbm>>
      %dma_start3A_93 = tpu.memref_slice %arg9[%shift_right_arithmetic3A_87, %mul3A_81] : memref<256x128xf32, #tpu.memory_space<vmem>> -> memref<1x64xf32, #tpu.memory_space<vmem>>
      %dma_start3A_94 = tpu.memref_squeeze %dma_start3A_93 : memref<1x64xf32, #tpu.memory_space<vmem>> -> memref<64xf32, #tpu.memory_space<vmem>>
      %dma_start3A_95 = arith.constant 0 : i32
      %dma_start3A_96 = tpu.memref_slice %arg2[%shift_right_arithmetic3A_83, %and3A_85, %dma_start3A_95] : memref<125000x8x64xf32, #tpu.memory_space<hbm>> -> memref<1x1x64xf32, #tpu.memory_space<hbm>>
      %dma_start3A_97 = tpu.memref_squeeze %dma_start3A_96 : memref<1x1x64xf32, #tpu.memory_space<hbm>> -> memref<64xf32, #tpu.memory_space<hbm>>
      tpu.enqueue_dma source(%dma_start3A_97 : memref<64xf32, #tpu.memory_space<hbm>>) target(%dma_start3A_94 : memref<64xf32, #tpu.memory_space<vmem>>) target_semaphore(%arg11 : memref<!tpu.dma_semaphore, #tpu.memory_space<semaphore_mem>>)
      %shift_right_arithmetic3A_98 = arith.constant 13 : i32
      %shift_right_arithmetic3A_99 = arith.shrsi %squeeze3A_75, %shift_right_arithmetic3A_98 : i32
      %shift_left3A_100 = arith.constant 12 : i32
      %shift_left3A_101 = arith.shli %shift_right_arithmetic3A_99, %shift_left3A_100 : i32
      %and3A_102 = arith.constant 4095 : i32
      %and3A_103 = arith.andi %squeeze3A_75, %and3A_102 : i32
      %add3A_104 = arith.addi %shift_left3A_101, %and3A_103 : i32
      %dma_start3A_105 = arith.constant 0 : i32
      %dma_start3A_106 = tpu.memref_slice %arg10[%add3A_77, %dma_start3A_105] : memref<512x128xf32, #tpu.memory_space<vmem>> -> memref<1x128xf32, #tpu.memory_space<vmem>>
      %dma_start3A_107 = tpu.memref_squeeze %dma_start3A_106 : memref<1x128xf32, #tpu.memory_space<vmem>> -> memref<128xf32, #tpu.memory_space<vmem>>
      %dma_start3A_108 = arith.constant 0 : i32
      %dma_start3A_109 = tpu.memref_slice %arg3[%add3A_104, %dma_start3A_108] : memref<503808x128xf32, #tpu.memory_space<hbm>> -> memref<1x128xf32, #tpu.memory_space<hbm>>
      %dma_start3A_110 = tpu.memref_squeeze %dma_start3A_109 : memref<1x128xf32, #tpu.memory_space<hbm>> -> memref<128xf32, #tpu.memory_space<hbm>>
      %dma_start3A_111 = arith.constant 0 : i32
      %dma_start3A_112 = tpu.memref_slice %arg10[%add3A_77, %dma_start3A_111] : memref<512x128xf32, #tpu.memory_space<vmem>> -> memref<1x128xf32, #tpu.memory_space<vmem>>
      %dma_start3A_113 = tpu.memref_squeeze %dma_start3A_112 : memref<1x128xf32, #tpu.memory_space<vmem>> -> memref<128xf32, #tpu.memory_space<vmem>>
      %dma_start3A_114 = arith.constant 0 : i32
      %dma_start3A_115 = tpu.memref_slice %arg3[%add3A_104, %dma_start3A_114] : memref<503808x128xf32, #tpu.memory_space<hbm>> -> memref<1x128xf32, #tpu.memory_space<hbm>>
      %dma_start3A_116 = tpu.memref_squeeze %dma_start3A_115 : memref<1x128xf32, #tpu.memory_space<hbm>> -> memref<128xf32, #tpu.memory_space<hbm>>
      tpu.enqueue_dma source(%dma_start3A_116 : memref<128xf32, #tpu.memory_space<hbm>>) target(%dma_start3A_113 : memref<128xf32, #tpu.memory_space<vmem>>) target_semaphore(%arg11 : memref<!tpu.dma_semaphore, #tpu.memory_space<semaphore_mem>>)
      %slice3A_117 = vector.extract_strided_slice %get3A_29 {offsets = [2], sizes = [1], strides = [1]} : vector<16xi32> to vector<1xi32>
      %squeeze3A_118 = vector.extract %slice3A_117[0] : i32 from vector<1xi32>
      %slice3A_119 = vector.extract_strided_slice %get3A_32 {offsets = [2], sizes = [1], strides = [1]} : vector<16xi32> to vector<1xi32>
      %squeeze3A_120 = vector.extract %slice3A_119[0] : i32 from vector<1xi32>
      %add3A_121 = arith.constant 2 : i32
      %add3A_122 = arith.addi %mul3A_27, %add3A_121 : i32
      %and3A_123 = arith.constant 1 : i32
      %and3A_124 = arith.andi %add3A_122, %and3A_123 : i32
      %mul3A_125 = arith.constant 64 : i32
      %mul3A_126 = arith.muli %and3A_124, %mul3A_125 : i32
      %shift_right_arithmetic3A_127 = arith.constant 3 : i32
      %shift_right_arithmetic3A_128 = arith.shrsi %squeeze3A_118, %shift_right_arithmetic3A_127 : i32
      %and3A_129 = arith.constant 7 : i32
      %and3A_130 = arith.andi %squeeze3A_118, %and3A_129 : i32
      %shift_right_arithmetic3A_131 = arith.constant 1 : i32
      %shift_right_arithmetic3A_132 = arith.shrsi %add3A_122, %shift_right_arithmetic3A_131 : i32
      %dma_start3A_133 = tpu.memref_slice %arg9[%shift_right_arithmetic3A_132, %mul3A_126] : memref<256x128xf32, #tpu.memory_space<vmem>> -> memref<1x64xf32, #tpu.memory_space<vmem>>
      %dma_start3A_134 = tpu.memref_squeeze %dma_start3A_133 : memref<1x64xf32, #tpu.memory_space<vmem>> -> memref<64xf32, #tpu.memory_space<vmem>>
      %dma_start3A_135 = arith.constant 0 : i32
      %dma_start3A_136 = tpu.memref_slice %arg2[%shift_right_arithmetic3A_128, %and3A_130, %dma_start3A_135] : memref<125000x8x64xf32, #tpu.memory_space<hbm>> -> memref<1x1x64xf32, #tpu.memory_space<hbm>>
      %dma_start3A_137 = tpu.memref_squeeze %dma_start3A_136 : memref<1x1x64xf32, #tpu.memory_space<hbm>> -> memref<64xf32, #tpu.memory_space<hbm>>
      %dma_start3A_138 = tpu.memref_slice %arg9[%shift_right_arithmetic3A_132, %mul3A_126] : memref<256x128xf32, #tpu.memory_space<vmem>> -> memref<1x64xf32, #tpu.memory_space<vmem>>
      %dma_start3A_139 = tpu.memref_squeeze %dma_start3A_138 : memref<1x64xf32, #tpu.memory_space<vmem>> -> memref<64xf32, #tpu.memory_space<vmem>>
      %dma_start3A_140 = arith.constant 0 : i32
      %dma_start3A_141 = tpu.memref_slice %arg2[%shift_right_arithmetic3A_128, %and3A_130, %dma_start3A_140] : memref<125000x8x64xf32, #tpu.memory_space<hbm>> -> memref<1x1x64xf32, #tpu.memory_space<hbm>>
      %dma_start3A_142 = tpu.memref_squeeze %dma_start3A_141 : memref<1x1x64xf32, #tpu.memory_space<hbm>> -> memref<64xf32, #tpu.memory_space<hbm>>
      tpu.enqueue_dma source(%dma_start3A_142 : memref<64xf32, #tpu.memory_space<hbm>>) target(%dma_start3A_139 : memref<64xf32, #tpu.memory_space<vmem>>) target_semaphore(%arg11 : memref<!tpu.dma_semaphore, #tpu.memory_space<semaphore_mem>>)
      %shift_right_arithmetic3A_143 = arith.constant 13 : i32
      %shift_right_arithmetic3A_144 = arith.shrsi %squeeze3A_120, %shift_right_arithmetic3A_143 : i32
      %shift_left3A_145 = arith.constant 12 : i32
      %shift_left3A_146 = arith.shli %shift_right_arithmetic3A_144, %shift_left3A_145 : i32
      %and3A_147 = arith.constant 4095 : i32
      %and3A_148 = arith.andi %squeeze3A_120, %and3A_147 : i32
      %add3A_149 = arith.addi %shift_left3A_146, %and3A_148 : i32
      %dma_start3A_150 = arith.constant 0 : i32
      %dma_start3A_151 = tpu.memref_slice %arg10[%add3A_122, %dma_start3A_150] : memref<512x128xf32, #tpu.memory_space<vmem>> -> memref<1x128xf32, #tpu.memory_space<vmem>>
      %dma_start3A_152 = tpu.memref_squeeze %dma_start3A_151 : memref<1x128xf32, #tpu.memory_space<vmem>> -> memref<128xf32, #tpu.memory_space<vmem>>
      %dma_start3A_153 = arith.constant 0 : i32
      %dma_start3A_154 = tpu.memref_slice %arg3[%add3A_149, %dma_start3A_153] : memref<503808x128xf32, #tpu.memory_space<hbm>> -> memref<1x128xf32, #tpu.memory_space<hbm>>
      %dma_start3A_155 = tpu.memref_squeeze %dma_start3A_154 : memref<1x128xf32, #tpu.memory_space<hbm>> -> memref<128xf32, #tpu.memory_space<hbm>>
      %dma_start3A_156 = arith.constant 0 : i32
      %dma_start3A_157 = tpu.memref_slice %arg10[%add3A_122, %dma_start3A_156] : memref<512x128xf32, #tpu.memory_space<vmem>> -> memref<1x128xf32, #tpu.memory_space<vmem>>
      %dma_start3A_158 = tpu.memref_squeeze %dma_start3A_157 : memref<1x128xf32, #tpu.memory_space<vmem>> -> memref<128xf32, #tpu.memory_space<vmem>>
      %dma_start3A_159 = arith.constant 0 : i32
      %dma_start3A_160 = tpu.memref_slice %arg3[%add3A_149, %dma_start3A_159] : memref<503808x128xf32, #tpu.memory_space<hbm>> -> memref<1x128xf32, #tpu.memory_space<hbm>>
      %dma_start3A_161 = tpu.memref_squeeze %dma_start3A_160 : memref<1x128xf32, #tpu.memory_space<hbm>> -> memref<128xf32, #tpu.memory_space<hbm>>
      tpu.enqueue_dma source(%dma_start3A_161 : memref<128xf32, #tpu.memory_space<hbm>>) target(%dma_start3A_158 : memref<128xf32, #tpu.memory_space<vmem>>) target_semaphore(%arg11 : memref<!tpu.dma_semaphore, #tpu.memory_space<semaphore_mem>>)
      %slice3A_162 = vector.extract_strided_slice %get3A_29 {offsets = [3], sizes = [1], strides = [1]} : vector<16xi32> to vector<1xi32>
      %squeeze3A_163 = vector.extract %slice3A_162[0] : i32 from vector<1xi32>
      %slice3A_164 = vector.extract_strided_slice %get3A_32 {offsets = [3], sizes = [1], strides = [1]} : vector<16xi32> to vector<1xi32>
      %squeeze3A_165 = vector.extract %slice3A_164[0] : i32 from vector<1xi32>
      %add3A_166 = arith.constant 3 : i32
      %add3A_167 = arith.addi %mul3A_27, %add3A_166 : i32
      %and3A_168 = arith.constant 1 : i32
      %and3A_169 = arith.andi %add3A_167, %and3A_168 : i32
      %mul3A_170 = arith.constant 64 : i32
      %mul3A_171 = arith.muli %and3A_169, %mul3A_170 : i32
      %shift_right_arithmetic3A_172 = arith.constant 3 : i32
      %shift_right_arithmetic3A_173 = arith.shrsi %squeeze3A_163, %shift_right_arithmetic3A_172 : i32
      %and3A_174 = arith.constant 7 : i32
      %and3A_175 = arith.andi %squeeze3A_163, %and3A_174 : i32
      %shift_right_arithmetic3A_176 = arith.constant 1 : i32
      %shift_right_arithmetic3A_177 = arith.shrsi %add3A_167, %shift_right_arithmetic3A_176 : i32
      %dma_start3A_178 = tpu.memref_slice %arg9[%shift_right_arithmetic3A_177, %mul3A_171] : memref<256x128xf32, #tpu.memory_space<vmem>> -> memref<1x64xf32, #tpu.memory_space<vmem>>
      %dma_start3A_179 = tpu.memref_squeeze %dma_start3A_178 : memref<1x64xf32, #tpu.memory_space<vmem>> -> memref<64xf32, #tpu.memory_space<vmem>>
      %dma_start3A_180 = arith.constant 0 : i32
      %dma_start3A_181 = tpu.memref_slice %arg2[%shift_right_arithmetic3A_173, %and3A_175, %dma_start3A_180] : memref<125000x8x64xf32, #tpu.memory_space<hbm>> -> memref<1x1x64xf32, #tpu.memory_space<hbm>>
      %dma_start3A_182 = tpu.memref_squeeze %dma_start3A_181 : memref<1x1x64xf32, #tpu.memory_space<hbm>> -> memref<64xf32, #tpu.memory_space<hbm>>
      %dma_start3A_183 = tpu.memref_slice %arg9[%shift_right_arithmetic3A_177, %mul3A_171] : memref<256x128xf32, #tpu.memory_space<vmem>> -> memref<1x64xf32, #tpu.memory_space<vmem>>
      %dma_start3A_184 = tpu.memref_squeeze %dma_start3A_183 : memref<1x64xf32, #tpu.memory_space<vmem>> -> memref<64xf32, #tpu.memory_space<vmem>>
      %dma_start3A_185 = arith.constant 0 : i32
      %dma_start3A_186 = tpu.memref_slice %arg2[%shift_right_arithmetic3A_173, %and3A_175, %dma_start3A_185] : memref<125000x8x64xf32, #tpu.memory_space<hbm>> -> memref<1x1x64xf32, #tpu.memory_space<hbm>>
      %dma_start3A_187 = tpu.memref_squeeze %dma_start3A_186 : memref<1x1x64xf32, #tpu.memory_space<hbm>> -> memref<64xf32, #tpu.memory_space<hbm>>
      tpu.enqueue_dma source(%dma_start3A_187 : memref<64xf32, #tpu.memory_space<hbm>>) target(%dma_start3A_184 : memref<64xf32, #tpu.memory_space<vmem>>) target_semaphore(%arg11 : memref<!tpu.dma_semaphore, #tpu.memory_space<semaphore_mem>>)
      %shift_right_arithmetic3A_188 = arith.constant 13 : i32
      %shift_right_arithmetic3A_189 = arith.shrsi %squeeze3A_165, %shift_right_arithmetic3A_188 : i32
      %shift_left3A_190 = arith.constant 12 : i32
      %shift_left3A_191 = arith.shli %shift_right_arithmetic3A_189, %shift_left3A_190 : i32
      %and3A_192 = arith.constant 4095 : i32
      %and3A_193 = arith.andi %squeeze3A_165, %and3A_192 : i32
      %add3A_194 = arith.addi %shift_left3A_191, %and3A_193 : i32
      %dma_start3A_195 = arith.constant 0 : i32
      %dma_start3A_196 = tpu.memref_slice %arg10[%add3A_167, %dma_start3A_195] : memref<512x128xf32, #tpu.memory_space<vmem>> -> memref<1x128xf32, #tpu.memory_space<vmem>>
      %dma_start3A_197 = tpu.memref_squeeze %dma_start3A_196 : memref<1x128xf32, #tpu.memory_space<vmem>> -> memref<128xf32, #tpu.memory_space<vmem>>
      %dma_start3A_198 = arith.constant 0 : i32
      %dma_start3A_199 = tpu.memref_slice %arg3[%add3A_194, %dma_start3A_198] : memref<503808x128xf32, #tpu.memory_space<hbm>> -> memref<1x128xf32, #tpu.memory_space<hbm>>
      %dma_start3A_200 = tpu.memref_squeeze %dma_start3A_199 : memref<1x128xf32, #tpu.memory_space<hbm>> -> memref<128xf32, #tpu.memory_space<hbm>>
      %dma_start3A_201 = arith.constant 0 : i32
      %dma_start3A_202 = tpu.memref_slice %arg10[%add3A_167, %dma_start3A_201] : memref<512x128xf32, #tpu.memory_space<vmem>> -> memref<1x128xf32, #tpu.memory_space<vmem>>
      %dma_start3A_203 = tpu.memref_squeeze %dma_start3A_202 : memref<1x128xf32, #tpu.memory_space<vmem>> -> memref<128xf32, #tpu.memory_space<vmem>>
      %dma_start3A_204 = arith.constant 0 : i32
      %dma_start3A_205 = tpu.memref_slice %arg3[%add3A_194, %dma_start3A_204] : memref<503808x128xf32, #tpu.memory_space<hbm>> -> memref<1x128xf32, #tpu.memory_space<hbm>>
      %dma_start3A_206 = tpu.memref_squeeze %dma_start3A_205 : memref<1x128xf32, #tpu.memory_space<hbm>> -> memref<128xf32, #tpu.memory_space<hbm>>
      tpu.enqueue_dma source(%dma_start3A_206 : memref<128xf32, #tpu.memory_space<hbm>>) target(%dma_start3A_203 : memref<128xf32, #tpu.memory_space<vmem>>) target_semaphore(%arg11 : memref<!tpu.dma_semaphore, #tpu.memory_space<semaphore_mem>>)
      %slice3A_207 = vector.extract_strided_slice %get3A_29 {offsets = [4], sizes = [1], strides = [1]} : vector<16xi32> to vector<1xi32>
      %squeeze3A_208 = vector.extract %slice3A_207[0] : i32 from vector<1xi32>
      %slice3A_209 = vector.extract_strided_slice %get3A_32 {offsets = [4], sizes = [1], strides = [1]} : vector<16xi32> to vector<1xi32>
      %squeeze3A_210 = vector.extract %slice3A_209[0] : i32 from vector<1xi32>
      %add3A_211 = arith.constant 4 : i32
      %add3A_212 = arith.addi %mul3A_27, %add3A_211 : i32
      %and3A_213 = arith.constant 1 : i32
      %and3A_214 = arith.andi %add3A_212, %and3A_213 : i32
      %mul3A_215 = arith.constant 64 : i32
      %mul3A_216 = arith.muli %and3A_214, %mul3A_215 : i32
      %shift_right_arithmetic3A_217 = arith.constant 3 : i32
      %shift_right_arithmetic3A_218 = arith.shrsi %squeeze3A_208, %shift_right_arithmetic3A_217 : i32
      %and3A_219 = arith.constant 7 : i32
      %and3A_220 = arith.andi %squeeze3A_208, %and3A_219 : i32
      %shift_right_arithmetic3A_221 = arith.constant 1 : i32
      %shift_right_arithmetic3A_222 = arith.shrsi %add3A_212, %shift_right_arithmetic3A_221 : i32
      %dma_start3A_223 = tpu.memref_slice %arg9[%shift_right_arithmetic3A_222, %mul3A_216] : memref<256x128xf32, #tpu.memory_space<vmem>> -> memref<1x64xf32, #tpu.memory_space<vmem>>
      %dma_start3A_224 = tpu.memref_squeeze %dma_start3A_223 : memref<1x64xf32, #tpu.memory_space<vmem>> -> memref<64xf32, #tpu.memory_space<vmem>>
      %dma_start3A_225 = arith.constant 0 : i32
      %dma_start3A_226 = tpu.memref_slice %arg2[%shift_right_arithmetic3A_218, %and3A_220, %dma_start3A_225] : memref<125000x8x64xf32, #tpu.memory_space<hbm>> -> memref<1x1x64xf32, #tpu.memory_space<hbm>>
      %dma_start3A_227 = tpu.memref_squeeze %dma_start3A_226 : memref<1x1x64xf32, #tpu.memory_space<hbm>> -> memref<64xf32, #tpu.memory_space<hbm>>
      %dma_start3A_228 = tpu.memref_slice %arg9[%shift_right_arithmetic3A_222, %mul3A_216] : memref<256x128xf32, #tpu.memory_space<vmem>> -> memref<1x64xf32, #tpu.memory_space<vmem>>
      %dma_start3A_229 = tpu.memref_squeeze %dma_start3A_228 : memref<1x64xf32, #tpu.memory_space<vmem>> -> memref<64xf32, #tpu.memory_space<vmem>>
      %dma_start3A_230 = arith.constant 0 : i32
      %dma_start3A_231 = tpu.memref_slice %arg2[%shift_right_arithmetic3A_218, %and3A_220, %dma_start3A_230] : memref<125000x8x64xf32, #tpu.memory_space<hbm>> -> memref<1x1x64xf32, #tpu.memory_space<hbm>>
      %dma_start3A_232 = tpu.memref_squeeze %dma_start3A_231 : memref<1x1x64xf32, #tpu.memory_space<hbm>> -> memref<64xf32, #tpu.memory_space<hbm>>
      tpu.enqueue_dma source(%dma_start3A_232 : memref<64xf32, #tpu.memory_space<hbm>>) target(%dma_start3A_229 : memref<64xf32, #tpu.memory_space<vmem>>) target_semaphore(%arg11 : memref<!tpu.dma_semaphore, #tpu.memory_space<semaphore_mem>>)
      %shift_right_arithmetic3A_233 = arith.constant 13 : i32
      %shift_right_arithmetic3A_234 = arith.shrsi %squeeze3A_210, %shift_right_arithmetic3A_233 : i32
      %shift_left3A_235 = arith.constant 12 : i32
      %shift_left3A_236 = arith.shli %shift_right_arithmetic3A_234, %shift_left3A_235 : i32
      %and3A_237 = arith.constant 4095 : i32
      %and3A_238 = arith.andi %squeeze3A_210, %and3A_237 : i32
      %add3A_239 = arith.addi %shift_left3A_236, %and3A_238 : i32
      %dma_start3A_240 = arith.constant 0 : i32
      %dma_start3A_241 = tpu.memref_slice %arg10[%add3A_212, %dma_start3A_240] : memref<512x128xf32, #tpu.memory_space<vmem>> -> memref<1x128xf32, #tpu.memory_space<vmem>>
      %dma_start3A_242 = tpu.memref_squeeze %dma_start3A_241 : memref<1x128xf32, #tpu.memory_space<vmem>> -> memref<128xf32, #tpu.memory_space<vmem>>
      %dma_start3A_243 = arith.constant 0 : i32
      %dma_start3A_244 = tpu.memref_slice %arg3[%add3A_239, %dma_start3A_243] : memref<503808x128xf32, #tpu.memory_space<hbm>> -> memref<1x128xf32, #tpu.memory_space<hbm>>
      %dma_start3A_245 = tpu.memref_squeeze %dma_start3A_244 : memref<1x128xf32, #tpu.memory_space<hbm>> -> memref<128xf32, #tpu.memory_space<hbm>>
      %dma_start3A_246 = arith.constant 0 : i32
      %dma_start3A_247 = tpu.memref_slice %arg10[%add3A_212, %dma_start3A_246] : memref<512x128xf32, #tpu.memory_space<vmem>> -> memref<1x128xf32, #tpu.memory_space<vmem>>
      %dma_start3A_248 = tpu.memref_squeeze %dma_start3A_247 : memref<1x128xf32, #tpu.memory_space<vmem>> -> memref<128xf32, #tpu.memory_space<vmem>>
      %dma_start3A_249 = arith.constant 0 : i32
      %dma_start3A_250 = tpu.memref_slice %arg3[%add3A_239, %dma_start3A_249] : memref<503808x128xf32, #tpu.memory_space<hbm>> -> memref<1x128xf32, #tpu.memory_space<hbm>>
      %dma_start3A_251 = tpu.memref_squeeze %dma_start3A_250 : memref<1x128xf32, #tpu.memory_space<hbm>> -> memref<128xf32, #tpu.memory_space<hbm>>
      tpu.enqueue_dma source(%dma_start3A_251 : memref<128xf32, #tpu.memory_space<hbm>>) target(%dma_start3A_248 : memref<128xf32, #tpu.memory_space<vmem>>) target_semaphore(%arg11 : memref<!tpu.dma_semaphore, #tpu.memory_space<semaphore_mem>>)
      %slice3A_252 = vector.extract_strided_slice %get3A_29 {offsets = [5], sizes = [1], strides = [1]} : vector<16xi32> to vector<1xi32>
      %squeeze3A_253 = vector.extract %slice3A_252[0] : i32 from vector<1xi32>
      %slice3A_254 = vector.extract_strided_slice %get3A_32 {offsets = [5], sizes = [1], strides = [1]} : vector<16xi32> to vector<1xi32>
      %squeeze3A_255 = vector.extract %slice3A_254[0] : i32 from vector<1xi32>
      %add3A_256 = arith.constant 5 : i32
      %add3A_257 = arith.addi %mul3A_27, %add3A_256 : i32
      %and3A_258 = arith.constant 1 : i32
      %and3A_259 = arith.andi %add3A_257, %and3A_258 : i32
      %mul3A_260 = arith.constant 64 : i32
      %mul3A_261 = arith.muli %and3A_259, %mul3A_260 : i32
      %shift_right_arithmetic3A_262 = arith.constant 3 : i32
      %shift_right_arithmetic3A_263 = arith.shrsi %squeeze3A_253, %shift_right_arithmetic3A_262 : i32
      %and3A_264 = arith.constant 7 : i32
      %and3A_265 = arith.andi %squeeze3A_253, %and3A_264 : i32
      %shift_right_arithmetic3A_266 = arith.constant 1 : i32
      %shift_right_arithmetic3A_267 = arith.shrsi %add3A_257, %shift_right_arithmetic3A_266 : i32
      %dma_start3A_268 = tpu.memref_slice %arg9[%shift_right_arithmetic3A_267, %mul3A_261] : memref<256x128xf32, #tpu.memory_space<vmem>> -> memref<1x64xf32, #tpu.memory_space<vmem>>
      %dma_start3A_269 = tpu.memref_squeeze %dma_start3A_268 : memref<1x64xf32, #tpu.memory_space<vmem>> -> memref<64xf32, #tpu.memory_space<vmem>>
      %dma_start3A_270 = arith.constant 0 : i32
      %dma_start3A_271 = tpu.memref_slice %arg2[%shift_right_arithmetic3A_263, %and3A_265, %dma_start3A_270] : memref<125000x8x64xf32, #tpu.memory_space<hbm>> -> memref<1x1x64xf32, #tpu.memory_space<hbm>>
      %dma_start3A_272 = tpu.memref_squeeze %dma_start3A_271 : memref<1x1x64xf32, #tpu.memory_space<hbm>> -> memref<64xf32, #tpu.memory_space<hbm>>
      %dma_start3A_273 = tpu.memref_slice %arg9[%shift_right_arithmetic3A_267, %mul3A_261] : memref<256x128xf32, #tpu.memory_space<vmem>> -> memref<1x64xf32, #tpu.memory_space<vmem>>
      %dma_start3A_274 = tpu.memref_squeeze %dma_start3A_273 : memref<1x64xf32, #tpu.memory_space<vmem>> -> memref<64xf32, #tpu.memory_space<vmem>>
      %dma_start3A_275 = arith.constant 0 : i32
      %dma_start3A_276 = tpu.memref_slice %arg2[%shift_right_arithmetic3A_263, %and3A_265, %dma_start3A_275] : memref<125000x8x64xf32, #tpu.memory_space<hbm>> -> memref<1x1x64xf32, #tpu.memory_space<hbm>>
      %dma_start3A_277 = tpu.memref_squeeze %dma_start3A_276 : memref<1x1x64xf32, #tpu.memory_space<hbm>> -> memref<64xf32, #tpu.memory_space<hbm>>
      tpu.enqueue_dma source(%dma_start3A_277 : memref<64xf32, #tpu.memory_space<hbm>>) target(%dma_start3A_274 : memref<64xf32, #tpu.memory_space<vmem>>) target_semaphore(%arg11 : memref<!tpu.dma_semaphore, #tpu.memory_space<semaphore_mem>>)
      %shift_right_arithmetic3A_278 = arith.constant 13 : i32
      %shift_right_arithmetic3A_279 = arith.shrsi %squeeze3A_255, %shift_right_arithmetic3A_278 : i32
      %shift_left3A_280 = arith.constant 12 : i32
      %shift_left3A_281 = arith.shli %shift_right_arithmetic3A_279, %shift_left3A_280 : i32
      %and3A_282 = arith.constant 4095 : i32
      %and3A_283 = arith.andi %squeeze3A_255, %and3A_282 : i32
      %add3A_284 = arith.addi %shift_left3A_281, %and3A_283 : i32
      %dma_start3A_285 = arith.constant 0 : i32
      %dma_start3A_286 = tpu.memref_slice %arg10[%add3A_257, %dma_start3A_285] : memref<512x128xf32, #tpu.memory_space<vmem>> -> memref<1x128xf32, #tpu.memory_space<vmem>>
      %dma_start3A_287 = tpu.memref_squeeze %dma_start3A_286 : memref<1x128xf32, #tpu.memory_space<vmem>> -> memref<128xf32, #tpu.memory_space<vmem>>
      %dma_start3A_288 = arith.constant 0 : i32
      %dma_start3A_289 = tpu.memref_slice %arg3[%add3A_284, %dma_start3A_288] : memref<503808x128xf32, #tpu.memory_space<hbm>> -> memref<1x128xf32, #tpu.memory_space<hbm>>
      %dma_start3A_290 = tpu.memref_squeeze %dma_start3A_289 : memref<1x128xf32, #tpu.memory_space<hbm>> -> memref<128xf32, #tpu.memory_space<hbm>>
      %dma_start3A_291 = arith.constant 0 : i32
      %dma_start3A_292 = tpu.memref_slice %arg10[%add3A_257, %dma_start3A_291] : memref<512x128xf32, #tpu.memory_space<vmem>> -> memref<1x128xf32, #tpu.memory_space<vmem>>
      %dma_start3A_293 = tpu.memref_squeeze %dma_start3A_292 : memref<1x128xf32, #tpu.memory_space<vmem>> -> memref<128xf32, #tpu.memory_space<vmem>>
      %dma_start3A_294 = arith.constant 0 : i32
      %dma_start3A_295 = tpu.memref_slice %arg3[%add3A_284, %dma_start3A_294] : memref<503808x128xf32, #tpu.memory_space<hbm>> -> memref<1x128xf32, #tpu.memory_space<hbm>>
      %dma_start3A_296 = tpu.memref_squeeze %dma_start3A_295 : memref<1x128xf32, #tpu.memory_space<hbm>> -> memref<128xf32, #tpu.memory_space<hbm>>
      tpu.enqueue_dma source(%dma_start3A_296 : memref<128xf32, #tpu.memory_space<hbm>>) target(%dma_start3A_293 : memref<128xf32, #tpu.memory_space<vmem>>) target_semaphore(%arg11 : memref<!tpu.dma_semaphore, #tpu.memory_space<semaphore_mem>>)
      %slice3A_297 = vector.extract_strided_slice %get3A_29 {offsets = [6], sizes = [1], strides = [1]} : vector<16xi32> to vector<1xi32>
      %squeeze3A_298 = vector.extract %slice3A_297[0] : i32 from vector<1xi32>
      %slice3A_299 = vector.extract_strided_slice %get3A_32 {offsets = [6], sizes = [1], strides = [1]} : vector<16xi32> to vector<1xi32>
      %squeeze3A_300 = vector.extract %slice3A_299[0] : i32 from vector<1xi32>
      %add3A_301 = arith.constant 6 : i32
      %add3A_302 = arith.addi %mul3A_27, %add3A_301 : i32
      %and3A_303 = arith.constant 1 : i32
      %and3A_304 = arith.andi %add3A_302, %and3A_303 : i32
      %mul3A_305 = arith.constant 64 : i32
      %mul3A_306 = arith.muli %and3A_304, %mul3A_305 : i32
      %shift_right_arithmetic3A_307 = arith.constant 3 : i32
      %shift_right_arithmetic3A_308 = arith.shrsi %squeeze3A_298, %shift_right_arithmetic3A_307 : i32
      %and3A_309 = arith.constant 7 : i32
      %and3A_310 = arith.andi %squeeze3A_298, %and3A_309 : i32
      %shift_right_arithmetic3A_311 = arith.constant 1 : i32
      %shift_right_arithmetic3A_312 = arith.shrsi %add3A_302, %shift_right_arithmetic3A_311 : i32
      %dma_start3A_313 = tpu.memref_slice %arg9[%shift_right_arithmetic3A_312, %mul3A_306] : memref<256x128xf32, #tpu.memory_space<vmem>> -> memref<1x64xf32, #tpu.memory_space<vmem>>
      %dma_start3A_314 = tpu.memref_squeeze %dma_start3A_313 : memref<1x64xf32, #tpu.memory_space<vmem>> -> memref<64xf32, #tpu.memory_space<vmem>>
      %dma_start3A_315 = arith.constant 0 : i32
      %dma_start3A_316 = tpu.memref_slice %arg2[%shift_right_arithmetic3A_308, %and3A_310, %dma_start3A_315] : memref<125000x8x64xf32, #tpu.memory_space<hbm>> -> memref<1x1x64xf32, #tpu.memory_space<hbm>>
      %dma_start3A_317 = tpu.memref_squeeze %dma_start3A_316 : memref<1x1x64xf32, #tpu.memory_space<hbm>> -> memref<64xf32, #tpu.memory_space<hbm>>
      %dma_start3A_318 = tpu.memref_slice %arg9[%shift_right_arithmetic3A_312, %mul3A_306] : memref<256x128xf32, #tpu.memory_space<vmem>> -> memref<1x64xf32, #tpu.memory_space<vmem>>
      %dma_start3A_319 = tpu.memref_squeeze %dma_start3A_318 : memref<1x64xf32, #tpu.memory_space<vmem>> -> memref<64xf32, #tpu.memory_space<vmem>>
      %dma_start3A_320 = arith.constant 0 : i32
      %dma_start3A_321 = tpu.memref_slice %arg2[%shift_right_arithmetic3A_308, %and3A_310, %dma_start3A_320] : memref<125000x8x64xf32, #tpu.memory_space<hbm>> -> memref<1x1x64xf32, #tpu.memory_space<hbm>>
      %dma_start3A_322 = tpu.memref_squeeze %dma_start3A_321 : memref<1x1x64xf32, #tpu.memory_space<hbm>> -> memref<64xf32, #tpu.memory_space<hbm>>
      tpu.enqueue_dma source(%dma_start3A_322 : memref<64xf32, #tpu.memory_space<hbm>>) target(%dma_start3A_319 : memref<64xf32, #tpu.memory_space<vmem>>) target_semaphore(%arg11 : memref<!tpu.dma_semaphore, #tpu.memory_space<semaphore_mem>>)
      %shift_right_arithmetic3A_323 = arith.constant 13 : i32
      %shift_right_arithmetic3A_324 = arith.shrsi %squeeze3A_300, %shift_right_arithmetic3A_323 : i32
      %shift_left3A_325 = arith.constant 12 : i32
      %shift_left3A_326 = arith.shli %shift_right_arithmetic3A_324, %shift_left3A_325 : i32
      %and3A_327 = arith.constant 4095 : i32
      %and3A_328 = arith.andi %squeeze3A_300, %and3A_327 : i32
      %add3A_329 = arith.addi %shift_left3A_326, %and3A_328 : i32
      %dma_start3A_330 = arith.constant 0 : i32
      %dma_start3A_331 = tpu.memref_slice %arg10[%add3A_302, %dma_start3A_330] : memref<512x128xf32, #tpu.memory_space<vmem>> -> memref<1x128xf32, #tpu.memory_space<vmem>>
      %dma_start3A_332 = tpu.memref_squeeze %dma_start3A_331 : memref<1x128xf32, #tpu.memory_space<vmem>> -> memref<128xf32, #tpu.memory_space<vmem>>
      %dma_start3A_333 = arith.constant 0 : i32
      %dma_start3A_334 = tpu.memref_slice %arg3[%add3A_329, %dma_start3A_333] : memref<503808x128xf32, #tpu.memory_space<hbm>> -> memref<1x128xf32, #tpu.memory_space<hbm>>
      %dma_start3A_335 = tpu.memref_squeeze %dma_start3A_334 : memref<1x128xf32, #tpu.memory_space<hbm>> -> memref<128xf32, #tpu.memory_space<hbm>>
      %dma_start3A_336 = arith.constant 0 : i32
      %dma_start3A_337 = tpu.memref_slice %arg10[%add3A_302, %dma_start3A_336] : memref<512x128xf32, #tpu.memory_space<vmem>> -> memref<1x128xf32, #tpu.memory_space<vmem>>
      %dma_start3A_338 = tpu.memref_squeeze %dma_start3A_337 : memref<1x128xf32, #tpu.memory_space<vmem>> -> memref<128xf32, #tpu.memory_space<vmem>>
      %dma_start3A_339 = arith.constant 0 : i32
      %dma_start3A_340 = tpu.memref_slice %arg3[%add3A_329, %dma_start3A_339] : memref<503808x128xf32, #tpu.memory_space<hbm>> -> memref<1x128xf32, #tpu.memory_space<hbm>>
      %dma_start3A_341 = tpu.memref_squeeze %dma_start3A_340 : memref<1x128xf32, #tpu.memory_space<hbm>> -> memref<128xf32, #tpu.memory_space<hbm>>
      tpu.enqueue_dma source(%dma_start3A_341 : memref<128xf32, #tpu.memory_space<hbm>>) target(%dma_start3A_338 : memref<128xf32, #tpu.memory_space<vmem>>) target_semaphore(%arg11 : memref<!tpu.dma_semaphore, #tpu.memory_space<semaphore_mem>>)
      %slice3A_342 = vector.extract_strided_slice %get3A_29 {offsets = [7], sizes = [1], strides = [1]} : vector<16xi32> to vector<1xi32>
      %squeeze3A_343 = vector.extract %slice3A_342[0] : i32 from vector<1xi32>
      %slice3A_344 = vector.extract_strided_slice %get3A_32 {offsets = [7], sizes = [1], strides = [1]} : vector<16xi32> to vector<1xi32>
      %squeeze3A_345 = vector.extract %slice3A_344[0] : i32 from vector<1xi32>
      %add3A_346 = arith.constant 7 : i32
      %add3A_347 = arith.addi %mul3A_27, %add3A_346 : i32
      %and3A_348 = arith.constant 1 : i32
      %and3A_349 = arith.andi %add3A_347, %and3A_348 : i32
      %mul3A_350 = arith.constant 64 : i32
      %mul3A_351 = arith.muli %and3A_349, %mul3A_350 : i32
      %shift_right_arithmetic3A_352 = arith.constant 3 : i32
      %shift_right_arithmetic3A_353 = arith.shrsi %squeeze3A_343, %shift_right_arithmetic3A_352 : i32
      %and3A_354 = arith.constant 7 : i32
      %and3A_355 = arith.andi %squeeze3A_343, %and3A_354 : i32
      %shift_right_arithmetic3A_356 = arith.constant 1 : i32
      %shift_right_arithmetic3A_357 = arith.shrsi %add3A_347, %shift_right_arithmetic3A_356 : i32
      %dma_start3A_358 = tpu.memref_slice %arg9[%shift_right_arithmetic3A_357, %mul3A_351] : memref<256x128xf32, #tpu.memory_space<vmem>> -> memref<1x64xf32, #tpu.memory_space<vmem>>
      %dma_start3A_359 = tpu.memref_squeeze %dma_start3A_358 : memref<1x64xf32, #tpu.memory_space<vmem>> -> memref<64xf32, #tpu.memory_space<vmem>>
      %dma_start3A_360 = arith.constant 0 : i32
      %dma_start3A_361 = tpu.memref_slice %arg2[%shift_right_arithmetic3A_353, %and3A_355, %dma_start3A_360] : memref<125000x8x64xf32, #tpu.memory_space<hbm>> -> memref<1x1x64xf32, #tpu.memory_space<hbm>>
      %dma_start3A_362 = tpu.memref_squeeze %dma_start3A_361 : memref<1x1x64xf32, #tpu.memory_space<hbm>> -> memref<64xf32, #tpu.memory_space<hbm>>
      %dma_start3A_363 = tpu.memref_slice %arg9[%shift_right_arithmetic3A_357, %mul3A_351] : memref<256x128xf32, #tpu.memory_space<vmem>> -> memref<1x64xf32, #tpu.memory_space<vmem>>
      %dma_start3A_364 = tpu.memref_squeeze %dma_start3A_363 : memref<1x64xf32, #tpu.memory_space<vmem>> -> memref<64xf32, #tpu.memory_space<vmem>>
      %dma_start3A_365 = arith.constant 0 : i32
      %dma_start3A_366 = tpu.memref_slice %arg2[%shift_right_arithmetic3A_353, %and3A_355, %dma_start3A_365] : memref<125000x8x64xf32, #tpu.memory_space<hbm>> -> memref<1x1x64xf32, #tpu.memory_space<hbm>>
      %dma_start3A_367 = tpu.memref_squeeze %dma_start3A_366 : memref<1x1x64xf32, #tpu.memory_space<hbm>> -> memref<64xf32, #tpu.memory_space<hbm>>
      tpu.enqueue_dma source(%dma_start3A_367 : memref<64xf32, #tpu.memory_space<hbm>>) target(%dma_start3A_364 : memref<64xf32, #tpu.memory_space<vmem>>) target_semaphore(%arg11 : memref<!tpu.dma_semaphore, #tpu.memory_space<semaphore_mem>>)
      %shift_right_arithmetic3A_368 = arith.constant 13 : i32
      %shift_right_arithmetic3A_369 = arith.shrsi %squeeze3A_345, %shift_right_arithmetic3A_368 : i32
      %shift_left3A_370 = arith.constant 12 : i32
      %shift_left3A_371 = arith.shli %shift_right_arithmetic3A_369, %shift_left3A_370 : i32
      %and3A_372 = arith.constant 4095 : i32
      %and3A_373 = arith.andi %squeeze3A_345, %and3A_372 : i32
      %add3A_374 = arith.addi %shift_left3A_371, %and3A_373 : i32
      %dma_start3A_375 = arith.constant 0 : i32
      %dma_start3A_376 = tpu.memref_slice %arg10[%add3A_347, %dma_start3A_375] : memref<512x128xf32, #tpu.memory_space<vmem>> -> memref<1x128xf32, #tpu.memory_space<vmem>>
      %dma_start3A_377 = tpu.memref_squeeze %dma_start3A_376 : memref<1x128xf32, #tpu.memory_space<vmem>> -> memref<128xf32, #tpu.memory_space<vmem>>
      %dma_start3A_378 = arith.constant 0 : i32
      %dma_start3A_379 = tpu.memref_slice %arg3[%add3A_374, %dma_start3A_378] : memref<503808x128xf32, #tpu.memory_space<hbm>> -> memref<1x128xf32, #tpu.memory_space<hbm>>
      %dma_start3A_380 = tpu.memref_squeeze %dma_start3A_379 : memref<1x128xf32, #tpu.memory_space<hbm>> -> memref<128xf32, #tpu.memory_space<hbm>>
      %dma_start3A_381 = arith.constant 0 : i32
      %dma_start3A_382 = tpu.memref_slice %arg10[%add3A_347, %dma_start3A_381] : memref<512x128xf32, #tpu.memory_space<vmem>> -> memref<1x128xf32, #tpu.memory_space<vmem>>
      %dma_start3A_383 = tpu.memref_squeeze %dma_start3A_382 : memref<1x128xf32, #tpu.memory_space<vmem>> -> memref<128xf32, #tpu.memory_space<vmem>>
      %dma_start3A_384 = arith.constant 0 : i32
      %dma_start3A_385 = tpu.memref_slice %arg3[%add3A_374, %dma_start3A_384] : memref<503808x128xf32, #tpu.memory_space<hbm>> -> memref<1x128xf32, #tpu.memory_space<hbm>>
      %dma_start3A_386 = tpu.memref_squeeze %dma_start3A_385 : memref<1x128xf32, #tpu.memory_space<hbm>> -> memref<128xf32, #tpu.memory_space<hbm>>
      tpu.enqueue_dma source(%dma_start3A_386 : memref<128xf32, #tpu.memory_space<hbm>>) target(%dma_start3A_383 : memref<128xf32, #tpu.memory_space<vmem>>) target_semaphore(%arg11 : memref<!tpu.dma_semaphore, #tpu.memory_space<semaphore_mem>>)
      %slice3A_387 = vector.extract_strided_slice %get3A_29 {offsets = [8], sizes = [1], strides = [1]} : vector<16xi32> to vector<1xi32>
      %squeeze3A_388 = vector.extract %slice3A_387[0] : i32 from vector<1xi32>
      %slice3A_389 = vector.extract_strided_slice %get3A_32 {offsets = [8], sizes = [1], strides = [1]} : vector<16xi32> to vector<1xi32>
      %squeeze3A_390 = vector.extract %slice3A_389[0] : i32 from vector<1xi32>
      %add3A_391 = arith.constant 8 : i32
      %add3A_392 = arith.addi %mul3A_27, %add3A_391 : i32
      %and3A_393 = arith.constant 1 : i32
      %and3A_394 = arith.andi %add3A_392, %and3A_393 : i32
      %mul3A_395 = arith.constant 64 : i32
      %mul3A_396 = arith.muli %and3A_394, %mul3A_395 : i32
      %shift_right_arithmetic3A_397 = arith.constant 3 : i32
      %shift_right_arithmetic3A_398 = arith.shrsi %squeeze3A_388, %shift_right_arithmetic3A_397 : i32
      %and3A_399 = arith.constant 7 : i32
      %and3A_400 = arith.andi %squeeze3A_388, %and3A_399 : i32
      %shift_right_arithmetic3A_401 = arith.constant 1 : i32
      %shift_right_arithmetic3A_402 = arith.shrsi %add3A_392, %shift_right_arithmetic3A_401 : i32
      %dma_start3A_403 = tpu.memref_slice %arg9[%shift_right_arithmetic3A_402, %mul3A_396] : memref<256x128xf32, #tpu.memory_space<vmem>> -> memref<1x64xf32, #tpu.memory_space<vmem>>
      %dma_start3A_404 = tpu.memref_squeeze %dma_start3A_403 : memref<1x64xf32, #tpu.memory_space<vmem>> -> memref<64xf32, #tpu.memory_space<vmem>>
      %dma_start3A_405 = arith.constant 0 : i32
      %dma_start3A_406 = tpu.memref_slice %arg2[%shift_right_arithmetic3A_398, %and3A_400, %dma_start3A_405] : memref<125000x8x64xf32, #tpu.memory_space<hbm>> -> memref<1x1x64xf32, #tpu.memory_space<hbm>>
      %dma_start3A_407 = tpu.memref_squeeze %dma_start3A_406 : memref<1x1x64xf32, #tpu.memory_space<hbm>> -> memref<64xf32, #tpu.memory_space<hbm>>
      %dma_start3A_408 = tpu.memref_slice %arg9[%shift_right_arithmetic3A_402, %mul3A_396] : memref<256x128xf32, #tpu.memory_space<vmem>> -> memref<1x64xf32, #tpu.memory_space<vmem>>
      %dma_start3A_409 = tpu.memref_squeeze %dma_start3A_408 : memref<1x64xf32, #tpu.memory_space<vmem>> -> memref<64xf32, #tpu.memory_space<vmem>>
      %dma_start3A_410 = arith.constant 0 : i32
      %dma_start3A_411 = tpu.memref_slice %arg2[%shift_right_arithmetic3A_398, %and3A_400, %dma_start3A_410] : memref<125000x8x64xf32, #tpu.memory_space<hbm>> -> memref<1x1x64xf32, #tpu.memory_space<hbm>>
      %dma_start3A_412 = tpu.memref_squeeze %dma_start3A_411 : memref<1x1x64xf32, #tpu.memory_space<hbm>> -> memref<64xf32, #tpu.memory_space<hbm>>
      tpu.enqueue_dma source(%dma_start3A_412 : memref<64xf32, #tpu.memory_space<hbm>>) target(%dma_start3A_409 : memref<64xf32, #tpu.memory_space<vmem>>) target_semaphore(%arg11 : memref<!tpu.dma_semaphore, #tpu.memory_space<semaphore_mem>>)
      %shift_right_arithmetic3A_413 = arith.constant 13 : i32
      %shift_right_arithmetic3A_414 = arith.shrsi %squeeze3A_390, %shift_right_arithmetic3A_413 : i32
      %shift_left3A_415 = arith.constant 12 : i32
      %shift_left3A_416 = arith.shli %shift_right_arithmetic3A_414, %shift_left3A_415 : i32
      %and3A_417 = arith.constant 4095 : i32
      %and3A_418 = arith.andi %squeeze3A_390, %and3A_417 : i32
      %add3A_419 = arith.addi %shift_left3A_416, %and3A_418 : i32
      %dma_start3A_420 = arith.constant 0 : i32
      %dma_start3A_421 = tpu.memref_slice %arg10[%add3A_392, %dma_start3A_420] : memref<512x128xf32, #tpu.memory_space<vmem>> -> memref<1x128xf32, #tpu.memory_space<vmem>>
      %dma_start3A_422 = tpu.memref_squeeze %dma_start3A_421 : memref<1x128xf32, #tpu.memory_space<vmem>> -> memref<128xf32, #tpu.memory_space<vmem>>
      %dma_start3A_423 = arith.constant 0 : i32
      %dma_start3A_424 = tpu.memref_slice %arg3[%add3A_419, %dma_start3A_423] : memref<503808x128xf32, #tpu.memory_space<hbm>> -> memref<1x128xf32, #tpu.memory_space<hbm>>
      %dma_start3A_425 = tpu.memref_squeeze %dma_start3A_424 : memref<1x128xf32, #tpu.memory_space<hbm>> -> memref<128xf32, #tpu.memory_space<hbm>>
      %dma_start3A_426 = arith.constant 0 : i32
      %dma_start3A_427 = tpu.memref_slice %arg10[%add3A_392, %dma_start3A_426] : memref<512x128xf32, #tpu.memory_space<vmem>> -> memref<1x128xf32, #tpu.memory_space<vmem>>
      %dma_start3A_428 = tpu.memref_squeeze %dma_start3A_427 : memref<1x128xf32, #tpu.memory_space<vmem>> -> memref<128xf32, #tpu.memory_space<vmem>>
      %dma_start3A_429 = arith.constant 0 : i32
      %dma_start3A_430 = tpu.memref_slice %arg3[%add3A_419, %dma_start3A_429] : memref<503808x128xf32, #tpu.memory_space<hbm>> -> memref<1x128xf32, #tpu.memory_space<hbm>>
      %dma_start3A_431 = tpu.memref_squeeze %dma_start3A_430 : memref<1x128xf32, #tpu.memory_space<hbm>> -> memref<128xf32, #tpu.memory_space<hbm>>
      tpu.enqueue_dma source(%dma_start3A_431 : memref<128xf32, #tpu.memory_space<hbm>>) target(%dma_start3A_428 : memref<128xf32, #tpu.memory_space<vmem>>) target_semaphore(%arg11 : memref<!tpu.dma_semaphore, #tpu.memory_space<semaphore_mem>>)
      %slice3A_432 = vector.extract_strided_slice %get3A_29 {offsets = [9], sizes = [1], strides = [1]} : vector<16xi32> to vector<1xi32>
      %squeeze3A_433 = vector.extract %slice3A_432[0] : i32 from vector<1xi32>
      %slice3A_434 = vector.extract_strided_slice %get3A_32 {offsets = [9], sizes = [1], strides = [1]} : vector<16xi32> to vector<1xi32>
      %squeeze3A_435 = vector.extract %slice3A_434[0] : i32 from vector<1xi32>
      %add3A_436 = arith.constant 9 : i32
      %add3A_437 = arith.addi %mul3A_27, %add3A_436 : i32
      %and3A_438 = arith.constant 1 : i32
      %and3A_439 = arith.andi %add3A_437, %and3A_438 : i32
      %mul3A_440 = arith.constant 64 : i32
      %mul3A_441 = arith.muli %and3A_439, %mul3A_440 : i32
      %shift_right_arithmetic3A_442 = arith.constant 3 : i32
      %shift_right_arithmetic3A_443 = arith.shrsi %squeeze3A_433, %shift_right_arithmetic3A_442 : i32
      %and3A_444 = arith.constant 7 : i32
      %and3A_445 = arith.andi %squeeze3A_433, %and3A_444 : i32
      %shift_right_arithmetic3A_446 = arith.constant 1 : i32
      %shift_right_arithmetic3A_447 = arith.shrsi %add3A_437, %shift_right_arithmetic3A_446 : i32
      %dma_start3A_448 = tpu.memref_slice %arg9[%shift_right_arithmetic3A_447, %mul3A_441] : memref<256x128xf32, #tpu.memory_space<vmem>> -> memref<1x64xf32, #tpu.memory_space<vmem>>
      %dma_start3A_449 = tpu.memref_squeeze %dma_start3A_448 : memref<1x64xf32, #tpu.memory_space<vmem>> -> memref<64xf32, #tpu.memory_space<vmem>>
      %dma_start3A_450 = arith.constant 0 : i32
      %dma_start3A_451 = tpu.memref_slice %arg2[%shift_right_arithmetic3A_443, %and3A_445, %dma_start3A_450] : memref<125000x8x64xf32, #tpu.memory_space<hbm>> -> memref<1x1x64xf32, #tpu.memory_space<hbm>>
      %dma_start3A_452 = tpu.memref_squeeze %dma_start3A_451 : memref<1x1x64xf32, #tpu.memory_space<hbm>> -> memref<64xf32, #tpu.memory_space<hbm>>
      %dma_start3A_453 = tpu.memref_slice %arg9[%shift_right_arithmetic3A_447, %mul3A_441] : memref<256x128xf32, #tpu.memory_space<vmem>> -> memref<1x64xf32, #tpu.memory_space<vmem>>
      %dma_start3A_454 = tpu.memref_squeeze %dma_start3A_453 : memref<1x64xf32, #tpu.memory_space<vmem>> -> memref<64xf32, #tpu.memory_space<vmem>>
      %dma_start3A_455 = arith.constant 0 : i32
      %dma_start3A_456 = tpu.memref_slice %arg2[%shift_right_arithmetic3A_443, %and3A_445, %dma_start3A_455] : memref<125000x8x64xf32, #tpu.memory_space<hbm>> -> memref<1x1x64xf32, #tpu.memory_space<hbm>>
      %dma_start3A_457 = tpu.memref_squeeze %dma_start3A_456 : memref<1x1x64xf32, #tpu.memory_space<hbm>> -> memref<64xf32, #tpu.memory_space<hbm>>
      tpu.enqueue_dma source(%dma_start3A_457 : memref<64xf32, #tpu.memory_space<hbm>>) target(%dma_start3A_454 : memref<64xf32, #tpu.memory_space<vmem>>) target_semaphore(%arg11 : memref<!tpu.dma_semaphore, #tpu.memory_space<semaphore_mem>>)
      %shift_right_arithmetic3A_458 = arith.constant 13 : i32
      %shift_right_arithmetic3A_459 = arith.shrsi %squeeze3A_435, %shift_right_arithmetic3A_458 : i32
      %shift_left3A_460 = arith.constant 12 : i32
      %shift_left3A_461 = arith.shli %shift_right_arithmetic3A_459, %shift_left3A_460 : i32
      %and3A_462 = arith.constant 4095 : i32
      %and3A_463 = arith.andi %squeeze3A_435, %and3A_462 : i32
      %add3A_464 = arith.addi %shift_left3A_461, %and3A_463 : i32
      %dma_start3A_465 = arith.constant 0 : i32
      %dma_start3A_466 = tpu.memref_slice %arg10[%add3A_437, %dma_start3A_465] : memref<512x128xf32, #tpu.memory_space<vmem>> -> memref<1x128xf32, #tpu.memory_space<vmem>>
      %dma_start3A_467 = tpu.memref_squeeze %dma_start3A_466 : memref<1x128xf32, #tpu.memory_space<vmem>> -> memref<128xf32, #tpu.memory_space<vmem>>
      %dma_start3A_468 = arith.constant 0 : i32
      %dma_start3A_469 = tpu.memref_slice %arg3[%add3A_464, %dma_start3A_468] : memref<503808x128xf32, #tpu.memory_space<hbm>> -> memref<1x128xf32, #tpu.memory_space<hbm>>
      %dma_start3A_470 = tpu.memref_squeeze %dma_start3A_469 : memref<1x128xf32, #tpu.memory_space<hbm>> -> memref<128xf32, #tpu.memory_space<hbm>>
      %dma_start3A_471 = arith.constant 0 : i32
      %dma_start3A_472 = tpu.memref_slice %arg10[%add3A_437, %dma_start3A_471] : memref<512x128xf32, #tpu.memory_space<vmem>> -> memref<1x128xf32, #tpu.memory_space<vmem>>
      %dma_start3A_473 = tpu.memref_squeeze %dma_start3A_472 : memref<1x128xf32, #tpu.memory_space<vmem>> -> memref<128xf32, #tpu.memory_space<vmem>>
      %dma_start3A_474 = arith.constant 0 : i32
      %dma_start3A_475 = tpu.memref_slice %arg3[%add3A_464, %dma_start3A_474] : memref<503808x128xf32, #tpu.memory_space<hbm>> -> memref<1x128xf32, #tpu.memory_space<hbm>>
      %dma_start3A_476 = tpu.memref_squeeze %dma_start3A_475 : memref<1x128xf32, #tpu.memory_space<hbm>> -> memref<128xf32, #tpu.memory_space<hbm>>
      tpu.enqueue_dma source(%dma_start3A_476 : memref<128xf32, #tpu.memory_space<hbm>>) target(%dma_start3A_473 : memref<128xf32, #tpu.memory_space<vmem>>) target_semaphore(%arg11 : memref<!tpu.dma_semaphore, #tpu.memory_space<semaphore_mem>>)
      %slice3A_477 = vector.extract_strided_slice %get3A_29 {offsets = [10], sizes = [1], strides = [1]} : vector<16xi32> to vector<1xi32>
      %squeeze3A_478 = vector.extract %slice3A_477[0] : i32 from vector<1xi32>
      %slice3A_479 = vector.extract_strided_slice %get3A_32 {offsets = [10], sizes = [1], strides = [1]} : vector<16xi32> to vector<1xi32>
      %squeeze3A_480 = vector.extract %slice3A_479[0] : i32 from vector<1xi32>
      %add3A_481 = arith.constant 10 : i32
      %add3A_482 = arith.addi %mul3A_27, %add3A_481 : i32
      %and3A_483 = arith.constant 1 : i32
      %and3A_484 = arith.andi %add3A_482, %and3A_483 : i32
      %mul3A_485 = arith.constant 64 : i32
      %mul3A_486 = arith.muli %and3A_484, %mul3A_485 : i32
      %shift_right_arithmetic3A_487 = arith.constant 3 : i32
      %shift_right_arithmetic3A_488 = arith.shrsi %squeeze3A_478, %shift_right_arithmetic3A_487 : i32
      %and3A_489 = arith.constant 7 : i32
      %and3A_490 = arith.andi %squeeze3A_478, %and3A_489 : i32
      %shift_right_arithmetic3A_491 = arith.constant 1 : i32
      %shift_right_arithmetic3A_492 = arith.shrsi %add3A_482, %shift_right_arithmetic3A_491 : i32
      %dma_start3A_493 = tpu.memref_slice %arg9[%shift_right_arithmetic3A_492, %mul3A_486] : memref<256x128xf32, #tpu.memory_space<vmem>> -> memref<1x64xf32, #tpu.memory_space<vmem>>
      %dma_start3A_494 = tpu.memref_squeeze %dma_start3A_493 : memref<1x64xf32, #tpu.memory_space<vmem>> -> memref<64xf32, #tpu.memory_space<vmem>>
      %dma_start3A_495 = arith.constant 0 : i32
      %dma_start3A_496 = tpu.memref_slice %arg2[%shift_right_arithmetic3A_488, %and3A_490, %dma_start3A_495] : memref<125000x8x64xf32, #tpu.memory_space<hbm>> -> memref<1x1x64xf32, #tpu.memory_space<hbm>>
      %dma_start3A_497 = tpu.memref_squeeze %dma_start3A_496 : memref<1x1x64xf32, #tpu.memory_space<hbm>> -> memref<64xf32, #tpu.memory_space<hbm>>
      %dma_start3A_498 = tpu.memref_slice %arg9[%shift_right_arithmetic3A_492, %mul3A_486] : memref<256x128xf32, #tpu.memory_space<vmem>> -> memref<1x64xf32, #tpu.memory_space<vmem>>
      %dma_start3A_499 = tpu.memref_squeeze %dma_start3A_498 : memref<1x64xf32, #tpu.memory_space<vmem>> -> memref<64xf32, #tpu.memory_space<vmem>>
      %dma_start3A_500 = arith.constant 0 : i32
      %dma_start3A_501 = tpu.memref_slice %arg2[%shift_right_arithmetic3A_488, %and3A_490, %dma_start3A_500] : memref<125000x8x64xf32, #tpu.memory_space<hbm>> -> memref<1x1x64xf32, #tpu.memory_space<hbm>>
      %dma_start3A_502 = tpu.memref_squeeze %dma_start3A_501 : memref<1x1x64xf32, #tpu.memory_space<hbm>> -> memref<64xf32, #tpu.memory_space<hbm>>
      tpu.enqueue_dma source(%dma_start3A_502 : memref<64xf32, #tpu.memory_space<hbm>>) target(%dma_start3A_499 : memref<64xf32, #tpu.memory_space<vmem>>) target_semaphore(%arg11 : memref<!tpu.dma_semaphore, #tpu.memory_space<semaphore_mem>>)
      %shift_right_arithmetic3A_503 = arith.constant 13 : i32
      %shift_right_arithmetic3A_504 = arith.shrsi %squeeze3A_480, %shift_right_arithmetic3A_503 : i32
      %shift_left3A_505 = arith.constant 12 : i32
      %shift_left3A_506 = arith.shli %shift_right_arithmetic3A_504, %shift_left3A_505 : i32
      %and3A_507 = arith.constant 4095 : i32
      %and3A_508 = arith.andi %squeeze3A_480, %and3A_507 : i32
      %add3A_509 = arith.addi %shift_left3A_506, %and3A_508 : i32
      %dma_start3A_510 = arith.constant 0 : i32
      %dma_start3A_511 = tpu.memref_slice %arg10[%add3A_482, %dma_start3A_510] : memref<512x128xf32, #tpu.memory_space<vmem>> -> memref<1x128xf32, #tpu.memory_space<vmem>>
      %dma_start3A_512 = tpu.memref_squeeze %dma_start3A_511 : memref<1x128xf32, #tpu.memory_space<vmem>> -> memref<128xf32, #tpu.memory_space<vmem>>
      %dma_start3A_513 = arith.constant 0 : i32
      %dma_start3A_514 = tpu.memref_slice %arg3[%add3A_509, %dma_start3A_513] : memref<503808x128xf32, #tpu.memory_space<hbm>> -> memref<1x128xf32, #tpu.memory_space<hbm>>
      %dma_start3A_515 = tpu.memref_squeeze %dma_start3A_514 : memref<1x128xf32, #tpu.memory_space<hbm>> -> memref<128xf32, #tpu.memory_space<hbm>>
      %dma_start3A_516 = arith.constant 0 : i32
      %dma_start3A_517 = tpu.memref_slice %arg10[%add3A_482, %dma_start3A_516] : memref<512x128xf32, #tpu.memory_space<vmem>> -> memref<1x128xf32, #tpu.memory_space<vmem>>
      %dma_start3A_518 = tpu.memref_squeeze %dma_start3A_517 : memref<1x128xf32, #tpu.memory_space<vmem>> -> memref<128xf32, #tpu.memory_space<vmem>>
      %dma_start3A_519 = arith.constant 0 : i32
      %dma_start3A_520 = tpu.memref_slice %arg3[%add3A_509, %dma_start3A_519] : memref<503808x128xf32, #tpu.memory_space<hbm>> -> memref<1x128xf32, #tpu.memory_space<hbm>>
      %dma_start3A_521 = tpu.memref_squeeze %dma_start3A_520 : memref<1x128xf32, #tpu.memory_space<hbm>> -> memref<128xf32, #tpu.memory_space<hbm>>
      tpu.enqueue_dma source(%dma_start3A_521 : memref<128xf32, #tpu.memory_space<hbm>>) target(%dma_start3A_518 : memref<128xf32, #tpu.memory_space<vmem>>) target_semaphore(%arg11 : memref<!tpu.dma_semaphore, #tpu.memory_space<semaphore_mem>>)
      %slice3A_522 = vector.extract_strided_slice %get3A_29 {offsets = [11], sizes = [1], strides = [1]} : vector<16xi32> to vector<1xi32>
      %squeeze3A_523 = vector.extract %slice3A_522[0] : i32 from vector<1xi32>
      %slice3A_524 = vector.extract_strided_slice %get3A_32 {offsets = [11], sizes = [1], strides = [1]} : vector<16xi32> to vector<1xi32>
      %squeeze3A_525 = vector.extract %slice3A_524[0] : i32 from vector<1xi32>
      %add3A_526 = arith.constant 11 : i32
      %add3A_527 = arith.addi %mul3A_27, %add3A_526 : i32
      %and3A_528 = arith.constant 1 : i32
      %and3A_529 = arith.andi %add3A_527, %and3A_528 : i32
      %mul3A_530 = arith.constant 64 : i32
      %mul3A_531 = arith.muli %and3A_529, %mul3A_530 : i32
      %shift_right_arithmetic3A_532 = arith.constant 3 : i32
      %shift_right_arithmetic3A_533 = arith.shrsi %squeeze3A_523, %shift_right_arithmetic3A_532 : i32
      %and3A_534 = arith.constant 7 : i32
      %and3A_535 = arith.andi %squeeze3A_523, %and3A_534 : i32
      %shift_right_arithmetic3A_536 = arith.constant 1 : i32
      %shift_right_arithmetic3A_537 = arith.shrsi %add3A_527, %shift_right_arithmetic3A_536 : i32
      %dma_start3A_538 = tpu.memref_slice %arg9[%shift_right_arithmetic3A_537, %mul3A_531] : memref<256x128xf32, #tpu.memory_space<vmem>> -> memref<1x64xf32, #tpu.memory_space<vmem>>
      %dma_start3A_539 = tpu.memref_squeeze %dma_start3A_538 : memref<1x64xf32, #tpu.memory_space<vmem>> -> memref<64xf32, #tpu.memory_space<vmem>>
      %dma_start3A_540 = arith.constant 0 : i32
      %dma_start3A_541 = tpu.memref_slice %arg2[%shift_right_arithmetic3A_533, %and3A_535, %dma_start3A_540] : memref<125000x8x64xf32, #tpu.memory_space<hbm>> -> memref<1x1x64xf32, #tpu.memory_space<hbm>>
      %dma_start3A_542 = tpu.memref_squeeze %dma_start3A_541 : memref<1x1x64xf32, #tpu.memory_space<hbm>> -> memref<64xf32, #tpu.memory_space<hbm>>
      %dma_start3A_543 = tpu.memref_slice %arg9[%shift_right_arithmetic3A_537, %mul3A_531] : memref<256x128xf32, #tpu.memory_space<vmem>> -> memref<1x64xf32, #tpu.memory_space<vmem>>
      %dma_start3A_544 = tpu.memref_squeeze %dma_start3A_543 : memref<1x64xf32, #tpu.memory_space<vmem>> -> memref<64xf32, #tpu.memory_space<vmem>>
      %dma_start3A_545 = arith.constant 0 : i32
      %dma_start3A_546 = tpu.memref_slice %arg2[%shift_right_arithmetic3A_533, %and3A_535, %dma_start3A_545] : memref<125000x8x64xf32, #tpu.memory_space<hbm>> -> memref<1x1x64xf32, #tpu.memory_space<hbm>>
      %dma_start3A_547 = tpu.memref_squeeze %dma_start3A_546 : memref<1x1x64xf32, #tpu.memory_space<hbm>> -> memref<64xf32, #tpu.memory_space<hbm>>
      tpu.enqueue_dma source(%dma_start3A_547 : memref<64xf32, #tpu.memory_space<hbm>>) target(%dma_start3A_544 : memref<64xf32, #tpu.memory_space<vmem>>) target_semaphore(%arg11 : memref<!tpu.dma_semaphore, #tpu.memory_space<semaphore_mem>>)
      %shift_right_arithmetic3A_548 = arith.constant 13 : i32
      %shift_right_arithmetic3A_549 = arith.shrsi %squeeze3A_525, %shift_right_arithmetic3A_548 : i32
      %shift_left3A_550 = arith.constant 12 : i32
      %shift_left3A_551 = arith.shli %shift_right_arithmetic3A_549, %shift_left3A_550 : i32
      %and3A_552 = arith.constant 4095 : i32
      %and3A_553 = arith.andi %squeeze3A_525, %and3A_552 : i32
      %add3A_554 = arith.addi %shift_left3A_551, %and3A_553 : i32
      %dma_start3A_555 = arith.constant 0 : i32
      %dma_start3A_556 = tpu.memref_slice %arg10[%add3A_527, %dma_start3A_555] : memref<512x128xf32, #tpu.memory_space<vmem>> -> memref<1x128xf32, #tpu.memory_space<vmem>>
      %dma_start3A_557 = tpu.memref_squeeze %dma_start3A_556 : memref<1x128xf32, #tpu.memory_space<vmem>> -> memref<128xf32, #tpu.memory_space<vmem>>
      %dma_start3A_558 = arith.constant 0 : i32
      %dma_start3A_559 = tpu.memref_slice %arg3[%add3A_554, %dma_start3A_558] : memref<503808x128xf32, #tpu.memory_space<hbm>> -> memref<1x128xf32, #tpu.memory_space<hbm>>
      %dma_start3A_560 = tpu.memref_squeeze %dma_start3A_559 : memref<1x128xf32, #tpu.memory_space<hbm>> -> memref<128xf32, #tpu.memory_space<hbm>>
      %dma_start3A_561 = arith.constant 0 : i32
      %dma_start3A_562 = tpu.memref_slice %arg10[%add3A_527, %dma_start3A_561] : memref<512x128xf32, #tpu.memory_space<vmem>> -> memref<1x128xf32, #tpu.memory_space<vmem>>
      %dma_start3A_563 = tpu.memref_squeeze %dma_start3A_562 : memref<1x128xf32, #tpu.memory_space<vmem>> -> memref<128xf32, #tpu.memory_space<vmem>>
      %dma_start3A_564 = arith.constant 0 : i32
      %dma_start3A_565 = tpu.memref_slice %arg3[%add3A_554, %dma_start3A_564] : memref<503808x128xf32, #tpu.memory_space<hbm>> -> memref<1x128xf32, #tpu.memory_space<hbm>>
      %dma_start3A_566 = tpu.memref_squeeze %dma_start3A_565 : memref<1x128xf32, #tpu.memory_space<hbm>> -> memref<128xf32, #tpu.memory_space<hbm>>
      tpu.enqueue_dma source(%dma_start3A_566 : memref<128xf32, #tpu.memory_space<hbm>>) target(%dma_start3A_563 : memref<128xf32, #tpu.memory_space<vmem>>) target_semaphore(%arg11 : memref<!tpu.dma_semaphore, #tpu.memory_space<semaphore_mem>>)
      %slice3A_567 = vector.extract_strided_slice %get3A_29 {offsets = [12], sizes = [1], strides = [1]} : vector<16xi32> to vector<1xi32>
      %squeeze3A_568 = vector.extract %slice3A_567[0] : i32 from vector<1xi32>
      %slice3A_569 = vector.extract_strided_slice %get3A_32 {offsets = [12], sizes = [1], strides = [1]} : vector<16xi32> to vector<1xi32>
      %squeeze3A_570 = vector.extract %slice3A_569[0] : i32 from vector<1xi32>
      %add3A_571 = arith.constant 12 : i32
      %add3A_572 = arith.addi %mul3A_27, %add3A_571 : i32
      %and3A_573 = arith.constant 1 : i32
      %and3A_574 = arith.andi %add3A_572, %and3A_573 : i32
      %mul3A_575 = arith.constant 64 : i32
      %mul3A_576 = arith.muli %and3A_574, %mul3A_575 : i32
      %shift_right_arithmetic3A_577 = arith.constant 3 : i32
      %shift_right_arithmetic3A_578 = arith.shrsi %squeeze3A_568, %shift_right_arithmetic3A_577 : i32
      %and3A_579 = arith.constant 7 : i32
      %and3A_580 = arith.andi %squeeze3A_568, %and3A_579 : i32
      %shift_right_arithmetic3A_581 = arith.constant 1 : i32
      %shift_right_arithmetic3A_582 = arith.shrsi %add3A_572, %shift_right_arithmetic3A_581 : i32
      %dma_start3A_583 = tpu.memref_slice %arg9[%shift_right_arithmetic3A_582, %mul3A_576] : memref<256x128xf32, #tpu.memory_space<vmem>> -> memref<1x64xf32, #tpu.memory_space<vmem>>
      %dma_start3A_584 = tpu.memref_squeeze %dma_start3A_583 : memref<1x64xf32, #tpu.memory_space<vmem>> -> memref<64xf32, #tpu.memory_space<vmem>>
      %dma_start3A_585 = arith.constant 0 : i32
      %dma_start3A_586 = tpu.memref_slice %arg2[%shift_right_arithmetic3A_578, %and3A_580, %dma_start3A_585] : memref<125000x8x64xf32, #tpu.memory_space<hbm>> -> memref<1x1x64xf32, #tpu.memory_space<hbm>>
      %dma_start3A_587 = tpu.memref_squeeze %dma_start3A_586 : memref<1x1x64xf32, #tpu.memory_space<hbm>> -> memref<64xf32, #tpu.memory_space<hbm>>
      %dma_start3A_588 = tpu.memref_slice %arg9[%shift_right_arithmetic3A_582, %mul3A_576] : memref<256x128xf32, #tpu.memory_space<vmem>> -> memref<1x64xf32, #tpu.memory_space<vmem>>
      %dma_start3A_589 = tpu.memref_squeeze %dma_start3A_588 : memref<1x64xf32, #tpu.memory_space<vmem>> -> memref<64xf32, #tpu.memory_space<vmem>>
      %dma_start3A_590 = arith.constant 0 : i32
      %dma_start3A_591 = tpu.memref_slice %arg2[%shift_right_arithmetic3A_578, %and3A_580, %dma_start3A_590] : memref<125000x8x64xf32, #tpu.memory_space<hbm>> -> memref<1x1x64xf32, #tpu.memory_space<hbm>>
      %dma_start3A_592 = tpu.memref_squeeze %dma_start3A_591 : memref<1x1x64xf32, #tpu.memory_space<hbm>> -> memref<64xf32, #tpu.memory_space<hbm>>
      tpu.enqueue_dma source(%dma_start3A_592 : memref<64xf32, #tpu.memory_space<hbm>>) target(%dma_start3A_589 : memref<64xf32, #tpu.memory_space<vmem>>) target_semaphore(%arg11 : memref<!tpu.dma_semaphore, #tpu.memory_space<semaphore_mem>>)
      %shift_right_arithmetic3A_593 = arith.constant 13 : i32
      %shift_right_arithmetic3A_594 = arith.shrsi %squeeze3A_570, %shift_right_arithmetic3A_593 : i32
      %shift_left3A_595 = arith.constant 12 : i32
      %shift_left3A_596 = arith.shli %shift_right_arithmetic3A_594, %shift_left3A_595 : i32
      %and3A_597 = arith.constant 4095 : i32
      %and3A_598 = arith.andi %squeeze3A_570, %and3A_597 : i32
      %add3A_599 = arith.addi %shift_left3A_596, %and3A_598 : i32
      %dma_start3A_600 = arith.constant 0 : i32
      %dma_start3A_601 = tpu.memref_slice %arg10[%add3A_572, %dma_start3A_600] : memref<512x128xf32, #tpu.memory_space<vmem>> -> memref<1x128xf32, #tpu.memory_space<vmem>>
      %dma_start3A_602 = tpu.memref_squeeze %dma_start3A_601 : memref<1x128xf32, #tpu.memory_space<vmem>> -> memref<128xf32, #tpu.memory_space<vmem>>
      %dma_start3A_603 = arith.constant 0 : i32
      %dma_start3A_604 = tpu.memref_slice %arg3[%add3A_599, %dma_start3A_603] : memref<503808x128xf32, #tpu.memory_space<hbm>> -> memref<1x128xf32, #tpu.memory_space<hbm>>
      %dma_start3A_605 = tpu.memref_squeeze %dma_start3A_604 : memref<1x128xf32, #tpu.memory_space<hbm>> -> memref<128xf32, #tpu.memory_space<hbm>>
      %dma_start3A_606 = arith.constant 0 : i32
      %dma_start3A_607 = tpu.memref_slice %arg10[%add3A_572, %dma_start3A_606] : memref<512x128xf32, #tpu.memory_space<vmem>> -> memref<1x128xf32, #tpu.memory_space<vmem>>
      %dma_start3A_608 = tpu.memref_squeeze %dma_start3A_607 : memref<1x128xf32, #tpu.memory_space<vmem>> -> memref<128xf32, #tpu.memory_space<vmem>>
      %dma_start3A_609 = arith.constant 0 : i32
      %dma_start3A_610 = tpu.memref_slice %arg3[%add3A_599, %dma_start3A_609] : memref<503808x128xf32, #tpu.memory_space<hbm>> -> memref<1x128xf32, #tpu.memory_space<hbm>>
      %dma_start3A_611 = tpu.memref_squeeze %dma_start3A_610 : memref<1x128xf32, #tpu.memory_space<hbm>> -> memref<128xf32, #tpu.memory_space<hbm>>
      tpu.enqueue_dma source(%dma_start3A_611 : memref<128xf32, #tpu.memory_space<hbm>>) target(%dma_start3A_608 : memref<128xf32, #tpu.memory_space<vmem>>) target_semaphore(%arg11 : memref<!tpu.dma_semaphore, #tpu.memory_space<semaphore_mem>>)
      %slice3A_612 = vector.extract_strided_slice %get3A_29 {offsets = [13], sizes = [1], strides = [1]} : vector<16xi32> to vector<1xi32>
      %squeeze3A_613 = vector.extract %slice3A_612[0] : i32 from vector<1xi32>
      %slice3A_614 = vector.extract_strided_slice %get3A_32 {offsets = [13], sizes = [1], strides = [1]} : vector<16xi32> to vector<1xi32>
      %squeeze3A_615 = vector.extract %slice3A_614[0] : i32 from vector<1xi32>
      %add3A_616 = arith.constant 13 : i32
      %add3A_617 = arith.addi %mul3A_27, %add3A_616 : i32
      %and3A_618 = arith.constant 1 : i32
      %and3A_619 = arith.andi %add3A_617, %and3A_618 : i32
      %mul3A_620 = arith.constant 64 : i32
      %mul3A_621 = arith.muli %and3A_619, %mul3A_620 : i32
      %shift_right_arithmetic3A_622 = arith.constant 3 : i32
      %shift_right_arithmetic3A_623 = arith.shrsi %squeeze3A_613, %shift_right_arithmetic3A_622 : i32
      %and3A_624 = arith.constant 7 : i32
      %and3A_625 = arith.andi %squeeze3A_613, %and3A_624 : i32
      %shift_right_arithmetic3A_626 = arith.constant 1 : i32
      %shift_right_arithmetic3A_627 = arith.shrsi %add3A_617, %shift_right_arithmetic3A_626 : i32
      %dma_start3A_628 = tpu.memref_slice %arg9[%shift_right_arithmetic3A_627, %mul3A_621] : memref<256x128xf32, #tpu.memory_space<vmem>> -> memref<1x64xf32, #tpu.memory_space<vmem>>
      %dma_start3A_629 = tpu.memref_squeeze %dma_start3A_628 : memref<1x64xf32, #tpu.memory_space<vmem>> -> memref<64xf32, #tpu.memory_space<vmem>>
      %dma_start3A_630 = arith.constant 0 : i32
      %dma_start3A_631 = tpu.memref_slice %arg2[%shift_right_arithmetic3A_623, %and3A_625, %dma_start3A_630] : memref<125000x8x64xf32, #tpu.memory_space<hbm>> -> memref<1x1x64xf32, #tpu.memory_space<hbm>>
      %dma_start3A_632 = tpu.memref_squeeze %dma_start3A_631 : memref<1x1x64xf32, #tpu.memory_space<hbm>> -> memref<64xf32, #tpu.memory_space<hbm>>
      %dma_start3A_633 = tpu.memref_slice %arg9[%shift_right_arithmetic3A_627, %mul3A_621] : memref<256x128xf32, #tpu.memory_space<vmem>> -> memref<1x64xf32, #tpu.memory_space<vmem>>
      %dma_start3A_634 = tpu.memref_squeeze %dma_start3A_633 : memref<1x64xf32, #tpu.memory_space<vmem>> -> memref<64xf32, #tpu.memory_space<vmem>>
      %dma_start3A_635 = arith.constant 0 : i32
      %dma_start3A_636 = tpu.memref_slice %arg2[%shift_right_arithmetic3A_623, %and3A_625, %dma_start3A_635] : memref<125000x8x64xf32, #tpu.memory_space<hbm>> -> memref<1x1x64xf32, #tpu.memory_space<hbm>>
      %dma_start3A_637 = tpu.memref_squeeze %dma_start3A_636 : memref<1x1x64xf32, #tpu.memory_space<hbm>> -> memref<64xf32, #tpu.memory_space<hbm>>
      tpu.enqueue_dma source(%dma_start3A_637 : memref<64xf32, #tpu.memory_space<hbm>>) target(%dma_start3A_634 : memref<64xf32, #tpu.memory_space<vmem>>) target_semaphore(%arg11 : memref<!tpu.dma_semaphore, #tpu.memory_space<semaphore_mem>>)
      %shift_right_arithmetic3A_638 = arith.constant 13 : i32
      %shift_right_arithmetic3A_639 = arith.shrsi %squeeze3A_615, %shift_right_arithmetic3A_638 : i32
      %shift_left3A_640 = arith.constant 12 : i32
      %shift_left3A_641 = arith.shli %shift_right_arithmetic3A_639, %shift_left3A_640 : i32
      %and3A_642 = arith.constant 4095 : i32
      %and3A_643 = arith.andi %squeeze3A_615, %and3A_642 : i32
      %add3A_644 = arith.addi %shift_left3A_641, %and3A_643 : i32
      %dma_start3A_645 = arith.constant 0 : i32
      %dma_start3A_646 = tpu.memref_slice %arg10[%add3A_617, %dma_start3A_645] : memref<512x128xf32, #tpu.memory_space<vmem>> -> memref<1x128xf32, #tpu.memory_space<vmem>>
      %dma_start3A_647 = tpu.memref_squeeze %dma_start3A_646 : memref<1x128xf32, #tpu.memory_space<vmem>> -> memref<128xf32, #tpu.memory_space<vmem>>
      %dma_start3A_648 = arith.constant 0 : i32
      %dma_start3A_649 = tpu.memref_slice %arg3[%add3A_644, %dma_start3A_648] : memref<503808x128xf32, #tpu.memory_space<hbm>> -> memref<1x128xf32, #tpu.memory_space<hbm>>
      %dma_start3A_650 = tpu.memref_squeeze %dma_start3A_649 : memref<1x128xf32, #tpu.memory_space<hbm>> -> memref<128xf32, #tpu.memory_space<hbm>>
      %dma_start3A_651 = arith.constant 0 : i32
      %dma_start3A_652 = tpu.memref_slice %arg10[%add3A_617, %dma_start3A_651] : memref<512x128xf32, #tpu.memory_space<vmem>> -> memref<1x128xf32, #tpu.memory_space<vmem>>
      %dma_start3A_653 = tpu.memref_squeeze %dma_start3A_652 : memref<1x128xf32, #tpu.memory_space<vmem>> -> memref<128xf32, #tpu.memory_space<vmem>>
      %dma_start3A_654 = arith.constant 0 : i32
      %dma_start3A_655 = tpu.memref_slice %arg3[%add3A_644, %dma_start3A_654] : memref<503808x128xf32, #tpu.memory_space<hbm>> -> memref<1x128xf32, #tpu.memory_space<hbm>>
      %dma_start3A_656 = tpu.memref_squeeze %dma_start3A_655 : memref<1x128xf32, #tpu.memory_space<hbm>> -> memref<128xf32, #tpu.memory_space<hbm>>
      tpu.enqueue_dma source(%dma_start3A_656 : memref<128xf32, #tpu.memory_space<hbm>>) target(%dma_start3A_653 : memref<128xf32, #tpu.memory_space<vmem>>) target_semaphore(%arg11 : memref<!tpu.dma_semaphore, #tpu.memory_space<semaphore_mem>>)
      %slice3A_657 = vector.extract_strided_slice %get3A_29 {offsets = [14], sizes = [1], strides = [1]} : vector<16xi32> to vector<1xi32>
      %squeeze3A_658 = vector.extract %slice3A_657[0] : i32 from vector<1xi32>
      %slice3A_659 = vector.extract_strided_slice %get3A_32 {offsets = [14], sizes = [1], strides = [1]} : vector<16xi32> to vector<1xi32>
      %squeeze3A_660 = vector.extract %slice3A_659[0] : i32 from vector<1xi32>
      %add3A_661 = arith.constant 14 : i32
      %add3A_662 = arith.addi %mul3A_27, %add3A_661 : i32
      %and3A_663 = arith.constant 1 : i32
      %and3A_664 = arith.andi %add3A_662, %and3A_663 : i32
      %mul3A_665 = arith.constant 64 : i32
      %mul3A_666 = arith.muli %and3A_664, %mul3A_665 : i32
      %shift_right_arithmetic3A_667 = arith.constant 3 : i32
      %shift_right_arithmetic3A_668 = arith.shrsi %squeeze3A_658, %shift_right_arithmetic3A_667 : i32
      %and3A_669 = arith.constant 7 : i32
      %and3A_670 = arith.andi %squeeze3A_658, %and3A_669 : i32
      %shift_right_arithmetic3A_671 = arith.constant 1 : i32
      %shift_right_arithmetic3A_672 = arith.shrsi %add3A_662, %shift_right_arithmetic3A_671 : i32
      %dma_start3A_673 = tpu.memref_slice %arg9[%shift_right_arithmetic3A_672, %mul3A_666] : memref<256x128xf32, #tpu.memory_space<vmem>> -> memref<1x64xf32, #tpu.memory_space<vmem>>
      %dma_start3A_674 = tpu.memref_squeeze %dma_start3A_673 : memref<1x64xf32, #tpu.memory_space<vmem>> -> memref<64xf32, #tpu.memory_space<vmem>>
      %dma_start3A_675 = arith.constant 0 : i32
      %dma_start3A_676 = tpu.memref_slice %arg2[%shift_right_arithmetic3A_668, %and3A_670, %dma_start3A_675] : memref<125000x8x64xf32, #tpu.memory_space<hbm>> -> memref<1x1x64xf32, #tpu.memory_space<hbm>>
      %dma_start3A_677 = tpu.memref_squeeze %dma_start3A_676 : memref<1x1x64xf32, #tpu.memory_space<hbm>> -> memref<64xf32, #tpu.memory_space<hbm>>
      %dma_start3A_678 = tpu.memref_slice %arg9[%shift_right_arithmetic3A_672, %mul3A_666] : memref<256x128xf32, #tpu.memory_space<vmem>> -> memref<1x64xf32, #tpu.memory_space<vmem>>
      %dma_start3A_679 = tpu.memref_squeeze %dma_start3A_678 : memref<1x64xf32, #tpu.memory_space<vmem>> -> memref<64xf32, #tpu.memory_space<vmem>>
      %dma_start3A_680 = arith.constant 0 : i32
      %dma_start3A_681 = tpu.memref_slice %arg2[%shift_right_arithmetic3A_668, %and3A_670, %dma_start3A_680] : memref<125000x8x64xf32, #tpu.memory_space<hbm>> -> memref<1x1x64xf32, #tpu.memory_space<hbm>>
      %dma_start3A_682 = tpu.memref_squeeze %dma_start3A_681 : memref<1x1x64xf32, #tpu.memory_space<hbm>> -> memref<64xf32, #tpu.memory_space<hbm>>
      tpu.enqueue_dma source(%dma_start3A_682 : memref<64xf32, #tpu.memory_space<hbm>>) target(%dma_start3A_679 : memref<64xf32, #tpu.memory_space<vmem>>) target_semaphore(%arg11 : memref<!tpu.dma_semaphore, #tpu.memory_space<semaphore_mem>>)
      %shift_right_arithmetic3A_683 = arith.constant 13 : i32
      %shift_right_arithmetic3A_684 = arith.shrsi %squeeze3A_660, %shift_right_arithmetic3A_683 : i32
      %shift_left3A_685 = arith.constant 12 : i32
      %shift_left3A_686 = arith.shli %shift_right_arithmetic3A_684, %shift_left3A_685 : i32
      %and3A_687 = arith.constant 4095 : i32
      %and3A_688 = arith.andi %squeeze3A_660, %and3A_687 : i32
      %add3A_689 = arith.addi %shift_left3A_686, %and3A_688 : i32
      %dma_start3A_690 = arith.constant 0 : i32
      %dma_start3A_691 = tpu.memref_slice %arg10[%add3A_662, %dma_start3A_690] : memref<512x128xf32, #tpu.memory_space<vmem>> -> memref<1x128xf32, #tpu.memory_space<vmem>>
      %dma_start3A_692 = tpu.memref_squeeze %dma_start3A_691 : memref<1x128xf32, #tpu.memory_space<vmem>> -> memref<128xf32, #tpu.memory_space<vmem>>
      %dma_start3A_693 = arith.constant 0 : i32
      %dma_start3A_694 = tpu.memref_slice %arg3[%add3A_689, %dma_start3A_693] : memref<503808x128xf32, #tpu.memory_space<hbm>> -> memref<1x128xf32, #tpu.memory_space<hbm>>
      %dma_start3A_695 = tpu.memref_squeeze %dma_start3A_694 : memref<1x128xf32, #tpu.memory_space<hbm>> -> memref<128xf32, #tpu.memory_space<hbm>>
      %dma_start3A_696 = arith.constant 0 : i32
      %dma_start3A_697 = tpu.memref_slice %arg10[%add3A_662, %dma_start3A_696] : memref<512x128xf32, #tpu.memory_space<vmem>> -> memref<1x128xf32, #tpu.memory_space<vmem>>
      %dma_start3A_698 = tpu.memref_squeeze %dma_start3A_697 : memref<1x128xf32, #tpu.memory_space<vmem>> -> memref<128xf32, #tpu.memory_space<vmem>>
      %dma_start3A_699 = arith.constant 0 : i32
      %dma_start3A_700 = tpu.memref_slice %arg3[%add3A_689, %dma_start3A_699] : memref<503808x128xf32, #tpu.memory_space<hbm>> -> memref<1x128xf32, #tpu.memory_space<hbm>>
      %dma_start3A_701 = tpu.memref_squeeze %dma_start3A_700 : memref<1x128xf32, #tpu.memory_space<hbm>> -> memref<128xf32, #tpu.memory_space<hbm>>
      tpu.enqueue_dma source(%dma_start3A_701 : memref<128xf32, #tpu.memory_space<hbm>>) target(%dma_start3A_698 : memref<128xf32, #tpu.memory_space<vmem>>) target_semaphore(%arg11 : memref<!tpu.dma_semaphore, #tpu.memory_space<semaphore_mem>>)
      %slice3A_702 = vector.extract_strided_slice %get3A_29 {offsets = [15], sizes = [1], strides = [1]} : vector<16xi32> to vector<1xi32>
      %squeeze3A_703 = vector.extract %slice3A_702[0] : i32 from vector<1xi32>
      %slice3A_704 = vector.extract_strided_slice %get3A_32 {offsets = [15], sizes = [1], strides = [1]} : vector<16xi32> to vector<1xi32>
      %squeeze3A_705 = vector.extract %slice3A_704[0] : i32 from vector<1xi32>
      %add3A_706 = arith.constant 15 : i32
      %add3A_707 = arith.addi %mul3A_27, %add3A_706 : i32
      %and3A_708 = arith.constant 1 : i32
      %and3A_709 = arith.andi %add3A_707, %and3A_708 : i32
      %mul3A_710 = arith.constant 64 : i32
      %mul3A_711 = arith.muli %and3A_709, %mul3A_710 : i32
      %shift_right_arithmetic3A_712 = arith.constant 3 : i32
      %shift_right_arithmetic3A_713 = arith.shrsi %squeeze3A_703, %shift_right_arithmetic3A_712 : i32
      %and3A_714 = arith.constant 7 : i32
      %and3A_715 = arith.andi %squeeze3A_703, %and3A_714 : i32
      %shift_right_arithmetic3A_716 = arith.constant 1 : i32
      %shift_right_arithmetic3A_717 = arith.shrsi %add3A_707, %shift_right_arithmetic3A_716 : i32
      %dma_start3A_718 = tpu.memref_slice %arg9[%shift_right_arithmetic3A_717, %mul3A_711] : memref<256x128xf32, #tpu.memory_space<vmem>> -> memref<1x64xf32, #tpu.memory_space<vmem>>
      %dma_start3A_719 = tpu.memref_squeeze %dma_start3A_718 : memref<1x64xf32, #tpu.memory_space<vmem>> -> memref<64xf32, #tpu.memory_space<vmem>>
      %dma_start3A_720 = arith.constant 0 : i32
      %dma_start3A_721 = tpu.memref_slice %arg2[%shift_right_arithmetic3A_713, %and3A_715, %dma_start3A_720] : memref<125000x8x64xf32, #tpu.memory_space<hbm>> -> memref<1x1x64xf32, #tpu.memory_space<hbm>>
      %dma_start3A_722 = tpu.memref_squeeze %dma_start3A_721 : memref<1x1x64xf32, #tpu.memory_space<hbm>> -> memref<64xf32, #tpu.memory_space<hbm>>
      %dma_start3A_723 = tpu.memref_slice %arg9[%shift_right_arithmetic3A_717, %mul3A_711] : memref<256x128xf32, #tpu.memory_space<vmem>> -> memref<1x64xf32, #tpu.memory_space<vmem>>
      %dma_start3A_724 = tpu.memref_squeeze %dma_start3A_723 : memref<1x64xf32, #tpu.memory_space<vmem>> -> memref<64xf32, #tpu.memory_space<vmem>>
      %dma_start3A_725 = arith.constant 0 : i32
      %dma_start3A_726 = tpu.memref_slice %arg2[%shift_right_arithmetic3A_713, %and3A_715, %dma_start3A_725] : memref<125000x8x64xf32, #tpu.memory_space<hbm>> -> memref<1x1x64xf32, #tpu.memory_space<hbm>>
      %dma_start3A_727 = tpu.memref_squeeze %dma_start3A_726 : memref<1x1x64xf32, #tpu.memory_space<hbm>> -> memref<64xf32, #tpu.memory_space<hbm>>
      tpu.enqueue_dma source(%dma_start3A_727 : memref<64xf32, #tpu.memory_space<hbm>>) target(%dma_start3A_724 : memref<64xf32, #tpu.memory_space<vmem>>) target_semaphore(%arg11 : memref<!tpu.dma_semaphore, #tpu.memory_space<semaphore_mem>>)
      %shift_right_arithmetic3A_728 = arith.constant 13 : i32
      %shift_right_arithmetic3A_729 = arith.shrsi %squeeze3A_705, %shift_right_arithmetic3A_728 : i32
      %shift_left3A_730 = arith.constant 12 : i32
      %shift_left3A_731 = arith.shli %shift_right_arithmetic3A_729, %shift_left3A_730 : i32
      %and3A_732 = arith.constant 4095 : i32
      %and3A_733 = arith.andi %squeeze3A_705, %and3A_732 : i32
      %add3A_734 = arith.addi %shift_left3A_731, %and3A_733 : i32
      %dma_start3A_735 = arith.constant 0 : i32
      %dma_start3A_736 = tpu.memref_slice %arg10[%add3A_707, %dma_start3A_735] : memref<512x128xf32, #tpu.memory_space<vmem>> -> memref<1x128xf32, #tpu.memory_space<vmem>>
      %dma_start3A_737 = tpu.memref_squeeze %dma_start3A_736 : memref<1x128xf32, #tpu.memory_space<vmem>> -> memref<128xf32, #tpu.memory_space<vmem>>
      %dma_start3A_738 = arith.constant 0 : i32
      %dma_start3A_739 = tpu.memref_slice %arg3[%add3A_734, %dma_start3A_738] : memref<503808x128xf32, #tpu.memory_space<hbm>> -> memref<1x128xf32, #tpu.memory_space<hbm>>
      %dma_start3A_740 = tpu.memref_squeeze %dma_start3A_739 : memref<1x128xf32, #tpu.memory_space<hbm>> -> memref<128xf32, #tpu.memory_space<hbm>>
      %dma_start3A_741 = arith.constant 0 : i32
      %dma_start3A_742 = tpu.memref_slice %arg10[%add3A_707, %dma_start3A_741] : memref<512x128xf32, #tpu.memory_space<vmem>> -> memref<1x128xf32, #tpu.memory_space<vmem>>
      %dma_start3A_743 = tpu.memref_squeeze %dma_start3A_742 : memref<1x128xf32, #tpu.memory_space<vmem>> -> memref<128xf32, #tpu.memory_space<vmem>>
      %dma_start3A_744 = arith.constant 0 : i32
      %dma_start3A_745 = tpu.memref_slice %arg3[%add3A_734, %dma_start3A_744] : memref<503808x128xf32, #tpu.memory_space<hbm>> -> memref<1x128xf32, #tpu.memory_space<hbm>>
      %dma_start3A_746 = tpu.memref_squeeze %dma_start3A_745 : memref<1x128xf32, #tpu.memory_space<hbm>> -> memref<128xf32, #tpu.memory_space<hbm>>
      tpu.enqueue_dma source(%dma_start3A_746 : memref<128xf32, #tpu.memory_space<hbm>>) target(%dma_start3A_743 : memref<128xf32, #tpu.memory_space<vmem>>) target_semaphore(%arg11 : memref<!tpu.dma_semaphore, #tpu.memory_space<semaphore_mem>>)
    }
    %scan3A_6 = arith.constant 32 : i32
    %mul3A_7 = arith.constant 256 : i32
    %mul3A_8 = arith.muli %add3A, %mul3A_7 : i32
    %dma_wait3A = arith.constant 0 : i32
    %dma_wait3A_9 = tpu.memref_slice %arg6[%mul3A_8, %dma_wait3A] : memref<8192x128xf32, #tpu.memory_space<hbm>> -> memref<256x128xf32, #tpu.memory_space<hbm>>
    %dma_wait3A_10 = arith.constant 0 : i32
    %dma_wait3A_11 = tpu.memref_slice %arg6[%mul3A_8, %dma_wait3A_10] : memref<8192x128xf32, #tpu.memory_space<hbm>> -> memref<256x128xf32, #tpu.memory_space<hbm>>
    tpu.wait_dma2 semaphore(%arg11 : memref<!tpu.dma_semaphore, #tpu.memory_space<semaphore_mem>>) src(%dma_wait3A_11 : memref<256x128xf32, #tpu.memory_space<hbm>>) dst(%arg9 : memref<256x128xf32, #tpu.memory_space<vmem>>)
    %dma_wait3A_12 = arith.constant 0 : i32
    %dma_wait3A_13 = arith.constant 0 : i32
    %dma_wait3A_14 = tpu.memref_slice %arg6[%dma_wait3A_12, %dma_wait3A_13] : memref<8192x128xf32, #tpu.memory_space<hbm>> -> memref<512x128xf32, #tpu.memory_space<hbm>>
    %dma_wait3A_15 = arith.constant 0 : i32
    %dma_wait3A_16 = arith.constant 0 : i32
    %dma_wait3A_17 = tpu.memref_slice %arg6[%dma_wait3A_15, %dma_wait3A_16] : memref<8192x128xf32, #tpu.memory_space<hbm>> -> memref<512x128xf32, #tpu.memory_space<hbm>>
    tpu.wait_dma2 semaphore(%arg11 : memref<!tpu.dma_semaphore, #tpu.memory_space<semaphore_mem>>) src(%dma_wait3A_17 : memref<512x128xf32, #tpu.memory_space<hbm>>) dst(%arg10 : memref<512x128xf32, #tpu.memory_space<vmem>>)
    %scan3A_18 = arith.constant 0 : i32
    %scan3A_19 = arith.constant 32 : i32
    %scan3A_20 = arith.addi %scan3A_18, %scan3A_19 : i32
    %scan3A_21 = arith.constant 1 : i32
    scf.for %scan3A_25 = %scan3A_18 to %scan3A_20 step %scan3A_21  : i32 {
      %mul3A_26 = arith.constant 16 : i32
      %mul3A_27 = arith.muli %scan3A_25, %mul3A_26 : i32
      %get3A = arith.index_cast %mul3A_27 : i32 to index
      %get3A_28 = tpu.vector_load %arg8[%get3A] {strides = array<i32>} : memref<512xi32, #tpu.memory_space<vmem>>, vector<16xi32>,
      %get3A_29 = vector.shape_cast %get3A_28 : vector<16xi32> to vector<16xi32>
      %add3A_30 = arith.constant 0 : i32
      %add3A_31 = arith.addi %mul3A_27, %add3A_30 : i32
      %slice3A = vector.extract_strided_slice %get3A_29 {offsets = [0], sizes = [1], strides = [1]} : vector<16xi32> to vector<1xi32>
      %squeeze3A = vector.extract %slice3A[0] : i32 from vector<1xi32>
      %shift_right_arithmetic3A = arith.constant 12 : i32
      %shift_right_arithmetic3A_32 = arith.shrsi %squeeze3A, %shift_right_arithmetic3A : i32
      %and3A = arith.constant 1 : i32
      %and3A_33 = arith.andi %shift_right_arithmetic3A_32, %and3A : i32
      %mul3A_34 = arith.constant 64 : i32
      %mul3A_35 = arith.muli %and3A_33, %mul3A_34 : i32
      %and3A_36 = arith.constant 1 : i32
      %and3A_37 = arith.andi %add3A_31, %and3A_36 : i32
      %mul3A_38 = arith.constant 64 : i32
      %mul3A_39 = arith.muli %and3A_37, %mul3A_38 : i32
      %add3A_40 = arith.constant 0 : i32
      %add3A_41 = arith.addi %mul3A_39, %add3A_40 : i32
      %add3A_42 = arith.constant 0 : i32
      %add3A_43 = arith.addi %mul3A_35, %add3A_42 : i32
      %shift_right_arithmetic3A_44 = arith.constant 1 : i32
      %shift_right_arithmetic3A_45 = arith.shrsi %add3A_31, %shift_right_arithmetic3A_44 : i32
      %get3A_46 = arith.index_cast %shift_right_arithmetic3A_45 : i32 to index
      %get3A_47 = arith.index_cast %add3A_41 : i32 to index
      %get3A_48 = tpu.vector_load %arg9[%get3A_46, %get3A_47] {strides = array<i32>} : memref<256x128xf32, #tpu.memory_space<vmem>>, vector<1x16xf32>,
      %get3A_49 = vector.shape_cast %get3A_48 : vector<1x16xf32> to vector<16xf32>
      %get3A_50 = arith.index_cast %add3A_31 : i32 to index
      %get3A_51 = arith.index_cast %add3A_43 : i32 to index
      %get3A_52 = tpu.vector_load %arg10[%get3A_50, %get3A_51] {strides = array<i32>} : memref<512x128xf32, #tpu.memory_space<vmem>>, vector<1x16xf32>,
      %get3A_53 = vector.shape_cast %get3A_52 : vector<1x16xf32> to vector<16xf32>
      %mul3A_54 = arith.mulf %get3A_49, %get3A_53 : vector<16xf32>
      %shift_right_arithmetic3A_55 = arith.constant 1 : i32
      %shift_right_arithmetic3A_56 = arith.shrsi %add3A_31, %shift_right_arithmetic3A_55 : i32
      %swap3A = arith.index_cast %shift_right_arithmetic3A_56 : i32 to index
      %swap3A_57 = arith.index_cast %add3A_41 : i32 to index
      %swap3A_58 = tpu.vector_load %arg9[%swap3A, %swap3A_57] {strides = array<i32>} : memref<256x128xf32, #tpu.memory_space<vmem>>, vector<1x16xf32>,
      %swap3A_59 = vector.shape_cast %swap3A_58 : vector<1x16xf32> to vector<16xf32>
      %swap3A_60 = vector.shape_cast %mul3A_54 : vector<16xf32> to vector<1x16xf32>
      tpu.vector_store %arg9[%swap3A, %swap3A_57], %swap3A_60 {strides = array<i32>} : memref<256x128xf32, #tpu.memory_space<vmem>>, vector<1x16xf32>,
      %and3A_61 = arith.constant 1 : i32
      %and3A_62 = arith.andi %add3A_31, %and3A_61 : i32
      %mul3A_63 = arith.constant 64 : i32
      %mul3A_64 = arith.muli %and3A_62, %mul3A_63 : i32
      %add3A_65 = arith.constant 16 : i32
      %add3A_66 = arith.addi %mul3A_64, %add3A_65 : i32
      %add3A_67 = arith.constant 16 : i32
      %add3A_68 = arith.addi %mul3A_35, %add3A_67 : i32
      %shift_right_arithmetic3A_69 = arith.constant 1 : i32
      %shift_right_arithmetic3A_70 = arith.shrsi %add3A_31, %shift_right_arithmetic3A_69 : i32
      %get3A_71 = arith.index_cast %shift_right_arithmetic3A_70 : i32 to index
      %get3A_72 = arith.index_cast %add3A_66 : i32 to index
      %get3A_73 = tpu.vector_load %arg9[%get3A_71, %get3A_72] {strides = array<i32>} : memref<256x128xf32, #tpu.memory_space<vmem>>, vector<1x16xf32>,
      %get3A_74 = vector.shape_cast %get3A_73 : vector<1x16xf32> to vector<16xf32>
      %get3A_75 = arith.index_cast %add3A_31 : i32 to index
      %get3A_76 = arith.index_cast %add3A_68 : i32 to index
      %get3A_77 = tpu.vector_load %arg10[%get3A_75, %get3A_76] {strides = array<i32>} : memref<512x128xf32, #tpu.memory_space<vmem>>, vector<1x16xf32>,
      %get3A_78 = vector.shape_cast %get3A_77 : vector<1x16xf32> to vector<16xf32>
      %mul3A_79 = arith.mulf %get3A_74, %get3A_78 : vector<16xf32>
      %shift_right_arithmetic3A_80 = arith.constant 1 : i32
      %shift_right_arithmetic3A_81 = arith.shrsi %add3A_31, %shift_right_arithmetic3A_80 : i32
      %swap3A_82 = arith.index_cast %shift_right_arithmetic3A_81 : i32 to index
      %swap3A_83 = arith.index_cast %add3A_66 : i32 to index
      %swap3A_84 = tpu.vector_load %arg9[%swap3A_82, %swap3A_83] {strides = array<i32>} : memref<256x128xf32, #tpu.memory_space<vmem>>, vector<1x16xf32>,
      %swap3A_85 = vector.shape_cast %swap3A_84 : vector<1x16xf32> to vector<16xf32>
      %swap3A_86 = vector.shape_cast %mul3A_79 : vector<16xf32> to vector<1x16xf32>
      tpu.vector_store %arg9[%swap3A_82, %swap3A_83], %swap3A_86 {strides = array<i32>} : memref<256x128xf32, #tpu.memory_space<vmem>>, vector<1x16xf32>,
      %and3A_87 = arith.constant 1 : i32
      %and3A_88 = arith.andi %add3A_31, %and3A_87 : i32
      %mul3A_89 = arith.constant 64 : i32
      %mul3A_90 = arith.muli %and3A_88, %mul3A_89 : i32
      %add3A_91 = arith.constant 32 : i32
      %add3A_92 = arith.addi %mul3A_90, %add3A_91 : i32
      %add3A_93 = arith.constant 32 : i32
      %add3A_94 = arith.addi %mul3A_35, %add3A_93 : i32
      %shift_right_arithmetic3A_95 = arith.constant 1 : i32
      %shift_right_arithmetic3A_96 = arith.shrsi %add3A_31, %shift_right_arithmetic3A_95 : i32
      %get3A_97 = arith.index_cast %shift_right_arithmetic3A_96 : i32 to index
      %get3A_98 = arith.index_cast %add3A_92 : i32 to index
      %get3A_99 = tpu.vector_load %arg9[%get3A_97, %get3A_98] {strides = array<i32>} : memref<256x128xf32, #tpu.memory_space<vmem>>, vector<1x16xf32>,
      %get3A_100 = vector.shape_cast %get3A_99 : vector<1x16xf32> to vector<16xf32>
      %get3A_101 = arith.index_cast %add3A_31 : i32 to index
      %get3A_102 = arith.index_cast %add3A_94 : i32 to index
      %get3A_103 = tpu.vector_load %arg10[%get3A_101, %get3A_102] {strides = array<i32>} : memref<512x128xf32, #tpu.memory_space<vmem>>, vector<1x16xf32>,
      %get3A_104 = vector.shape_cast %get3A_103 : vector<1x16xf32> to vector<16xf32>
      %mul3A_105 = arith.mulf %get3A_100, %get3A_104 : vector<16xf32>
      %shift_right_arithmetic3A_106 = arith.constant 1 : i32
      %shift_right_arithmetic3A_107 = arith.shrsi %add3A_31, %shift_right_arithmetic3A_106 : i32
      %swap3A_108 = arith.index_cast %shift_right_arithmetic3A_107 : i32 to index
      %swap3A_109 = arith.index_cast %add3A_92 : i32 to index
      %swap3A_110 = tpu.vector_load %arg9[%swap3A_108, %swap3A_109] {strides = array<i32>} : memref<256x128xf32, #tpu.memory_space<vmem>>, vector<1x16xf32>,
      %swap3A_111 = vector.shape_cast %swap3A_110 : vector<1x16xf32> to vector<16xf32>
      %swap3A_112 = vector.shape_cast %mul3A_105 : vector<16xf32> to vector<1x16xf32>
      tpu.vector_store %arg9[%swap3A_108, %swap3A_109], %swap3A_112 {strides = array<i32>} : memref<256x128xf32, #tpu.memory_space<vmem>>, vector<1x16xf32>,
      %and3A_113 = arith.constant 1 : i32
      %and3A_114 = arith.andi %add3A_31, %and3A_113 : i32
      %mul3A_115 = arith.constant 64 : i32
      %mul3A_116 = arith.muli %and3A_114, %mul3A_115 : i32
      %add3A_117 = arith.constant 48 : i32
      %add3A_118 = arith.addi %mul3A_116, %add3A_117 : i32
      %add3A_119 = arith.constant 48 : i32
      %add3A_120 = arith.addi %mul3A_35, %add3A_119 : i32
      %shift_right_arithmetic3A_121 = arith.constant 1 : i32
      %shift_right_arithmetic3A_122 = arith.shrsi %add3A_31, %shift_right_arithmetic3A_121 : i32
      %get3A_123 = arith.index_cast %shift_right_arithmetic3A_122 : i32 to index
      %get3A_124 = arith.index_cast %add3A_118 : i32 to index
      %get3A_125 = tpu.vector_load %arg9[%get3A_123, %get3A_124] {strides = array<i32>} : memref<256x128xf32, #tpu.memory_space<vmem>>, vector<1x16xf32>,
      %get3A_126 = vector.shape_cast %get3A_125 : vector<1x16xf32> to vector<16xf32>
      %get3A_127 = arith.index_cast %add3A_31 : i32 to index
      %get3A_128 = arith.index_cast %add3A_120 : i32 to index
      %get3A_129 = tpu.vector_load %arg10[%get3A_127, %get3A_128] {strides = array<i32>} : memref<512x128xf32, #tpu.memory_space<vmem>>, vector<1x16xf32>,
      %get3A_130 = vector.shape_cast %get3A_129 : vector<1x16xf32> to vector<16xf32>
      %mul3A_131 = arith.mulf %get3A_126, %get3A_130 : vector<16xf32>
      %shift_right_arithmetic3A_132 = arith.constant 1 : i32
      %shift_right_arithmetic3A_133 = arith.shrsi %add3A_31, %shift_right_arithmetic3A_132 : i32
      %swap3A_134 = arith.index_cast %shift_right_arithmetic3A_133 : i32 to index
      %swap3A_135 = arith.index_cast %add3A_118 : i32 to index
      %swap3A_136 = tpu.vector_load %arg9[%swap3A_134, %swap3A_135] {strides = array<i32>} : memref<256x128xf32, #tpu.memory_space<vmem>>, vector<1x16xf32>,
      %swap3A_137 = vector.shape_cast %swap3A_136 : vector<1x16xf32> to vector<16xf32>
      %swap3A_138 = vector.shape_cast %mul3A_131 : vector<16xf32> to vector<1x16xf32>
      tpu.vector_store %arg9[%swap3A_134, %swap3A_135], %swap3A_138 {strides = array<i32>} : memref<256x128xf32, #tpu.memory_space<vmem>>, vector<1x16xf32>,
      %add3A_139 = arith.constant 1 : i32
      %add3A_140 = arith.addi %mul3A_27, %add3A_139 : i32
      %slice3A_141 = vector.extract_strided_slice %get3A_29 {offsets = [1], sizes = [1], strides = [1]} : vector<16xi32> to vector<1xi32>
      %squeeze3A_142 = vector.extract %slice3A_141[0] : i32 from vector<1xi32>
      %shift_right_arithmetic3A_143 = arith.constant 12 : i32
      %shift_right_arithmetic3A_144 = arith.shrsi %squeeze3A_142, %shift_right_arithmetic3A_143 : i32
      %and3A_145 = arith.constant 1 : i32
      %and3A_146 = arith.andi %shift_right_arithmetic3A_144, %and3A_145 : i32
      %mul3A_147 = arith.constant 64 : i32
      %mul3A_148 = arith.muli %and3A_146, %mul3A_147 : i32
      %and3A_149 = arith.constant 1 : i32
      %and3A_150 = arith.andi %add3A_140, %and3A_149 : i32
      %mul3A_151 = arith.constant 64 : i32
      %mul3A_152 = arith.muli %and3A_150, %mul3A_151 : i32
      %add3A_153 = arith.constant 0 : i32
      %add3A_154 = arith.addi %mul3A_152, %add3A_153 : i32
      %add3A_155 = arith.constant 0 : i32
      %add3A_156 = arith.addi %mul3A_148, %add3A_155 : i32
      %shift_right_arithmetic3A_157 = arith.constant 1 : i32
      %shift_right_arithmetic3A_158 = arith.shrsi %add3A_140, %shift_right_arithmetic3A_157 : i32
      %get3A_159 = arith.index_cast %shift_right_arithmetic3A_158 : i32 to index
      %get3A_160 = arith.index_cast %add3A_154 : i32 to index
      %get3A_161 = tpu.vector_load %arg9[%get3A_159, %get3A_160] {strides = array<i32>} : memref<256x128xf32, #tpu.memory_space<vmem>>, vector<1x16xf32>,
      %get3A_162 = vector.shape_cast %get3A_161 : vector<1x16xf32> to vector<16xf32>
      %get3A_163 = arith.index_cast %add3A_140 : i32 to index
      %get3A_164 = arith.index_cast %add3A_156 : i32 to index
      %get3A_165 = tpu.vector_load %arg10[%get3A_163, %get3A_164] {strides = array<i32>} : memref<512x128xf32, #tpu.memory_space<vmem>>, vector<1x16xf32>,
      %get3A_166 = vector.shape_cast %get3A_165 : vector<1x16xf32> to vector<16xf32>
      %mul3A_167 = arith.mulf %get3A_162, %get3A_166 : vector<16xf32>
      %shift_right_arithmetic3A_168 = arith.constant 1 : i32
      %shift_right_arithmetic3A_169 = arith.shrsi %add3A_140, %shift_right_arithmetic3A_168 : i32
      %swap3A_170 = arith.index_cast %shift_right_arithmetic3A_169 : i32 to index
      %swap3A_171 = arith.index_cast %add3A_154 : i32 to index
      %swap3A_172 = tpu.vector_load %arg9[%swap3A_170, %swap3A_171] {strides = array<i32>} : memref<256x128xf32, #tpu.memory_space<vmem>>, vector<1x16xf32>,
      %swap3A_173 = vector.shape_cast %swap3A_172 : vector<1x16xf32> to vector<16xf32>
      %swap3A_174 = vector.shape_cast %mul3A_167 : vector<16xf32> to vector<1x16xf32>
      tpu.vector_store %arg9[%swap3A_170, %swap3A_171], %swap3A_174 {strides = array<i32>} : memref<256x128xf32, #tpu.memory_space<vmem>>, vector<1x16xf32>,
      %and3A_175 = arith.constant 1 : i32
      %and3A_176 = arith.andi %add3A_140, %and3A_175 : i32
      %mul3A_177 = arith.constant 64 : i32
      %mul3A_178 = arith.muli %and3A_176, %mul3A_177 : i32
      %add3A_179 = arith.constant 16 : i32
      %add3A_180 = arith.addi %mul3A_178, %add3A_179 : i32
      %add3A_181 = arith.constant 16 : i32
      %add3A_182 = arith.addi %mul3A_148, %add3A_181 : i32
      %shift_right_arithmetic3A_183 = arith.constant 1 : i32
      %shift_right_arithmetic3A_184 = arith.shrsi %add3A_140, %shift_right_arithmetic3A_183 : i32
      %get3A_185 = arith.index_cast %shift_right_arithmetic3A_184 : i32 to index
      %get3A_186 = arith.index_cast %add3A_180 : i32 to index
      %get3A_187 = tpu.vector_load %arg9[%get3A_185, %get3A_186] {strides = array<i32>} : memref<256x128xf32, #tpu.memory_space<vmem>>, vector<1x16xf32>,
      %get3A_188 = vector.shape_cast %get3A_187 : vector<1x16xf32> to vector<16xf32>
      %get3A_189 = arith.index_cast %add3A_140 : i32 to index
      %get3A_190 = arith.index_cast %add3A_182 : i32 to index
      %get3A_191 = tpu.vector_load %arg10[%get3A_189, %get3A_190] {strides = array<i32>} : memref<512x128xf32, #tpu.memory_space<vmem>>, vector<1x16xf32>,
      %get3A_192 = vector.shape_cast %get3A_191 : vector<1x16xf32> to vector<16xf32>
      %mul3A_193 = arith.mulf %get3A_188, %get3A_192 : vector<16xf32>
      %shift_right_arithmetic3A_194 = arith.constant 1 : i32
      %shift_right_arithmetic3A_195 = arith.shrsi %add3A_140, %shift_right_arithmetic3A_194 : i32
      %swap3A_196 = arith.index_cast %shift_right_arithmetic3A_195 : i32 to index
      %swap3A_197 = arith.index_cast %add3A_180 : i32 to index
      %swap3A_198 = tpu.vector_load %arg9[%swap3A_196, %swap3A_197] {strides = array<i32>} : memref<256x128xf32, #tpu.memory_space<vmem>>, vector<1x16xf32>,
      %swap3A_199 = vector.shape_cast %swap3A_198 : vector<1x16xf32> to vector<16xf32>
      %swap3A_200 = vector.shape_cast %mul3A_193 : vector<16xf32> to vector<1x16xf32>
      tpu.vector_store %arg9[%swap3A_196, %swap3A_197], %swap3A_200 {strides = array<i32>} : memref<256x128xf32, #tpu.memory_space<vmem>>, vector<1x16xf32>,
      %and3A_201 = arith.constant 1 : i32
      %and3A_202 = arith.andi %add3A_140, %and3A_201 : i32
      %mul3A_203 = arith.constant 64 : i32
      %mul3A_204 = arith.muli %and3A_202, %mul3A_203 : i32
      %add3A_205 = arith.constant 32 : i32
      %add3A_206 = arith.addi %mul3A_204, %add3A_205 : i32
      %add3A_207 = arith.constant 32 : i32
      %add3A_208 = arith.addi %mul3A_148, %add3A_207 : i32
      %shift_right_arithmetic3A_209 = arith.constant 1 : i32
      %shift_right_arithmetic3A_210 = arith.shrsi %add3A_140, %shift_right_arithmetic3A_209 : i32
      %get3A_211 = arith.index_cast %shift_right_arithmetic3A_210 : i32 to index
      %get3A_212 = arith.index_cast %add3A_206 : i32 to index
      %get3A_213 = tpu.vector_load %arg9[%get3A_211, %get3A_212] {strides = array<i32>} : memref<256x128xf32, #tpu.memory_space<vmem>>, vector<1x16xf32>,
      %get3A_214 = vector.shape_cast %get3A_213 : vector<1x16xf32> to vector<16xf32>
      %get3A_215 = arith.index_cast %add3A_140 : i32 to index
      %get3A_216 = arith.index_cast %add3A_208 : i32 to index
      %get3A_217 = tpu.vector_load %arg10[%get3A_215, %get3A_216] {strides = array<i32>} : memref<512x128xf32, #tpu.memory_space<vmem>>, vector<1x16xf32>,
      %get3A_218 = vector.shape_cast %get3A_217 : vector<1x16xf32> to vector<16xf32>
      %mul3A_219 = arith.mulf %get3A_214, %get3A_218 : vector<16xf32>
      %shift_right_arithmetic3A_220 = arith.constant 1 : i32
      %shift_right_arithmetic3A_221 = arith.shrsi %add3A_140, %shift_right_arithmetic3A_220 : i32
      %swap3A_222 = arith.index_cast %shift_right_arithmetic3A_221 : i32 to index
      %swap3A_223 = arith.index_cast %add3A_206 : i32 to index
      %swap3A_224 = tpu.vector_load %arg9[%swap3A_222, %swap3A_223] {strides = array<i32>} : memref<256x128xf32, #tpu.memory_space<vmem>>, vector<1x16xf32>,
      %swap3A_225 = vector.shape_cast %swap3A_224 : vector<1x16xf32> to vector<16xf32>
      %swap3A_226 = vector.shape_cast %mul3A_219 : vector<16xf32> to vector<1x16xf32>
      tpu.vector_store %arg9[%swap3A_222, %swap3A_223], %swap3A_226 {strides = array<i32>} : memref<256x128xf32, #tpu.memory_space<vmem>>, vector<1x16xf32>,
      %and3A_227 = arith.constant 1 : i32
      %and3A_228 = arith.andi %add3A_140, %and3A_227 : i32
      %mul3A_229 = arith.constant 64 : i32
      %mul3A_230 = arith.muli %and3A_228, %mul3A_229 : i32
      %add3A_231 = arith.constant 48 : i32
      %add3A_232 = arith.addi %mul3A_230, %add3A_231 : i32
      %add3A_233 = arith.constant 48 : i32
      %add3A_234 = arith.addi %mul3A_148, %add3A_233 : i32
      %shift_right_arithmetic3A_235 = arith.constant 1 : i32
      %shift_right_arithmetic3A_236 = arith.shrsi %add3A_140, %shift_right_arithmetic3A_235 : i32
      %get3A_237 = arith.index_cast %shift_right_arithmetic3A_236 : i32 to index
      %get3A_238 = arith.index_cast %add3A_232 : i32 to index
      %get3A_239 = tpu.vector_load %arg9[%get3A_237, %get3A_238] {strides = array<i32>} : memref<256x128xf32, #tpu.memory_space<vmem>>, vector<1x16xf32>,
      %get3A_240 = vector.shape_cast %get3A_239 : vector<1x16xf32> to vector<16xf32>
      %get3A_241 = arith.index_cast %add3A_140 : i32 to index
      %get3A_242 = arith.index_cast %add3A_234 : i32 to index
      %get3A_243 = tpu.vector_load %arg10[%get3A_241, %get3A_242] {strides = array<i32>} : memref<512x128xf32, #tpu.memory_space<vmem>>, vector<1x16xf32>,
      %get3A_244 = vector.shape_cast %get3A_243 : vector<1x16xf32> to vector<16xf32>
      %mul3A_245 = arith.mulf %get3A_240, %get3A_244 : vector<16xf32>
      %shift_right_arithmetic3A_246 = arith.constant 1 : i32
      %shift_right_arithmetic3A_247 = arith.shrsi %add3A_140, %shift_right_arithmetic3A_246 : i32
      %swap3A_248 = arith.index_cast %shift_right_arithmetic3A_247 : i32 to index
      %swap3A_249 = arith.index_cast %add3A_232 : i32 to index
      %swap3A_250 = tpu.vector_load %arg9[%swap3A_248, %swap3A_249] {strides = array<i32>} : memref<256x128xf32, #tpu.memory_space<vmem>>, vector<1x16xf32>,
      %swap3A_251 = vector.shape_cast %swap3A_250 : vector<1x16xf32> to vector<16xf32>
      %swap3A_252 = vector.shape_cast %mul3A_245 : vector<16xf32> to vector<1x16xf32>
      tpu.vector_store %arg9[%swap3A_248, %swap3A_249], %swap3A_252 {strides = array<i32>} : memref<256x128xf32, #tpu.memory_space<vmem>>, vector<1x16xf32>,
      %add3A_253 = arith.constant 2 : i32
      %add3A_254 = arith.addi %mul3A_27, %add3A_253 : i32
      %slice3A_255 = vector.extract_strided_slice %get3A_29 {offsets = [2], sizes = [1], strides = [1]} : vector<16xi32> to vector<1xi32>
      %squeeze3A_256 = vector.extract %slice3A_255[0] : i32 from vector<1xi32>
      %shift_right_arithmetic3A_257 = arith.constant 12 : i32
      %shift_right_arithmetic3A_258 = arith.shrsi %squeeze3A_256, %shift_right_arithmetic3A_257 : i32
      %and3A_259 = arith.constant 1 : i32
      %and3A_260 = arith.andi %shift_right_arithmetic3A_258, %and3A_259 : i32
      %mul3A_261 = arith.constant 64 : i32
      %mul3A_262 = arith.muli %and3A_260, %mul3A_261 : i32
      %and3A_263 = arith.constant 1 : i32
      %and3A_264 = arith.andi %add3A_254, %and3A_263 : i32
      %mul3A_265 = arith.constant 64 : i32
      %mul3A_266 = arith.muli %and3A_264, %mul3A_265 : i32
      %add3A_267 = arith.constant 0 : i32
      %add3A_268 = arith.addi %mul3A_266, %add3A_267 : i32
      %add3A_269 = arith.constant 0 : i32
      %add3A_270 = arith.addi %mul3A_262, %add3A_269 : i32
      %shift_right_arithmetic3A_271 = arith.constant 1 : i32
      %shift_right_arithmetic3A_272 = arith.shrsi %add3A_254, %shift_right_arithmetic3A_271 : i32
      %get3A_273 = arith.index_cast %shift_right_arithmetic3A_272 : i32 to index
      %get3A_274 = arith.index_cast %add3A_268 : i32 to index
      %get3A_275 = tpu.vector_load %arg9[%get3A_273, %get3A_274] {strides = array<i32>} : memref<256x128xf32, #tpu.memory_space<vmem>>, vector<1x16xf32>,
      %get3A_276 = vector.shape_cast %get3A_275 : vector<1x16xf32> to vector<16xf32>
      %get3A_277 = arith.index_cast %add3A_254 : i32 to index
      %get3A_278 = arith.index_cast %add3A_270 : i32 to index
      %get3A_279 = tpu.vector_load %arg10[%get3A_277, %get3A_278] {strides = array<i32>} : memref<512x128xf32, #tpu.memory_space<vmem>>, vector<1x16xf32>,
      %get3A_280 = vector.shape_cast %get3A_279 : vector<1x16xf32> to vector<16xf32>
      %mul3A_281 = arith.mulf %get3A_276, %get3A_280 : vector<16xf32>
      %shift_right_arithmetic3A_282 = arith.constant 1 : i32
      %shift_right_arithmetic3A_283 = arith.shrsi %add3A_254, %shift_right_arithmetic3A_282 : i32
      %swap3A_284 = arith.index_cast %shift_right_arithmetic3A_283 : i32 to index
      %swap3A_285 = arith.index_cast %add3A_268 : i32 to index
      %swap3A_286 = tpu.vector_load %arg9[%swap3A_284, %swap3A_285] {strides = array<i32>} : memref<256x128xf32, #tpu.memory_space<vmem>>, vector<1x16xf32>,
      %swap3A_287 = vector.shape_cast %swap3A_286 : vector<1x16xf32> to vector<16xf32>
      %swap3A_288 = vector.shape_cast %mul3A_281 : vector<16xf32> to vector<1x16xf32>
      tpu.vector_store %arg9[%swap3A_284, %swap3A_285], %swap3A_288 {strides = array<i32>} : memref<256x128xf32, #tpu.memory_space<vmem>>, vector<1x16xf32>,
      %and3A_289 = arith.constant 1 : i32
      %and3A_290 = arith.andi %add3A_254, %and3A_289 : i32
      %mul3A_291 = arith.constant 64 : i32
      %mul3A_292 = arith.muli %and3A_290, %mul3A_291 : i32
      %add3A_293 = arith.constant 16 : i32
      %add3A_294 = arith.addi %mul3A_292, %add3A_293 : i32
      %add3A_295 = arith.constant 16 : i32
      %add3A_296 = arith.addi %mul3A_262, %add3A_295 : i32
      %shift_right_arithmetic3A_297 = arith.constant 1 : i32
      %shift_right_arithmetic3A_298 = arith.shrsi %add3A_254, %shift_right_arithmetic3A_297 : i32
      %get3A_299 = arith.index_cast %shift_right_arithmetic3A_298 : i32 to index
      %get3A_300 = arith.index_cast %add3A_294 : i32 to index
      %get3A_301 = tpu.vector_load %arg9[%get3A_299, %get3A_300] {strides = array<i32>} : memref<256x128xf32, #tpu.memory_space<vmem>>, vector<1x16xf32>,
      %get3A_302 = vector.shape_cast %get3A_301 : vector<1x16xf32> to vector<16xf32>
      %get3A_303 = arith.index_cast %add3A_254 : i32 to index
      %get3A_304 = arith.index_cast %add3A_296 : i32 to index
      %get3A_305 = tpu.vector_load %arg10[%get3A_303, %get3A_304] {strides = array<i32>} : memref<512x128xf32, #tpu.memory_space<vmem>>, vector<1x16xf32>,
      %get3A_306 = vector.shape_cast %get3A_305 : vector<1x16xf32> to vector<16xf32>
      %mul3A_307 = arith.mulf %get3A_302, %get3A_306 : vector<16xf32>
      %shift_right_arithmetic3A_308 = arith.constant 1 : i32
      %shift_right_arithmetic3A_309 = arith.shrsi %add3A_254, %shift_right_arithmetic3A_308 : i32
      %swap3A_310 = arith.index_cast %shift_right_arithmetic3A_309 : i32 to index
      %swap3A_311 = arith.index_cast %add3A_294 : i32 to index
      %swap3A_312 = tpu.vector_load %arg9[%swap3A_310, %swap3A_311] {strides = array<i32>} : memref<256x128xf32, #tpu.memory_space<vmem>>, vector<1x16xf32>,
      %swap3A_313 = vector.shape_cast %swap3A_312 : vector<1x16xf32> to vector<16xf32>
      %swap3A_314 = vector.shape_cast %mul3A_307 : vector<16xf32> to vector<1x16xf32>
      tpu.vector_store %arg9[%swap3A_310, %swap3A_311], %swap3A_314 {strides = array<i32>} : memref<256x128xf32, #tpu.memory_space<vmem>>, vector<1x16xf32>,
      %and3A_315 = arith.constant 1 : i32
      %and3A_316 = arith.andi %add3A_254, %and3A_315 : i32
      %mul3A_317 = arith.constant 64 : i32
      %mul3A_318 = arith.muli %and3A_316, %mul3A_317 : i32
      %add3A_319 = arith.constant 32 : i32
      %add3A_320 = arith.addi %mul3A_318, %add3A_319 : i32
      %add3A_321 = arith.constant 32 : i32
      %add3A_322 = arith.addi %mul3A_262, %add3A_321 : i32
      %shift_right_arithmetic3A_323 = arith.constant 1 : i32
      %shift_right_arithmetic3A_324 = arith.shrsi %add3A_254, %shift_right_arithmetic3A_323 : i32
      %get3A_325 = arith.index_cast %shift_right_arithmetic3A_324 : i32 to index
      %get3A_326 = arith.index_cast %add3A_320 : i32 to index
      %get3A_327 = tpu.vector_load %arg9[%get3A_325, %get3A_326] {strides = array<i32>} : memref<256x128xf32, #tpu.memory_space<vmem>>, vector<1x16xf32>,
      %get3A_328 = vector.shape_cast %get3A_327 : vector<1x16xf32> to vector<16xf32>
      %get3A_329 = arith.index_cast %add3A_254 : i32 to index
      %get3A_330 = arith.index_cast %add3A_322 : i32 to index
      %get3A_331 = tpu.vector_load %arg10[%get3A_329, %get3A_330] {strides = array<i32>} : memref<512x128xf32, #tpu.memory_space<vmem>>, vector<1x16xf32>,
      %get3A_332 = vector.shape_cast %get3A_331 : vector<1x16xf32> to vector<16xf32>
      %mul3A_333 = arith.mulf %get3A_328, %get3A_332 : vector<16xf32>
      %shift_right_arithmetic3A_334 = arith.constant 1 : i32
      %shift_right_arithmetic3A_335 = arith.shrsi %add3A_254, %shift_right_arithmetic3A_334 : i32
      %swap3A_336 = arith.index_cast %shift_right_arithmetic3A_335 : i32 to index
      %swap3A_337 = arith.index_cast %add3A_320 : i32 to index
      %swap3A_338 = tpu.vector_load %arg9[%swap3A_336, %swap3A_337] {strides = array<i32>} : memref<256x128xf32, #tpu.memory_space<vmem>>, vector<1x16xf32>,
      %swap3A_339 = vector.shape_cast %swap3A_338 : vector<1x16xf32> to vector<16xf32>
      %swap3A_340 = vector.shape_cast %mul3A_333 : vector<16xf32> to vector<1x16xf32>
      tpu.vector_store %arg9[%swap3A_336, %swap3A_337], %swap3A_340 {strides = array<i32>} : memref<256x128xf32, #tpu.memory_space<vmem>>, vector<1x16xf32>,
      %and3A_341 = arith.constant 1 : i32
      %and3A_342 = arith.andi %add3A_254, %and3A_341 : i32
      %mul3A_343 = arith.constant 64 : i32
      %mul3A_344 = arith.muli %and3A_342, %mul3A_343 : i32
      %add3A_345 = arith.constant 48 : i32
      %add3A_346 = arith.addi %mul3A_344, %add3A_345 : i32
      %add3A_347 = arith.constant 48 : i32
      %add3A_348 = arith.addi %mul3A_262, %add3A_347 : i32
      %shift_right_arithmetic3A_349 = arith.constant 1 : i32
      %shift_right_arithmetic3A_350 = arith.shrsi %add3A_254, %shift_right_arithmetic3A_349 : i32
      %get3A_351 = arith.index_cast %shift_right_arithmetic3A_350 : i32 to index
      %get3A_352 = arith.index_cast %add3A_346 : i32 to index
      %get3A_353 = tpu.vector_load %arg9[%get3A_351, %get3A_352] {strides = array<i32>} : memref<256x128xf32, #tpu.memory_space<vmem>>, vector<1x16xf32>,
      %get3A_354 = vector.shape_cast %get3A_353 : vector<1x16xf32> to vector<16xf32>
      %get3A_355 = arith.index_cast %add3A_254 : i32 to index
      %get3A_356 = arith.index_cast %add3A_348 : i32 to index
      %get3A_357 = tpu.vector_load %arg10[%get3A_355, %get3A_356] {strides = array<i32>} : memref<512x128xf32, #tpu.memory_space<vmem>>, vector<1x16xf32>,
      %get3A_358 = vector.shape_cast %get3A_357 : vector<1x16xf32> to vector<16xf32>
      %mul3A_359 = arith.mulf %get3A_354, %get3A_358 : vector<16xf32>
      %shift_right_arithmetic3A_360 = arith.constant 1 : i32
      %shift_right_arithmetic3A_361 = arith.shrsi %add3A_254, %shift_right_arithmetic3A_360 : i32
      %swap3A_362 = arith.index_cast %shift_right_arithmetic3A_361 : i32 to index
      %swap3A_363 = arith.index_cast %add3A_346 : i32 to index
      %swap3A_364 = tpu.vector_load %arg9[%swap3A_362, %swap3A_363] {strides = array<i32>} : memref<256x128xf32, #tpu.memory_space<vmem>>, vector<1x16xf32>,
      %swap3A_365 = vector.shape_cast %swap3A_364 : vector<1x16xf32> to vector<16xf32>
      %swap3A_366 = vector.shape_cast %mul3A_359 : vector<16xf32> to vector<1x16xf32>
      tpu.vector_store %arg9[%swap3A_362, %swap3A_363], %swap3A_366 {strides = array<i32>} : memref<256x128xf32, #tpu.memory_space<vmem>>, vector<1x16xf32>,
      %add3A_367 = arith.constant 3 : i32
      %add3A_368 = arith.addi %mul3A_27, %add3A_367 : i32
      %slice3A_369 = vector.extract_strided_slice %get3A_29 {offsets = [3], sizes = [1], strides = [1]} : vector<16xi32> to vector<1xi32>
      %squeeze3A_370 = vector.extract %slice3A_369[0] : i32 from vector<1xi32>
      %shift_right_arithmetic3A_371 = arith.constant 12 : i32
      %shift_right_arithmetic3A_372 = arith.shrsi %squeeze3A_370, %shift_right_arithmetic3A_371 : i32
      %and3A_373 = arith.constant 1 : i32
      %and3A_374 = arith.andi %shift_right_arithmetic3A_372, %and3A_373 : i32
      %mul3A_375 = arith.constant 64 : i32
      %mul3A_376 = arith.muli %and3A_374, %mul3A_375 : i32
      %and3A_377 = arith.constant 1 : i32
      %and3A_378 = arith.andi %add3A_368, %and3A_377 : i32
      %mul3A_379 = arith.constant 64 : i32
      %mul3A_380 = arith.muli %and3A_378, %mul3A_379 : i32
      %add3A_381 = arith.constant 0 : i32
      %add3A_382 = arith.addi %mul3A_380, %add3A_381 : i32
      %add3A_383 = arith.constant 0 : i32
      %add3A_384 = arith.addi %mul3A_376, %add3A_383 : i32
      %shift_right_arithmetic3A_385 = arith.constant 1 : i32
      %shift_right_arithmetic3A_386 = arith.shrsi %add3A_368, %shift_right_arithmetic3A_385 : i32
      %get3A_387 = arith.index_cast %shift_right_arithmetic3A_386 : i32 to index
      %get3A_388 = arith.index_cast %add3A_382 : i32 to index
      %get3A_389 = tpu.vector_load %arg9[%get3A_387, %get3A_388] {strides = array<i32>} : memref<256x128xf32, #tpu.memory_space<vmem>>, vector<1x16xf32>,
      %get3A_390 = vector.shape_cast %get3A_389 : vector<1x16xf32> to vector<16xf32>
      %get3A_391 = arith.index_cast %add3A_368 : i32 to index
      %get3A_392 = arith.index_cast %add3A_384 : i32 to index
      %get3A_393 = tpu.vector_load %arg10[%get3A_391, %get3A_392] {strides = array<i32>} : memref<512x128xf32, #tpu.memory_space<vmem>>, vector<1x16xf32>,
      %get3A_394 = vector.shape_cast %get3A_393 : vector<1x16xf32> to vector<16xf32>
      %mul3A_395 = arith.mulf %get3A_390, %get3A_394 : vector<16xf32>
      %shift_right_arithmetic3A_396 = arith.constant 1 : i32
      %shift_right_arithmetic3A_397 = arith.shrsi %add3A_368, %shift_right_arithmetic3A_396 : i32
      %swap3A_398 = arith.index_cast %shift_right_arithmetic3A_397 : i32 to index
      %swap3A_399 = arith.index_cast %add3A_382 : i32 to index
      %swap3A_400 = tpu.vector_load %arg9[%swap3A_398, %swap3A_399] {strides = array<i32>} : memref<256x128xf32, #tpu.memory_space<vmem>>, vector<1x16xf32>,
      %swap3A_401 = vector.shape_cast %swap3A_400 : vector<1x16xf32> to vector<16xf32>
      %swap3A_402 = vector.shape_cast %mul3A_395 : vector<16xf32> to vector<1x16xf32>
      tpu.vector_store %arg9[%swap3A_398, %swap3A_399], %swap3A_402 {strides = array<i32>} : memref<256x128xf32, #tpu.memory_space<vmem>>, vector<1x16xf32>,
      %and3A_403 = arith.constant 1 : i32
      %and3A_404 = arith.andi %add3A_368, %and3A_403 : i32
      %mul3A_405 = arith.constant 64 : i32
      %mul3A_406 = arith.muli %and3A_404, %mul3A_405 : i32
      %add3A_407 = arith.constant 16 : i32
      %add3A_408 = arith.addi %mul3A_406, %add3A_407 : i32
      %add3A_409 = arith.constant 16 : i32
      %add3A_410 = arith.addi %mul3A_376, %add3A_409 : i32
      %shift_right_arithmetic3A_411 = arith.constant 1 : i32
      %shift_right_arithmetic3A_412 = arith.shrsi %add3A_368, %shift_right_arithmetic3A_411 : i32
      %get3A_413 = arith.index_cast %shift_right_arithmetic3A_412 : i32 to index
      %get3A_414 = arith.index_cast %add3A_408 : i32 to index
      %get3A_415 = tpu.vector_load %arg9[%get3A_413, %get3A_414] {strides = array<i32>} : memref<256x128xf32, #tpu.memory_space<vmem>>, vector<1x16xf32>,
      %get3A_416 = vector.shape_cast %get3A_415 : vector<1x16xf32> to vector<16xf32>
      %get3A_417 = arith.index_cast %add3A_368 : i32 to index
      %get3A_418 = arith.index_cast %add3A_410 : i32 to index
      %get3A_419 = tpu.vector_load %arg10[%get3A_417, %get3A_418] {strides = array<i32>} : memref<512x128xf32, #tpu.memory_space<vmem>>, vector<1x16xf32>,
      %get3A_420 = vector.shape_cast %get3A_419 : vector<1x16xf32> to vector<16xf32>
      %mul3A_421 = arith.mulf %get3A_416, %get3A_420 : vector<16xf32>
      %shift_right_arithmetic3A_422 = arith.constant 1 : i32
      %shift_right_arithmetic3A_423 = arith.shrsi %add3A_368, %shift_right_arithmetic3A_422 : i32
      %swap3A_424 = arith.index_cast %shift_right_arithmetic3A_423 : i32 to index
      %swap3A_425 = arith.index_cast %add3A_408 : i32 to index
      %swap3A_426 = tpu.vector_load %arg9[%swap3A_424, %swap3A_425] {strides = array<i32>} : memref<256x128xf32, #tpu.memory_space<vmem>>, vector<1x16xf32>,
      %swap3A_427 = vector.shape_cast %swap3A_426 : vector<1x16xf32> to vector<16xf32>
      %swap3A_428 = vector.shape_cast %mul3A_421 : vector<16xf32> to vector<1x16xf32>
      tpu.vector_store %arg9[%swap3A_424, %swap3A_425], %swap3A_428 {strides = array<i32>} : memref<256x128xf32, #tpu.memory_space<vmem>>, vector<1x16xf32>,
      %and3A_429 = arith.constant 1 : i32
      %and3A_430 = arith.andi %add3A_368, %and3A_429 : i32
      %mul3A_431 = arith.constant 64 : i32
      %mul3A_432 = arith.muli %and3A_430, %mul3A_431 : i32
      %add3A_433 = arith.constant 32 : i32
      %add3A_434 = arith.addi %mul3A_432, %add3A_433 : i32
      %add3A_435 = arith.constant 32 : i32
      %add3A_436 = arith.addi %mul3A_376, %add3A_435 : i32
      %shift_right_arithmetic3A_437 = arith.constant 1 : i32
      %shift_right_arithmetic3A_438 = arith.shrsi %add3A_368, %shift_right_arithmetic3A_437 : i32
      %get3A_439 = arith.index_cast %shift_right_arithmetic3A_438 : i32 to index
      %get3A_440 = arith.index_cast %add3A_434 : i32 to index
      %get3A_441 = tpu.vector_load %arg9[%get3A_439, %get3A_440] {strides = array<i32>} : memref<256x128xf32, #tpu.memory_space<vmem>>, vector<1x16xf32>,
      %get3A_442 = vector.shape_cast %get3A_441 : vector<1x16xf32> to vector<16xf32>
      %get3A_443 = arith.index_cast %add3A_368 : i32 to index
      %get3A_444 = arith.index_cast %add3A_436 : i32 to index
      %get3A_445 = tpu.vector_load %arg10[%get3A_443, %get3A_444] {strides = array<i32>} : memref<512x128xf32, #tpu.memory_space<vmem>>, vector<1x16xf32>,
      %get3A_446 = vector.shape_cast %get3A_445 : vector<1x16xf32> to vector<16xf32>
      %mul3A_447 = arith.mulf %get3A_442, %get3A_446 : vector<16xf32>
      %shift_right_arithmetic3A_448 = arith.constant 1 : i32
      %shift_right_arithmetic3A_449 = arith.shrsi %add3A_368, %shift_right_arithmetic3A_448 : i32
      %swap3A_450 = arith.index_cast %shift_right_arithmetic3A_449 : i32 to index
      %swap3A_451 = arith.index_cast %add3A_434 : i32 to index
      %swap3A_452 = tpu.vector_load %arg9[%swap3A_450, %swap3A_451] {strides = array<i32>} : memref<256x128xf32, #tpu.memory_space<vmem>>, vector<1x16xf32>,
      %swap3A_453 = vector.shape_cast %swap3A_452 : vector<1x16xf32> to vector<16xf32>
      %swap3A_454 = vector.shape_cast %mul3A_447 : vector<16xf32> to vector<1x16xf32>
      tpu.vector_store %arg9[%swap3A_450, %swap3A_451], %swap3A_454 {strides = array<i32>} : memref<256x128xf32, #tpu.memory_space<vmem>>, vector<1x16xf32>,
      %and3A_455 = arith.constant 1 : i32
      %and3A_456 = arith.andi %add3A_368, %and3A_455 : i32
      %mul3A_457 = arith.constant 64 : i32
      %mul3A_458 = arith.muli %and3A_456, %mul3A_457 : i32
      %add3A_459 = arith.constant 48 : i32
      %add3A_460 = arith.addi %mul3A_458, %add3A_459 : i32
      %add3A_461 = arith.constant 48 : i32
      %add3A_462 = arith.addi %mul3A_376, %add3A_461 : i32
      %shift_right_arithmetic3A_463 = arith.constant 1 : i32
      %shift_right_arithmetic3A_464 = arith.shrsi %add3A_368, %shift_right_arithmetic3A_463 : i32
      %get3A_465 = arith.index_cast %shift_right_arithmetic3A_464 : i32 to index
      %get3A_466 = arith.index_cast %add3A_460 : i32 to index
      %get3A_467 = tpu.vector_load %arg9[%get3A_465, %get3A_466] {strides = array<i32>} : memref<256x128xf32, #tpu.memory_space<vmem>>, vector<1x16xf32>,
      %get3A_468 = vector.shape_cast %get3A_467 : vector<1x16xf32> to vector<16xf32>
      %get3A_469 = arith.index_cast %add3A_368 : i32 to index
      %get3A_470 = arith.index_cast %add3A_462 : i32 to index
      %get3A_471 = tpu.vector_load %arg10[%get3A_469, %get3A_470] {strides = array<i32>} : memref<512x128xf32, #tpu.memory_space<vmem>>, vector<1x16xf32>,
      %get3A_472 = vector.shape_cast %get3A_471 : vector<1x16xf32> to vector<16xf32>
      %mul3A_473 = arith.mulf %get3A_468, %get3A_472 : vector<16xf32>
      %shift_right_arithmetic3A_474 = arith.constant 1 : i32
      %shift_right_arithmetic3A_475 = arith.shrsi %add3A_368, %shift_right_arithmetic3A_474 : i32
      %swap3A_476 = arith.index_cast %shift_right_arithmetic3A_475 : i32 to index
      %swap3A_477 = arith.index_cast %add3A_460 : i32 to index
      %swap3A_478 = tpu.vector_load %arg9[%swap3A_476, %swap3A_477] {strides = array<i32>} : memref<256x128xf32, #tpu.memory_space<vmem>>, vector<1x16xf32>,
      %swap3A_479 = vector.shape_cast %swap3A_478 : vector<1x16xf32> to vector<16xf32>
      %swap3A_480 = vector.shape_cast %mul3A_473 : vector<16xf32> to vector<1x16xf32>
      tpu.vector_store %arg9[%swap3A_476, %swap3A_477], %swap3A_480 {strides = array<i32>} : memref<256x128xf32, #tpu.memory_space<vmem>>, vector<1x16xf32>,
      %add3A_481 = arith.constant 4 : i32
      %add3A_482 = arith.addi %mul3A_27, %add3A_481 : i32
      %slice3A_483 = vector.extract_strided_slice %get3A_29 {offsets = [4], sizes = [1], strides = [1]} : vector<16xi32> to vector<1xi32>
      %squeeze3A_484 = vector.extract %slice3A_483[0] : i32 from vector<1xi32>
      %shift_right_arithmetic3A_485 = arith.constant 12 : i32
      %shift_right_arithmetic3A_486 = arith.shrsi %squeeze3A_484, %shift_right_arithmetic3A_485 : i32
      %and3A_487 = arith.constant 1 : i32
      %and3A_488 = arith.andi %shift_right_arithmetic3A_486, %and3A_487 : i32
      %mul3A_489 = arith.constant 64 : i32
      %mul3A_490 = arith.muli %and3A_488, %mul3A_489 : i32
      %and3A_491 = arith.constant 1 : i32
      %and3A_492 = arith.andi %add3A_482, %and3A_491 : i32
      %mul3A_493 = arith.constant 64 : i32
      %mul3A_494 = arith.muli %and3A_492, %mul3A_493 : i32
      %add3A_495 = arith.constant 0 : i32
      %add3A_496 = arith.addi %mul3A_494, %add3A_495 : i32
      %add3A_497 = arith.constant 0 : i32
      %add3A_498 = arith.addi %mul3A_490, %add3A_497 : i32
      %shift_right_arithmetic3A_499 = arith.constant 1 : i32
      %shift_right_arithmetic3A_500 = arith.shrsi %add3A_482, %shift_right_arithmetic3A_499 : i32
      %get3A_501 = arith.index_cast %shift_right_arithmetic3A_500 : i32 to index
      %get3A_502 = arith.index_cast %add3A_496 : i32 to index
      %get3A_503 = tpu.vector_load %arg9[%get3A_501, %get3A_502] {strides = array<i32>} : memref<256x128xf32, #tpu.memory_space<vmem>>, vector<1x16xf32>,
      %get3A_504 = vector.shape_cast %get3A_503 : vector<1x16xf32> to vector<16xf32>
      %get3A_505 = arith.index_cast %add3A_482 : i32 to index
      %get3A_506 = arith.index_cast %add3A_498 : i32 to index
      %get3A_507 = tpu.vector_load %arg10[%get3A_505, %get3A_506] {strides = array<i32>} : memref<512x128xf32, #tpu.memory_space<vmem>>, vector<1x16xf32>,
      %get3A_508 = vector.shape_cast %get3A_507 : vector<1x16xf32> to vector<16xf32>
      %mul3A_509 = arith.mulf %get3A_504, %get3A_508 : vector<16xf32>
      %shift_right_arithmetic3A_510 = arith.constant 1 : i32
      %shift_right_arithmetic3A_511 = arith.shrsi %add3A_482, %shift_right_arithmetic3A_510 : i32
      %swap3A_512 = arith.index_cast %shift_right_arithmetic3A_511 : i32 to index
      %swap3A_513 = arith.index_cast %add3A_496 : i32 to index
      %swap3A_514 = tpu.vector_load %arg9[%swap3A_512, %swap3A_513] {strides = array<i32>} : memref<256x128xf32, #tpu.memory_space<vmem>>, vector<1x16xf32>,
      %swap3A_515 = vector.shape_cast %swap3A_514 : vector<1x16xf32> to vector<16xf32>
      %swap3A_516 = vector.shape_cast %mul3A_509 : vector<16xf32> to vector<1x16xf32>
      tpu.vector_store %arg9[%swap3A_512, %swap3A_513], %swap3A_516 {strides = array<i32>} : memref<256x128xf32, #tpu.memory_space<vmem>>, vector<1x16xf32>,
      %and3A_517 = arith.constant 1 : i32
      %and3A_518 = arith.andi %add3A_482, %and3A_517 : i32
      %mul3A_519 = arith.constant 64 : i32
      %mul3A_520 = arith.muli %and3A_518, %mul3A_519 : i32
      %add3A_521 = arith.constant 16 : i32
      %add3A_522 = arith.addi %mul3A_520, %add3A_521 : i32
      %add3A_523 = arith.constant 16 : i32
      %add3A_524 = arith.addi %mul3A_490, %add3A_523 : i32
      %shift_right_arithmetic3A_525 = arith.constant 1 : i32
      %shift_right_arithmetic3A_526 = arith.shrsi %add3A_482, %shift_right_arithmetic3A_525 : i32
      %get3A_527 = arith.index_cast %shift_right_arithmetic3A_526 : i32 to index
      %get3A_528 = arith.index_cast %add3A_522 : i32 to index
      %get3A_529 = tpu.vector_load %arg9[%get3A_527, %get3A_528] {strides = array<i32>} : memref<256x128xf32, #tpu.memory_space<vmem>>, vector<1x16xf32>,
      %get3A_530 = vector.shape_cast %get3A_529 : vector<1x16xf32> to vector<16xf32>
      %get3A_531 = arith.index_cast %add3A_482 : i32 to index
      %get3A_532 = arith.index_cast %add3A_524 : i32 to index
      %get3A_533 = tpu.vector_load %arg10[%get3A_531, %get3A_532] {strides = array<i32>} : memref<512x128xf32, #tpu.memory_space<vmem>>, vector<1x16xf32>,
      %get3A_534 = vector.shape_cast %get3A_533 : vector<1x16xf32> to vector<16xf32>
      %mul3A_535 = arith.mulf %get3A_530, %get3A_534 : vector<16xf32>
      %shift_right_arithmetic3A_536 = arith.constant 1 : i32
      %shift_right_arithmetic3A_537 = arith.shrsi %add3A_482, %shift_right_arithmetic3A_536 : i32
      %swap3A_538 = arith.index_cast %shift_right_arithmetic3A_537 : i32 to index
      %swap3A_539 = arith.index_cast %add3A_522 : i32 to index
      %swap3A_540 = tpu.vector_load %arg9[%swap3A_538, %swap3A_539] {strides = array<i32>} : memref<256x128xf32, #tpu.memory_space<vmem>>, vector<1x16xf32>,
      %swap3A_541 = vector.shape_cast %swap3A_540 : vector<1x16xf32> to vector<16xf32>
      %swap3A_542 = vector.shape_cast %mul3A_535 : vector<16xf32> to vector<1x16xf32>
      tpu.vector_store %arg9[%swap3A_538, %swap3A_539], %swap3A_542 {strides = array<i32>} : memref<256x128xf32, #tpu.memory_space<vmem>>, vector<1x16xf32>,
      %and3A_543 = arith.constant 1 : i32
      %and3A_544 = arith.andi %add3A_482, %and3A_543 : i32
      %mul3A_545 = arith.constant 64 : i32
      %mul3A_546 = arith.muli %and3A_544, %mul3A_545 : i32
      %add3A_547 = arith.constant 32 : i32
      %add3A_548 = arith.addi %mul3A_546, %add3A_547 : i32
      %add3A_549 = arith.constant 32 : i32
      %add3A_550 = arith.addi %mul3A_490, %add3A_549 : i32
      %shift_right_arithmetic3A_551 = arith.constant 1 : i32
      %shift_right_arithmetic3A_552 = arith.shrsi %add3A_482, %shift_right_arithmetic3A_551 : i32
      %get3A_553 = arith.index_cast %shift_right_arithmetic3A_552 : i32 to index
      %get3A_554 = arith.index_cast %add3A_548 : i32 to index
      %get3A_555 = tpu.vector_load %arg9[%get3A_553, %get3A_554] {strides = array<i32>} : memref<256x128xf32, #tpu.memory_space<vmem>>, vector<1x16xf32>,
      %get3A_556 = vector.shape_cast %get3A_555 : vector<1x16xf32> to vector<16xf32>
      %get3A_557 = arith.index_cast %add3A_482 : i32 to index
      %get3A_558 = arith.index_cast %add3A_550 : i32 to index
      %get3A_559 = tpu.vector_load %arg10[%get3A_557, %get3A_558] {strides = array<i32>} : memref<512x128xf32, #tpu.memory_space<vmem>>, vector<1x16xf32>,
      %get3A_560 = vector.shape_cast %get3A_559 : vector<1x16xf32> to vector<16xf32>
      %mul3A_561 = arith.mulf %get3A_556, %get3A_560 : vector<16xf32>
      %shift_right_arithmetic3A_562 = arith.constant 1 : i32
      %shift_right_arithmetic3A_563 = arith.shrsi %add3A_482, %shift_right_arithmetic3A_562 : i32
      %swap3A_564 = arith.index_cast %shift_right_arithmetic3A_563 : i32 to index
      %swap3A_565 = arith.index_cast %add3A_548 : i32 to index
      %swap3A_566 = tpu.vector_load %arg9[%swap3A_564, %swap3A_565] {strides = array<i32>} : memref<256x128xf32, #tpu.memory_space<vmem>>, vector<1x16xf32>,
      %swap3A_567 = vector.shape_cast %swap3A_566 : vector<1x16xf32> to vector<16xf32>
      %swap3A_568 = vector.shape_cast %mul3A_561 : vector<16xf32> to vector<1x16xf32>
      tpu.vector_store %arg9[%swap3A_564, %swap3A_565], %swap3A_568 {strides = array<i32>} : memref<256x128xf32, #tpu.memory_space<vmem>>, vector<1x16xf32>,
      %and3A_569 = arith.constant 1 : i32
      %and3A_570 = arith.andi %add3A_482, %and3A_569 : i32
      %mul3A_571 = arith.constant 64 : i32
      %mul3A_572 = arith.muli %and3A_570, %mul3A_571 : i32
      %add3A_573 = arith.constant 48 : i32
      %add3A_574 = arith.addi %mul3A_572, %add3A_573 : i32
      %add3A_575 = arith.constant 48 : i32
      %add3A_576 = arith.addi %mul3A_490, %add3A_575 : i32
      %shift_right_arithmetic3A_577 = arith.constant 1 : i32
      %shift_right_arithmetic3A_578 = arith.shrsi %add3A_482, %shift_right_arithmetic3A_577 : i32
      %get3A_579 = arith.index_cast %shift_right_arithmetic3A_578 : i32 to index
      %get3A_580 = arith.index_cast %add3A_574 : i32 to index
      %get3A_581 = tpu.vector_load %arg9[%get3A_579, %get3A_580] {strides = array<i32>} : memref<256x128xf32, #tpu.memory_space<vmem>>, vector<1x16xf32>,
      %get3A_582 = vector.shape_cast %get3A_581 : vector<1x16xf32> to vector<16xf32>
      %get3A_583 = arith.index_cast %add3A_482 : i32 to index
      %get3A_584 = arith.index_cast %add3A_576 : i32 to index
      %get3A_585 = tpu.vector_load %arg10[%get3A_583, %get3A_584] {strides = array<i32>} : memref<512x128xf32, #tpu.memory_space<vmem>>, vector<1x16xf32>,
      %get3A_586 = vector.shape_cast %get3A_585 : vector<1x16xf32> to vector<16xf32>
      %mul3A_587 = arith.mulf %get3A_582, %get3A_586 : vector<16xf32>
      %shift_right_arithmetic3A_588 = arith.constant 1 : i32
      %shift_right_arithmetic3A_589 = arith.shrsi %add3A_482, %shift_right_arithmetic3A_588 : i32
      %swap3A_590 = arith.index_cast %shift_right_arithmetic3A_589 : i32 to index
      %swap3A_591 = arith.index_cast %add3A_574 : i32 to index
      %swap3A_592 = tpu.vector_load %arg9[%swap3A_590, %swap3A_591] {strides = array<i32>} : memref<256x128xf32, #tpu.memory_space<vmem>>, vector<1x16xf32>,
      %swap3A_593 = vector.shape_cast %swap3A_592 : vector<1x16xf32> to vector<16xf32>
      %swap3A_594 = vector.shape_cast %mul3A_587 : vector<16xf32> to vector<1x16xf32>
      tpu.vector_store %arg9[%swap3A_590, %swap3A_591], %swap3A_594 {strides = array<i32>} : memref<256x128xf32, #tpu.memory_space<vmem>>, vector<1x16xf32>,
      %add3A_595 = arith.constant 5 : i32
      %add3A_596 = arith.addi %mul3A_27, %add3A_595 : i32
      %slice3A_597 = vector.extract_strided_slice %get3A_29 {offsets = [5], sizes = [1], strides = [1]} : vector<16xi32> to vector<1xi32>
      %squeeze3A_598 = vector.extract %slice3A_597[0] : i32 from vector<1xi32>
      %shift_right_arithmetic3A_599 = arith.constant 12 : i32
      %shift_right_arithmetic3A_600 = arith.shrsi %squeeze3A_598, %shift_right_arithmetic3A_599 : i32
      %and3A_601 = arith.constant 1 : i32
      %and3A_602 = arith.andi %shift_right_arithmetic3A_600, %and3A_601 : i32
      %mul3A_603 = arith.constant 64 : i32
      %mul3A_604 = arith.muli %and3A_602, %mul3A_603 : i32
      %and3A_605 = arith.constant 1 : i32
      %and3A_606 = arith.andi %add3A_596, %and3A_605 : i32
      %mul3A_607 = arith.constant 64 : i32
      %mul3A_608 = arith.muli %and3A_606, %mul3A_607 : i32
      %add3A_609 = arith.constant 0 : i32
      %add3A_610 = arith.addi %mul3A_608, %add3A_609 : i32
      %add3A_611 = arith.constant 0 : i32
      %add3A_612 = arith.addi %mul3A_604, %add3A_611 : i32
      %shift_right_arithmetic3A_613 = arith.constant 1 : i32
      %shift_right_arithmetic3A_614 = arith.shrsi %add3A_596, %shift_right_arithmetic3A_613 : i32
      %get3A_615 = arith.index_cast %shift_right_arithmetic3A_614 : i32 to index
      %get3A_616 = arith.index_cast %add3A_610 : i32 to index
      %get3A_617 = tpu.vector_load %arg9[%get3A_615, %get3A_616] {strides = array<i32>} : memref<256x128xf32, #tpu.memory_space<vmem>>, vector<1x16xf32>,
      %get3A_618 = vector.shape_cast %get3A_617 : vector<1x16xf32> to vector<16xf32>
      %get3A_619 = arith.index_cast %add3A_596 : i32 to index
      %get3A_620 = arith.index_cast %add3A_612 : i32 to index
      %get3A_621 = tpu.vector_load %arg10[%get3A_619, %get3A_620] {strides = array<i32>} : memref<512x128xf32, #tpu.memory_space<vmem>>, vector<1x16xf32>,
      %get3A_622 = vector.shape_cast %get3A_621 : vector<1x16xf32> to vector<16xf32>
      %mul3A_623 = arith.mulf %get3A_618, %get3A_622 : vector<16xf32>
      %shift_right_arithmetic3A_624 = arith.constant 1 : i32
      %shift_right_arithmetic3A_625 = arith.shrsi %add3A_596, %shift_right_arithmetic3A_624 : i32
      %swap3A_626 = arith.index_cast %shift_right_arithmetic3A_625 : i32 to index
      %swap3A_627 = arith.index_cast %add3A_610 : i32 to index
      %swap3A_628 = tpu.vector_load %arg9[%swap3A_626, %swap3A_627] {strides = array<i32>} : memref<256x128xf32, #tpu.memory_space<vmem>>, vector<1x16xf32>,
      %swap3A_629 = vector.shape_cast %swap3A_628 : vector<1x16xf32> to vector<16xf32>
      %swap3A_630 = vector.shape_cast %mul3A_623 : vector<16xf32> to vector<1x16xf32>
      tpu.vector_store %arg9[%swap3A_626, %swap3A_627], %swap3A_630 {strides = array<i32>} : memref<256x128xf32, #tpu.memory_space<vmem>>, vector<1x16xf32>,
      %and3A_631 = arith.constant 1 : i32
      %and3A_632 = arith.andi %add3A_596, %and3A_631 : i32
      %mul3A_633 = arith.constant 64 : i32
      %mul3A_634 = arith.muli %and3A_632, %mul3A_633 : i32
      %add3A_635 = arith.constant 16 : i32
      %add3A_636 = arith.addi %mul3A_634, %add3A_635 : i32
      %add3A_637 = arith.constant 16 : i32
      %add3A_638 = arith.addi %mul3A_604, %add3A_637 : i32
      %shift_right_arithmetic3A_639 = arith.constant 1 : i32
      %shift_right_arithmetic3A_640 = arith.shrsi %add3A_596, %shift_right_arithmetic3A_639 : i32
      %get3A_641 = arith.index_cast %shift_right_arithmetic3A_640 : i32 to index
      %get3A_642 = arith.index_cast %add3A_636 : i32 to index
      %get3A_643 = tpu.vector_load %arg9[%get3A_641, %get3A_642] {strides = array<i32>} : memref<256x128xf32, #tpu.memory_space<vmem>>, vector<1x16xf32>,
      %get3A_644 = vector.shape_cast %get3A_643 : vector<1x16xf32> to vector<16xf32>
      %get3A_645 = arith.index_cast %add3A_596 : i32 to index
      %get3A_646 = arith.index_cast %add3A_638 : i32 to index
      %get3A_647 = tpu.vector_load %arg10[%get3A_645, %get3A_646] {strides = array<i32>} : memref<512x128xf32, #tpu.memory_space<vmem>>, vector<1x16xf32>,
      %get3A_648 = vector.shape_cast %get3A_647 : vector<1x16xf32> to vector<16xf32>
      %mul3A_649 = arith.mulf %get3A_644, %get3A_648 : vector<16xf32>
      %shift_right_arithmetic3A_650 = arith.constant 1 : i32
      %shift_right_arithmetic3A_651 = arith.shrsi %add3A_596, %shift_right_arithmetic3A_650 : i32
      %swap3A_652 = arith.index_cast %shift_right_arithmetic3A_651 : i32 to index
      %swap3A_653 = arith.index_cast %add3A_636 : i32 to index
      %swap3A_654 = tpu.vector_load %arg9[%swap3A_652, %swap3A_653] {strides = array<i32>} : memref<256x128xf32, #tpu.memory_space<vmem>>, vector<1x16xf32>,
      %swap3A_655 = vector.shape_cast %swap3A_654 : vector<1x16xf32> to vector<16xf32>
      %swap3A_656 = vector.shape_cast %mul3A_649 : vector<16xf32> to vector<1x16xf32>
      tpu.vector_store %arg9[%swap3A_652, %swap3A_653], %swap3A_656 {strides = array<i32>} : memref<256x128xf32, #tpu.memory_space<vmem>>, vector<1x16xf32>,
      %and3A_657 = arith.constant 1 : i32
      %and3A_658 = arith.andi %add3A_596, %and3A_657 : i32
      %mul3A_659 = arith.constant 64 : i32
      %mul3A_660 = arith.muli %and3A_658, %mul3A_659 : i32
      %add3A_661 = arith.constant 32 : i32
      %add3A_662 = arith.addi %mul3A_660, %add3A_661 : i32
      %add3A_663 = arith.constant 32 : i32
      %add3A_664 = arith.addi %mul3A_604, %add3A_663 : i32
      %shift_right_arithmetic3A_665 = arith.constant 1 : i32
      %shift_right_arithmetic3A_666 = arith.shrsi %add3A_596, %shift_right_arithmetic3A_665 : i32
      %get3A_667 = arith.index_cast %shift_right_arithmetic3A_666 : i32 to index
      %get3A_668 = arith.index_cast %add3A_662 : i32 to index
      %get3A_669 = tpu.vector_load %arg9[%get3A_667, %get3A_668] {strides = array<i32>} : memref<256x128xf32, #tpu.memory_space<vmem>>, vector<1x16xf32>,
      %get3A_670 = vector.shape_cast %get3A_669 : vector<1x16xf32> to vector<16xf32>
      %get3A_671 = arith.index_cast %add3A_596 : i32 to index
      %get3A_672 = arith.index_cast %add3A_664 : i32 to index
      %get3A_673 = tpu.vector_load %arg10[%get3A_671, %get3A_672] {strides = array<i32>} : memref<512x128xf32, #tpu.memory_space<vmem>>, vector<1x16xf32>,
      %get3A_674 = vector.shape_cast %get3A_673 : vector<1x16xf32> to vector<16xf32>
      %mul3A_675 = arith.mulf %get3A_670, %get3A_674 : vector<16xf32>
      %shift_right_arithmetic3A_676 = arith.constant 1 : i32
      %shift_right_arithmetic3A_677 = arith.shrsi %add3A_596, %shift_right_arithmetic3A_676 : i32
      %swap3A_678 = arith.index_cast %shift_right_arithmetic3A_677 : i32 to index
      %swap3A_679 = arith.index_cast %add3A_662 : i32 to index
      %swap3A_680 = tpu.vector_load %arg9[%swap3A_678, %swap3A_679] {strides = array<i32>} : memref<256x128xf32, #tpu.memory_space<vmem>>, vector<1x16xf32>,
      %swap3A_681 = vector.shape_cast %swap3A_680 : vector<1x16xf32> to vector<16xf32>
      %swap3A_682 = vector.shape_cast %mul3A_675 : vector<16xf32> to vector<1x16xf32>
      tpu.vector_store %arg9[%swap3A_678, %swap3A_679], %swap3A_682 {strides = array<i32>} : memref<256x128xf32, #tpu.memory_space<vmem>>, vector<1x16xf32>,
      %and3A_683 = arith.constant 1 : i32
      %and3A_684 = arith.andi %add3A_596, %and3A_683 : i32
      %mul3A_685 = arith.constant 64 : i32
      %mul3A_686 = arith.muli %and3A_684, %mul3A_685 : i32
      %add3A_687 = arith.constant 48 : i32
      %add3A_688 = arith.addi %mul3A_686, %add3A_687 : i32
      %add3A_689 = arith.constant 48 : i32
      %add3A_690 = arith.addi %mul3A_604, %add3A_689 : i32
      %shift_right_arithmetic3A_691 = arith.constant 1 : i32
      %shift_right_arithmetic3A_692 = arith.shrsi %add3A_596, %shift_right_arithmetic3A_691 : i32
      %get3A_693 = arith.index_cast %shift_right_arithmetic3A_692 : i32 to index
      %get3A_694 = arith.index_cast %add3A_688 : i32 to index
      %get3A_695 = tpu.vector_load %arg9[%get3A_693, %get3A_694] {strides = array<i32>} : memref<256x128xf32, #tpu.memory_space<vmem>>, vector<1x16xf32>,
      %get3A_696 = vector.shape_cast %get3A_695 : vector<1x16xf32> to vector<16xf32>
      %get3A_697 = arith.index_cast %add3A_596 : i32 to index
      %get3A_698 = arith.index_cast %add3A_690 : i32 to index
      %get3A_699 = tpu.vector_load %arg10[%get3A_697, %get3A_698] {strides = array<i32>} : memref<512x128xf32, #tpu.memory_space<vmem>>, vector<1x16xf32>,
      %get3A_700 = vector.shape_cast %get3A_699 : vector<1x16xf32> to vector<16xf32>
      %mul3A_701 = arith.mulf %get3A_696, %get3A_700 : vector<16xf32>
      %shift_right_arithmetic3A_702 = arith.constant 1 : i32
      %shift_right_arithmetic3A_703 = arith.shrsi %add3A_596, %shift_right_arithmetic3A_702 : i32
      %swap3A_704 = arith.index_cast %shift_right_arithmetic3A_703 : i32 to index
      %swap3A_705 = arith.index_cast %add3A_688 : i32 to index
      %swap3A_706 = tpu.vector_load %arg9[%swap3A_704, %swap3A_705] {strides = array<i32>} : memref<256x128xf32, #tpu.memory_space<vmem>>, vector<1x16xf32>,
      %swap3A_707 = vector.shape_cast %swap3A_706 : vector<1x16xf32> to vector<16xf32>
      %swap3A_708 = vector.shape_cast %mul3A_701 : vector<16xf32> to vector<1x16xf32>
      tpu.vector_store %arg9[%swap3A_704, %swap3A_705], %swap3A_708 {strides = array<i32>} : memref<256x128xf32, #tpu.memory_space<vmem>>, vector<1x16xf32>,
      %add3A_709 = arith.constant 6 : i32
      %add3A_710 = arith.addi %mul3A_27, %add3A_709 : i32
      %slice3A_711 = vector.extract_strided_slice %get3A_29 {offsets = [6], sizes = [1], strides = [1]} : vector<16xi32> to vector<1xi32>
      %squeeze3A_712 = vector.extract %slice3A_711[0] : i32 from vector<1xi32>
      %shift_right_arithmetic3A_713 = arith.constant 12 : i32
      %shift_right_arithmetic3A_714 = arith.shrsi %squeeze3A_712, %shift_right_arithmetic3A_713 : i32
      %and3A_715 = arith.constant 1 : i32
      %and3A_716 = arith.andi %shift_right_arithmetic3A_714, %and3A_715 : i32
      %mul3A_717 = arith.constant 64 : i32
      %mul3A_718 = arith.muli %and3A_716, %mul3A_717 : i32
      %and3A_719 = arith.constant 1 : i32
      %and3A_720 = arith.andi %add3A_710, %and3A_719 : i32
      %mul3A_721 = arith.constant 64 : i32
      %mul3A_722 = arith.muli %and3A_720, %mul3A_721 : i32
      %add3A_723 = arith.constant 0 : i32
      %add3A_724 = arith.addi %mul3A_722, %add3A_723 : i32
      %add3A_725 = arith.constant 0 : i32
      %add3A_726 = arith.addi %mul3A_718, %add3A_725 : i32
      %shift_right_arithmetic3A_727 = arith.constant 1 : i32
      %shift_right_arithmetic3A_728 = arith.shrsi %add3A_710, %shift_right_arithmetic3A_727 : i32
      %get3A_729 = arith.index_cast %shift_right_arithmetic3A_728 : i32 to index
      %get3A_730 = arith.index_cast %add3A_724 : i32 to index
      %get3A_731 = tpu.vector_load %arg9[%get3A_729, %get3A_730] {strides = array<i32>} : memref<256x128xf32, #tpu.memory_space<vmem>>, vector<1x16xf32>,
      %get3A_732 = vector.shape_cast %get3A_731 : vector<1x16xf32> to vector<16xf32>
      %get3A_733 = arith.index_cast %add3A_710 : i32 to index
      %get3A_734 = arith.index_cast %add3A_726 : i32 to index
      %get3A_735 = tpu.vector_load %arg10[%get3A_733, %get3A_734] {strides = array<i32>} : memref<512x128xf32, #tpu.memory_space<vmem>>, vector<1x16xf32>,
      %get3A_736 = vector.shape_cast %get3A_735 : vector<1x16xf32> to vector<16xf32>
      %mul3A_737 = arith.mulf %get3A_732, %get3A_736 : vector<16xf32>
      %shift_right_arithmetic3A_738 = arith.constant 1 : i32
      %shift_right_arithmetic3A_739 = arith.shrsi %add3A_710, %shift_right_arithmetic3A_738 : i32
      %swap3A_740 = arith.index_cast %shift_right_arithmetic3A_739 : i32 to index
      %swap3A_741 = arith.index_cast %add3A_724 : i32 to index
      %swap3A_742 = tpu.vector_load %arg9[%swap3A_740, %swap3A_741] {strides = array<i32>} : memref<256x128xf32, #tpu.memory_space<vmem>>, vector<1x16xf32>,
      %swap3A_743 = vector.shape_cast %swap3A_742 : vector<1x16xf32> to vector<16xf32>
      %swap3A_744 = vector.shape_cast %mul3A_737 : vector<16xf32> to vector<1x16xf32>
      tpu.vector_store %arg9[%swap3A_740, %swap3A_741], %swap3A_744 {strides = array<i32>} : memref<256x128xf32, #tpu.memory_space<vmem>>, vector<1x16xf32>,
      %and3A_745 = arith.constant 1 : i32
      %and3A_746 = arith.andi %add3A_710, %and3A_745 : i32
      %mul3A_747 = arith.constant 64 : i32
      %mul3A_748 = arith.muli %and3A_746, %mul3A_747 : i32
      %add3A_749 = arith.constant 16 : i32
      %add3A_750 = arith.addi %mul3A_748, %add3A_749 : i32
      %add3A_751 = arith.constant 16 : i32
      %add3A_752 = arith.addi %mul3A_718, %add3A_751 : i32
      %shift_right_arithmetic3A_753 = arith.constant 1 : i32
      %shift_right_arithmetic3A_754 = arith.shrsi %add3A_710, %shift_right_arithmetic3A_753 : i32
      %get3A_755 = arith.index_cast %shift_right_arithmetic3A_754 : i32 to index
      %get3A_756 = arith.index_cast %add3A_750 : i32 to index
      %get3A_757 = tpu.vector_load %arg9[%get3A_755, %get3A_756] {strides = array<i32>} : memref<256x128xf32, #tpu.memory_space<vmem>>, vector<1x16xf32>,
      %get3A_758 = vector.shape_cast %get3A_757 : vector<1x16xf32> to vector<16xf32>
      %get3A_759 = arith.index_cast %add3A_710 : i32 to index
      %get3A_760 = arith.index_cast %add3A_752 : i32 to index
      %get3A_761 = tpu.vector_load %arg10[%get3A_759, %get3A_760] {strides = array<i32>} : memref<512x128xf32, #tpu.memory_space<vmem>>, vector<1x16xf32>,
      %get3A_762 = vector.shape_cast %get3A_761 : vector<1x16xf32> to vector<16xf32>
      %mul3A_763 = arith.mulf %get3A_758, %get3A_762 : vector<16xf32>
      %shift_right_arithmetic3A_764 = arith.constant 1 : i32
      %shift_right_arithmetic3A_765 = arith.shrsi %add3A_710, %shift_right_arithmetic3A_764 : i32
      %swap3A_766 = arith.index_cast %shift_right_arithmetic3A_765 : i32 to index
      %swap3A_767 = arith.index_cast %add3A_750 : i32 to index
      %swap3A_768 = tpu.vector_load %arg9[%swap3A_766, %swap3A_767] {strides = array<i32>} : memref<256x128xf32, #tpu.memory_space<vmem>>, vector<1x16xf32>,
      %swap3A_769 = vector.shape_cast %swap3A_768 : vector<1x16xf32> to vector<16xf32>
      %swap3A_770 = vector.shape_cast %mul3A_763 : vector<16xf32> to vector<1x16xf32>
      tpu.vector_store %arg9[%swap3A_766, %swap3A_767], %swap3A_770 {strides = array<i32>} : memref<256x128xf32, #tpu.memory_space<vmem>>, vector<1x16xf32>,
      %and3A_771 = arith.constant 1 : i32
      %and3A_772 = arith.andi %add3A_710, %and3A_771 : i32
      %mul3A_773 = arith.constant 64 : i32
      %mul3A_774 = arith.muli %and3A_772, %mul3A_773 : i32
      %add3A_775 = arith.constant 32 : i32
      %add3A_776 = arith.addi %mul3A_774, %add3A_775 : i32
      %add3A_777 = arith.constant 32 : i32
      %add3A_778 = arith.addi %mul3A_718, %add3A_777 : i32
      %shift_right_arithmetic3A_779 = arith.constant 1 : i32
      %shift_right_arithmetic3A_780 = arith.shrsi %add3A_710, %shift_right_arithmetic3A_779 : i32
      %get3A_781 = arith.index_cast %shift_right_arithmetic3A_780 : i32 to index
      %get3A_782 = arith.index_cast %add3A_776 : i32 to index
      %get3A_783 = tpu.vector_load %arg9[%get3A_781, %get3A_782] {strides = array<i32>} : memref<256x128xf32, #tpu.memory_space<vmem>>, vector<1x16xf32>,
      %get3A_784 = vector.shape_cast %get3A_783 : vector<1x16xf32> to vector<16xf32>
      %get3A_785 = arith.index_cast %add3A_710 : i32 to index
      %get3A_786 = arith.index_cast %add3A_778 : i32 to index
      %get3A_787 = tpu.vector_load %arg10[%get3A_785, %get3A_786] {strides = array<i32>} : memref<512x128xf32, #tpu.memory_space<vmem>>, vector<1x16xf32>,
      %get3A_788 = vector.shape_cast %get3A_787 : vector<1x16xf32> to vector<16xf32>
      %mul3A_789 = arith.mulf %get3A_784, %get3A_788 : vector<16xf32>
      %shift_right_arithmetic3A_790 = arith.constant 1 : i32
      %shift_right_arithmetic3A_791 = arith.shrsi %add3A_710, %shift_right_arithmetic3A_790 : i32
      %swap3A_792 = arith.index_cast %shift_right_arithmetic3A_791 : i32 to index
      %swap3A_793 = arith.index_cast %add3A_776 : i32 to index
      %swap3A_794 = tpu.vector_load %arg9[%swap3A_792, %swap3A_793] {strides = array<i32>} : memref<256x128xf32, #tpu.memory_space<vmem>>, vector<1x16xf32>,
      %swap3A_795 = vector.shape_cast %swap3A_794 : vector<1x16xf32> to vector<16xf32>
      %swap3A_796 = vector.shape_cast %mul3A_789 : vector<16xf32> to vector<1x16xf32>
      tpu.vector_store %arg9[%swap3A_792, %swap3A_793], %swap3A_796 {strides = array<i32>} : memref<256x128xf32, #tpu.memory_space<vmem>>, vector<1x16xf32>,
      %and3A_797 = arith.constant 1 : i32
      %and3A_798 = arith.andi %add3A_710, %and3A_797 : i32
      %mul3A_799 = arith.constant 64 : i32
      %mul3A_800 = arith.muli %and3A_798, %mul3A_799 : i32
      %add3A_801 = arith.constant 48 : i32
      %add3A_802 = arith.addi %mul3A_800, %add3A_801 : i32
      %add3A_803 = arith.constant 48 : i32
      %add3A_804 = arith.addi %mul3A_718, %add3A_803 : i32
      %shift_right_arithmetic3A_805 = arith.constant 1 : i32
      %shift_right_arithmetic3A_806 = arith.shrsi %add3A_710, %shift_right_arithmetic3A_805 : i32
      %get3A_807 = arith.index_cast %shift_right_arithmetic3A_806 : i32 to index
      %get3A_808 = arith.index_cast %add3A_802 : i32 to index
      %get3A_809 = tpu.vector_load %arg9[%get3A_807, %get3A_808] {strides = array<i32>} : memref<256x128xf32, #tpu.memory_space<vmem>>, vector<1x16xf32>,
      %get3A_810 = vector.shape_cast %get3A_809 : vector<1x16xf32> to vector<16xf32>
      %get3A_811 = arith.index_cast %add3A_710 : i32 to index
      %get3A_812 = arith.index_cast %add3A_804 : i32 to index
      %get3A_813 = tpu.vector_load %arg10[%get3A_811, %get3A_812] {strides = array<i32>} : memref<512x128xf32, #tpu.memory_space<vmem>>, vector<1x16xf32>,
      %get3A_814 = vector.shape_cast %get3A_813 : vector<1x16xf32> to vector<16xf32>
      %mul3A_815 = arith.mulf %get3A_810, %get3A_814 : vector<16xf32>
      %shift_right_arithmetic3A_816 = arith.constant 1 : i32
      %shift_right_arithmetic3A_817 = arith.shrsi %add3A_710, %shift_right_arithmetic3A_816 : i32
      %swap3A_818 = arith.index_cast %shift_right_arithmetic3A_817 : i32 to index
      %swap3A_819 = arith.index_cast %add3A_802 : i32 to index
      %swap3A_820 = tpu.vector_load %arg9[%swap3A_818, %swap3A_819] {strides = array<i32>} : memref<256x128xf32, #tpu.memory_space<vmem>>, vector<1x16xf32>,
      %swap3A_821 = vector.shape_cast %swap3A_820 : vector<1x16xf32> to vector<16xf32>
      %swap3A_822 = vector.shape_cast %mul3A_815 : vector<16xf32> to vector<1x16xf32>
      tpu.vector_store %arg9[%swap3A_818, %swap3A_819], %swap3A_822 {strides = array<i32>} : memref<256x128xf32, #tpu.memory_space<vmem>>, vector<1x16xf32>,
      %add3A_823 = arith.constant 7 : i32
      %add3A_824 = arith.addi %mul3A_27, %add3A_823 : i32
      %slice3A_825 = vector.extract_strided_slice %get3A_29 {offsets = [7], sizes = [1], strides = [1]} : vector<16xi32> to vector<1xi32>
      %squeeze3A_826 = vector.extract %slice3A_825[0] : i32 from vector<1xi32>
      %shift_right_arithmetic3A_827 = arith.constant 12 : i32
      %shift_right_arithmetic3A_828 = arith.shrsi %squeeze3A_826, %shift_right_arithmetic3A_827 : i32
      %and3A_829 = arith.constant 1 : i32
      %and3A_830 = arith.andi %shift_right_arithmetic3A_828, %and3A_829 : i32
      %mul3A_831 = arith.constant 64 : i32
      %mul3A_832 = arith.muli %and3A_830, %mul3A_831 : i32
      %and3A_833 = arith.constant 1 : i32
      %and3A_834 = arith.andi %add3A_824, %and3A_833 : i32
      %mul3A_835 = arith.constant 64 : i32
      %mul3A_836 = arith.muli %and3A_834, %mul3A_835 : i32
      %add3A_837 = arith.constant 0 : i32
      %add3A_838 = arith.addi %mul3A_836, %add3A_837 : i32
      %add3A_839 = arith.constant 0 : i32
      %add3A_840 = arith.addi %mul3A_832, %add3A_839 : i32
      %shift_right_arithmetic3A_841 = arith.constant 1 : i32
      %shift_right_arithmetic3A_842 = arith.shrsi %add3A_824, %shift_right_arithmetic3A_841 : i32
      %get3A_843 = arith.index_cast %shift_right_arithmetic3A_842 : i32 to index
      %get3A_844 = arith.index_cast %add3A_838 : i32 to index
      %get3A_845 = tpu.vector_load %arg9[%get3A_843, %get3A_844] {strides = array<i32>} : memref<256x128xf32, #tpu.memory_space<vmem>>, vector<1x16xf32>,
      %get3A_846 = vector.shape_cast %get3A_845 : vector<1x16xf32> to vector<16xf32>
      %get3A_847 = arith.index_cast %add3A_824 : i32 to index
      %get3A_848 = arith.index_cast %add3A_840 : i32 to index
      %get3A_849 = tpu.vector_load %arg10[%get3A_847, %get3A_848] {strides = array<i32>} : memref<512x128xf32, #tpu.memory_space<vmem>>, vector<1x16xf32>,
      %get3A_850 = vector.shape_cast %get3A_849 : vector<1x16xf32> to vector<16xf32>
      %mul3A_851 = arith.mulf %get3A_846, %get3A_850 : vector<16xf32>
      %shift_right_arithmetic3A_852 = arith.constant 1 : i32
      %shift_right_arithmetic3A_853 = arith.shrsi %add3A_824, %shift_right_arithmetic3A_852 : i32
      %swap3A_854 = arith.index_cast %shift_right_arithmetic3A_853 : i32 to index
      %swap3A_855 = arith.index_cast %add3A_838 : i32 to index
      %swap3A_856 = tpu.vector_load %arg9[%swap3A_854, %swap3A_855] {strides = array<i32>} : memref<256x128xf32, #tpu.memory_space<vmem>>, vector<1x16xf32>,
      %swap3A_857 = vector.shape_cast %swap3A_856 : vector<1x16xf32> to vector<16xf32>
      %swap3A_858 = vector.shape_cast %mul3A_851 : vector<16xf32> to vector<1x16xf32>
      tpu.vector_store %arg9[%swap3A_854, %swap3A_855], %swap3A_858 {strides = array<i32>} : memref<256x128xf32, #tpu.memory_space<vmem>>, vector<1x16xf32>,
      %and3A_859 = arith.constant 1 : i32
      %and3A_860 = arith.andi %add3A_824, %and3A_859 : i32
      %mul3A_861 = arith.constant 64 : i32
      %mul3A_862 = arith.muli %and3A_860, %mul3A_861 : i32
      %add3A_863 = arith.constant 16 : i32
      %add3A_864 = arith.addi %mul3A_862, %add3A_863 : i32
      %add3A_865 = arith.constant 16 : i32
      %add3A_866 = arith.addi %mul3A_832, %add3A_865 : i32
      %shift_right_arithmetic3A_867 = arith.constant 1 : i32
      %shift_right_arithmetic3A_868 = arith.shrsi %add3A_824, %shift_right_arithmetic3A_867 : i32
      %get3A_869 = arith.index_cast %shift_right_arithmetic3A_868 : i32 to index
      %get3A_870 = arith.index_cast %add3A_864 : i32 to index
      %get3A_871 = tpu.vector_load %arg9[%get3A_869, %get3A_870] {strides = array<i32>} : memref<256x128xf32, #tpu.memory_space<vmem>>, vector<1x16xf32>,
      %get3A_872 = vector.shape_cast %get3A_871 : vector<1x16xf32> to vector<16xf32>
      %get3A_873 = arith.index_cast %add3A_824 : i32 to index
      %get3A_874 = arith.index_cast %add3A_866 : i32 to index
      %get3A_875 = tpu.vector_load %arg10[%get3A_873, %get3A_874] {strides = array<i32>} : memref<512x128xf32, #tpu.memory_space<vmem>>, vector<1x16xf32>,
      %get3A_876 = vector.shape_cast %get3A_875 : vector<1x16xf32> to vector<16xf32>
      %mul3A_877 = arith.mulf %get3A_872, %get3A_876 : vector<16xf32>
      %shift_right_arithmetic3A_878 = arith.constant 1 : i32
      %shift_right_arithmetic3A_879 = arith.shrsi %add3A_824, %shift_right_arithmetic3A_878 : i32
      %swap3A_880 = arith.index_cast %shift_right_arithmetic3A_879 : i32 to index
      %swap3A_881 = arith.index_cast %add3A_864 : i32 to index
      %swap3A_882 = tpu.vector_load %arg9[%swap3A_880, %swap3A_881] {strides = array<i32>} : memref<256x128xf32, #tpu.memory_space<vmem>>, vector<1x16xf32>,
      %swap3A_883 = vector.shape_cast %swap3A_882 : vector<1x16xf32> to vector<16xf32>
      %swap3A_884 = vector.shape_cast %mul3A_877 : vector<16xf32> to vector<1x16xf32>
      tpu.vector_store %arg9[%swap3A_880, %swap3A_881], %swap3A_884 {strides = array<i32>} : memref<256x128xf32, #tpu.memory_space<vmem>>, vector<1x16xf32>,
      %and3A_885 = arith.constant 1 : i32
      %and3A_886 = arith.andi %add3A_824, %and3A_885 : i32
      %mul3A_887 = arith.constant 64 : i32
      %mul3A_888 = arith.muli %and3A_886, %mul3A_887 : i32
      %add3A_889 = arith.constant 32 : i32
      %add3A_890 = arith.addi %mul3A_888, %add3A_889 : i32
      %add3A_891 = arith.constant 32 : i32
      %add3A_892 = arith.addi %mul3A_832, %add3A_891 : i32
      %shift_right_arithmetic3A_893 = arith.constant 1 : i32
      %shift_right_arithmetic3A_894 = arith.shrsi %add3A_824, %shift_right_arithmetic3A_893 : i32
      %get3A_895 = arith.index_cast %shift_right_arithmetic3A_894 : i32 to index
      %get3A_896 = arith.index_cast %add3A_890 : i32 to index
      %get3A_897 = tpu.vector_load %arg9[%get3A_895, %get3A_896] {strides = array<i32>} : memref<256x128xf32, #tpu.memory_space<vmem>>, vector<1x16xf32>,
      %get3A_898 = vector.shape_cast %get3A_897 : vector<1x16xf32> to vector<16xf32>
      %get3A_899 = arith.index_cast %add3A_824 : i32 to index
      %get3A_900 = arith.index_cast %add3A_892 : i32 to index
      %get3A_901 = tpu.vector_load %arg10[%get3A_899, %get3A_900] {strides = array<i32>} : memref<512x128xf32, #tpu.memory_space<vmem>>, vector<1x16xf32>,
      %get3A_902 = vector.shape_cast %get3A_901 : vector<1x16xf32> to vector<16xf32>
      %mul3A_903 = arith.mulf %get3A_898, %get3A_902 : vector<16xf32>
      %shift_right_arithmetic3A_904 = arith.constant 1 : i32
      %shift_right_arithmetic3A_905 = arith.shrsi %add3A_824, %shift_right_arithmetic3A_904 : i32
      %swap3A_906 = arith.index_cast %shift_right_arithmetic3A_905 : i32 to index
      %swap3A_907 = arith.index_cast %add3A_890 : i32 to index
      %swap3A_908 = tpu.vector_load %arg9[%swap3A_906, %swap3A_907] {strides = array<i32>} : memref<256x128xf32, #tpu.memory_space<vmem>>, vector<1x16xf32>,
      %swap3A_909 = vector.shape_cast %swap3A_908 : vector<1x16xf32> to vector<16xf32>
      %swap3A_910 = vector.shape_cast %mul3A_903 : vector<16xf32> to vector<1x16xf32>
      tpu.vector_store %arg9[%swap3A_906, %swap3A_907], %swap3A_910 {strides = array<i32>} : memref<256x128xf32, #tpu.memory_space<vmem>>, vector<1x16xf32>,
      %and3A_911 = arith.constant 1 : i32
      %and3A_912 = arith.andi %add3A_824, %and3A_911 : i32
      %mul3A_913 = arith.constant 64 : i32
      %mul3A_914 = arith.muli %and3A_912, %mul3A_913 : i32
      %add3A_915 = arith.constant 48 : i32
      %add3A_916 = arith.addi %mul3A_914, %add3A_915 : i32
      %add3A_917 = arith.constant 48 : i32
      %add3A_918 = arith.addi %mul3A_832, %add3A_917 : i32
      %shift_right_arithmetic3A_919 = arith.constant 1 : i32
      %shift_right_arithmetic3A_920 = arith.shrsi %add3A_824, %shift_right_arithmetic3A_919 : i32
      %get3A_921 = arith.index_cast %shift_right_arithmetic3A_920 : i32 to index
      %get3A_922 = arith.index_cast %add3A_916 : i32 to index
      %get3A_923 = tpu.vector_load %arg9[%get3A_921, %get3A_922] {strides = array<i32>} : memref<256x128xf32, #tpu.memory_space<vmem>>, vector<1x16xf32>,
      %get3A_924 = vector.shape_cast %get3A_923 : vector<1x16xf32> to vector<16xf32>
      %get3A_925 = arith.index_cast %add3A_824 : i32 to index
      %get3A_926 = arith.index_cast %add3A_918 : i32 to index
      %get3A_927 = tpu.vector_load %arg10[%get3A_925, %get3A_926] {strides = array<i32>} : memref<512x128xf32, #tpu.memory_space<vmem>>, vector<1x16xf32>,
      %get3A_928 = vector.shape_cast %get3A_927 : vector<1x16xf32> to vector<16xf32>
      %mul3A_929 = arith.mulf %get3A_924, %get3A_928 : vector<16xf32>
      %shift_right_arithmetic3A_930 = arith.constant 1 : i32
      %shift_right_arithmetic3A_931 = arith.shrsi %add3A_824, %shift_right_arithmetic3A_930 : i32
      %swap3A_932 = arith.index_cast %shift_right_arithmetic3A_931 : i32 to index
      %swap3A_933 = arith.index_cast %add3A_916 : i32 to index
      %swap3A_934 = tpu.vector_load %arg9[%swap3A_932, %swap3A_933] {strides = array<i32>} : memref<256x128xf32, #tpu.memory_space<vmem>>, vector<1x16xf32>,
      %swap3A_935 = vector.shape_cast %swap3A_934 : vector<1x16xf32> to vector<16xf32>
      %swap3A_936 = vector.shape_cast %mul3A_929 : vector<16xf32> to vector<1x16xf32>
      tpu.vector_store %arg9[%swap3A_932, %swap3A_933], %swap3A_936 {strides = array<i32>} : memref<256x128xf32, #tpu.memory_space<vmem>>, vector<1x16xf32>,
      %add3A_937 = arith.constant 8 : i32
      %add3A_938 = arith.addi %mul3A_27, %add3A_937 : i32
      %slice3A_939 = vector.extract_strided_slice %get3A_29 {offsets = [8], sizes = [1], strides = [1]} : vector<16xi32> to vector<1xi32>
      %squeeze3A_940 = vector.extract %slice3A_939[0] : i32 from vector<1xi32>
      %shift_right_arithmetic3A_941 = arith.constant 12 : i32
      %shift_right_arithmetic3A_942 = arith.shrsi %squeeze3A_940, %shift_right_arithmetic3A_941 : i32
      %and3A_943 = arith.constant 1 : i32
      %and3A_944 = arith.andi %shift_right_arithmetic3A_942, %and3A_943 : i32
      %mul3A_945 = arith.constant 64 : i32
      %mul3A_946 = arith.muli %and3A_944, %mul3A_945 : i32
      %and3A_947 = arith.constant 1 : i32
      %and3A_948 = arith.andi %add3A_938, %and3A_947 : i32
      %mul3A_949 = arith.constant 64 : i32
      %mul3A_950 = arith.muli %and3A_948, %mul3A_949 : i32
      %add3A_951 = arith.constant 0 : i32
      %add3A_952 = arith.addi %mul3A_950, %add3A_951 : i32
      %add3A_953 = arith.constant 0 : i32
      %add3A_954 = arith.addi %mul3A_946, %add3A_953 : i32
      %shift_right_arithmetic3A_955 = arith.constant 1 : i32
      %shift_right_arithmetic3A_956 = arith.shrsi %add3A_938, %shift_right_arithmetic3A_955 : i32
      %get3A_957 = arith.index_cast %shift_right_arithmetic3A_956 : i32 to index
      %get3A_958 = arith.index_cast %add3A_952 : i32 to index
      %get3A_959 = tpu.vector_load %arg9[%get3A_957, %get3A_958] {strides = array<i32>} : memref<256x128xf32, #tpu.memory_space<vmem>>, vector<1x16xf32>,
      %get3A_960 = vector.shape_cast %get3A_959 : vector<1x16xf32> to vector<16xf32>
      %get3A_961 = arith.index_cast %add3A_938 : i32 to index
      %get3A_962 = arith.index_cast %add3A_954 : i32 to index
      %get3A_963 = tpu.vector_load %arg10[%get3A_961, %get3A_962] {strides = array<i32>} : memref<512x128xf32, #tpu.memory_space<vmem>>, vector<1x16xf32>,
      %get3A_964 = vector.shape_cast %get3A_963 : vector<1x16xf32> to vector<16xf32>
      %mul3A_965 = arith.mulf %get3A_960, %get3A_964 : vector<16xf32>
      %shift_right_arithmetic3A_966 = arith.constant 1 : i32
      %shift_right_arithmetic3A_967 = arith.shrsi %add3A_938, %shift_right_arithmetic3A_966 : i32
      %swap3A_968 = arith.index_cast %shift_right_arithmetic3A_967 : i32 to index
      %swap3A_969 = arith.index_cast %add3A_952 : i32 to index
      %swap3A_970 = tpu.vector_load %arg9[%swap3A_968, %swap3A_969] {strides = array<i32>} : memref<256x128xf32, #tpu.memory_space<vmem>>, vector<1x16xf32>,
      %swap3A_971 = vector.shape_cast %swap3A_970 : vector<1x16xf32> to vector<16xf32>
      %swap3A_972 = vector.shape_cast %mul3A_965 : vector<16xf32> to vector<1x16xf32>
      tpu.vector_store %arg9[%swap3A_968, %swap3A_969], %swap3A_972 {strides = array<i32>} : memref<256x128xf32, #tpu.memory_space<vmem>>, vector<1x16xf32>,
      %and3A_973 = arith.constant 1 : i32
      %and3A_974 = arith.andi %add3A_938, %and3A_973 : i32
      %mul3A_975 = arith.constant 64 : i32
      %mul3A_976 = arith.muli %and3A_974, %mul3A_975 : i32
      %add3A_977 = arith.constant 16 : i32
      %add3A_978 = arith.addi %mul3A_976, %add3A_977 : i32
      %add3A_979 = arith.constant 16 : i32
      %add3A_980 = arith.addi %mul3A_946, %add3A_979 : i32
      %shift_right_arithmetic3A_981 = arith.constant 1 : i32
      %shift_right_arithmetic3A_982 = arith.shrsi %add3A_938, %shift_right_arithmetic3A_981 : i32
      %get3A_983 = arith.index_cast %shift_right_arithmetic3A_982 : i32 to index
      %get3A_984 = arith.index_cast %add3A_978 : i32 to index
      %get3A_985 = tpu.vector_load %arg9[%get3A_983, %get3A_984] {strides = array<i32>} : memref<256x128xf32, #tpu.memory_space<vmem>>, vector<1x16xf32>,
      %get3A_986 = vector.shape_cast %get3A_985 : vector<1x16xf32> to vector<16xf32>
      %get3A_987 = arith.index_cast %add3A_938 : i32 to index
      %get3A_988 = arith.index_cast %add3A_980 : i32 to index
      %get3A_989 = tpu.vector_load %arg10[%get3A_987, %get3A_988] {strides = array<i32>} : memref<512x128xf32, #tpu.memory_space<vmem>>, vector<1x16xf32>,
      %get3A_990 = vector.shape_cast %get3A_989 : vector<1x16xf32> to vector<16xf32>
      %mul3A_991 = arith.mulf %get3A_986, %get3A_990 : vector<16xf32>
      %shift_right_arithmetic3A_992 = arith.constant 1 : i32
      %shift_right_arithmetic3A_993 = arith.shrsi %add3A_938, %shift_right_arithmetic3A_992 : i32
      %swap3A_994 = arith.index_cast %shift_right_arithmetic3A_993 : i32 to index
      %swap3A_995 = arith.index_cast %add3A_978 : i32 to index
      %swap3A_996 = tpu.vector_load %arg9[%swap3A_994, %swap3A_995] {strides = array<i32>} : memref<256x128xf32, #tpu.memory_space<vmem>>, vector<1x16xf32>,
      %swap3A_997 = vector.shape_cast %swap3A_996 : vector<1x16xf32> to vector<16xf32>
      %swap3A_998 = vector.shape_cast %mul3A_991 : vector<16xf32> to vector<1x16xf32>
      tpu.vector_store %arg9[%swap3A_994, %swap3A_995], %swap3A_998 {strides = array<i32>} : memref<256x128xf32, #tpu.memory_space<vmem>>, vector<1x16xf32>,
      %and3A_999 = arith.constant 1 : i32
      %and3A_1000 = arith.andi %add3A_938, %and3A_999 : i32
      %mul3A_1001 = arith.constant 64 : i32
      %mul3A_1002 = arith.muli %and3A_1000, %mul3A_1001 : i32
      %add3A_1003 = arith.constant 32 : i32
      %add3A_1004 = arith.addi %mul3A_1002, %add3A_1003 : i32
      %add3A_1005 = arith.constant 32 : i32
      %add3A_1006 = arith.addi %mul3A_946, %add3A_1005 : i32
      %shift_right_arithmetic3A_1007 = arith.constant 1 : i32
      %shift_right_arithmetic3A_1008 = arith.shrsi %add3A_938, %shift_right_arithmetic3A_1007 : i32
      %get3A_1009 = arith.index_cast %shift_right_arithmetic3A_1008 : i32 to index
      %get3A_1010 = arith.index_cast %add3A_1004 : i32 to index
      %get3A_1011 = tpu.vector_load %arg9[%get3A_1009, %get3A_1010] {strides = array<i32>} : memref<256x128xf32, #tpu.memory_space<vmem>>, vector<1x16xf32>,
      %get3A_1012 = vector.shape_cast %get3A_1011 : vector<1x16xf32> to vector<16xf32>
      %get3A_1013 = arith.index_cast %add3A_938 : i32 to index
      %get3A_1014 = arith.index_cast %add3A_1006 : i32 to index
      %get3A_1015 = tpu.vector_load %arg10[%get3A_1013, %get3A_1014] {strides = array<i32>} : memref<512x128xf32, #tpu.memory_space<vmem>>, vector<1x16xf32>,
      %get3A_1016 = vector.shape_cast %get3A_1015 : vector<1x16xf32> to vector<16xf32>
      %mul3A_1017 = arith.mulf %get3A_1012, %get3A_1016 : vector<16xf32>
      %shift_right_arithmetic3A_1018 = arith.constant 1 : i32
      %shift_right_arithmetic3A_1019 = arith.shrsi %add3A_938, %shift_right_arithmetic3A_1018 : i32
      %swap3A_1020 = arith.index_cast %shift_right_arithmetic3A_1019 : i32 to index
      %swap3A_1021 = arith.index_cast %add3A_1004 : i32 to index
      %swap3A_1022 = tpu.vector_load %arg9[%swap3A_1020, %swap3A_1021] {strides = array<i32>} : memref<256x128xf32, #tpu.memory_space<vmem>>, vector<1x16xf32>,
      %swap3A_1023 = vector.shape_cast %swap3A_1022 : vector<1x16xf32> to vector<16xf32>
      %swap3A_1024 = vector.shape_cast %mul3A_1017 : vector<16xf32> to vector<1x16xf32>
      tpu.vector_store %arg9[%swap3A_1020, %swap3A_1021], %swap3A_1024 {strides = array<i32>} : memref<256x128xf32, #tpu.memory_space<vmem>>, vector<1x16xf32>,
      %and3A_1025 = arith.constant 1 : i32
      %and3A_1026 = arith.andi %add3A_938, %and3A_1025 : i32
      %mul3A_1027 = arith.constant 64 : i32
      %mul3A_1028 = arith.muli %and3A_1026, %mul3A_1027 : i32
      %add3A_1029 = arith.constant 48 : i32
      %add3A_1030 = arith.addi %mul3A_1028, %add3A_1029 : i32
      %add3A_1031 = arith.constant 48 : i32
      %add3A_1032 = arith.addi %mul3A_946, %add3A_1031 : i32
      %shift_right_arithmetic3A_1033 = arith.constant 1 : i32
      %shift_right_arithmetic3A_1034 = arith.shrsi %add3A_938, %shift_right_arithmetic3A_1033 : i32
      %get3A_1035 = arith.index_cast %shift_right_arithmetic3A_1034 : i32 to index
      %get3A_1036 = arith.index_cast %add3A_1030 : i32 to index
      %get3A_1037 = tpu.vector_load %arg9[%get3A_1035, %get3A_1036] {strides = array<i32>} : memref<256x128xf32, #tpu.memory_space<vmem>>, vector<1x16xf32>,
      %get3A_1038 = vector.shape_cast %get3A_1037 : vector<1x16xf32> to vector<16xf32>
      %get3A_1039 = arith.index_cast %add3A_938 : i32 to index
      %get3A_1040 = arith.index_cast %add3A_1032 : i32 to index
      %get3A_1041 = tpu.vector_load %arg10[%get3A_1039, %get3A_1040] {strides = array<i32>} : memref<512x128xf32, #tpu.memory_space<vmem>>, vector<1x16xf32>,
      %get3A_1042 = vector.shape_cast %get3A_1041 : vector<1x16xf32> to vector<16xf32>
      %mul3A_1043 = arith.mulf %get3A_1038, %get3A_1042 : vector<16xf32>
      %shift_right_arithmetic3A_1044 = arith.constant 1 : i32
      %shift_right_arithmetic3A_1045 = arith.shrsi %add3A_938, %shift_right_arithmetic3A_1044 : i32
      %swap3A_1046 = arith.index_cast %shift_right_arithmetic3A_1045 : i32 to index
      %swap3A_1047 = arith.index_cast %add3A_1030 : i32 to index
      %swap3A_1048 = tpu.vector_load %arg9[%swap3A_1046, %swap3A_1047] {strides = array<i32>} : memref<256x128xf32, #tpu.memory_space<vmem>>, vector<1x16xf32>,
      %swap3A_1049 = vector.shape_cast %swap3A_1048 : vector<1x16xf32> to vector<16xf32>
      %swap3A_1050 = vector.shape_cast %mul3A_1043 : vector<16xf32> to vector<1x16xf32>
      tpu.vector_store %arg9[%swap3A_1046, %swap3A_1047], %swap3A_1050 {strides = array<i32>} : memref<256x128xf32, #tpu.memory_space<vmem>>, vector<1x16xf32>,
      %add3A_1051 = arith.constant 9 : i32
      %add3A_1052 = arith.addi %mul3A_27, %add3A_1051 : i32
      %slice3A_1053 = vector.extract_strided_slice %get3A_29 {offsets = [9], sizes = [1], strides = [1]} : vector<16xi32> to vector<1xi32>
      %squeeze3A_1054 = vector.extract %slice3A_1053[0] : i32 from vector<1xi32>
      %shift_right_arithmetic3A_1055 = arith.constant 12 : i32
      %shift_right_arithmetic3A_1056 = arith.shrsi %squeeze3A_1054, %shift_right_arithmetic3A_1055 : i32
      %and3A_1057 = arith.constant 1 : i32
      %and3A_1058 = arith.andi %shift_right_arithmetic3A_1056, %and3A_1057 : i32
      %mul3A_1059 = arith.constant 64 : i32
      %mul3A_1060 = arith.muli %and3A_1058, %mul3A_1059 : i32
      %and3A_1061 = arith.constant 1 : i32
      %and3A_1062 = arith.andi %add3A_1052, %and3A_1061 : i32
      %mul3A_1063 = arith.constant 64 : i32
      %mul3A_1064 = arith.muli %and3A_1062, %mul3A_1063 : i32
      %add3A_1065 = arith.constant 0 : i32
      %add3A_1066 = arith.addi %mul3A_1064, %add3A_1065 : i32
      %add3A_1067 = arith.constant 0 : i32
      %add3A_1068 = arith.addi %mul3A_1060, %add3A_1067 : i32
      %shift_right_arithmetic3A_1069 = arith.constant 1 : i32
      %shift_right_arithmetic3A_1070 = arith.shrsi %add3A_1052, %shift_right_arithmetic3A_1069 : i32
      %get3A_1071 = arith.index_cast %shift_right_arithmetic3A_1070 : i32 to index
      %get3A_1072 = arith.index_cast %add3A_1066 : i32 to index
      %get3A_1073 = tpu.vector_load %arg9[%get3A_1071, %get3A_1072] {strides = array<i32>} : memref<256x128xf32, #tpu.memory_space<vmem>>, vector<1x16xf32>,
      %get3A_1074 = vector.shape_cast %get3A_1073 : vector<1x16xf32> to vector<16xf32>
      %get3A_1075 = arith.index_cast %add3A_1052 : i32 to index
      %get3A_1076 = arith.index_cast %add3A_1068 : i32 to index
      %get3A_1077 = tpu.vector_load %arg10[%get3A_1075, %get3A_1076] {strides = array<i32>} : memref<512x128xf32, #tpu.memory_space<vmem>>, vector<1x16xf32>,
      %get3A_1078 = vector.shape_cast %get3A_1077 : vector<1x16xf32> to vector<16xf32>
      %mul3A_1079 = arith.mulf %get3A_1074, %get3A_1078 : vector<16xf32>
      %shift_right_arithmetic3A_1080 = arith.constant 1 : i32
      %shift_right_arithmetic3A_1081 = arith.shrsi %add3A_1052, %shift_right_arithmetic3A_1080 : i32
      %swap3A_1082 = arith.index_cast %shift_right_arithmetic3A_1081 : i32 to index
      %swap3A_1083 = arith.index_cast %add3A_1066 : i32 to index
      %swap3A_1084 = tpu.vector_load %arg9[%swap3A_1082, %swap3A_1083] {strides = array<i32>} : memref<256x128xf32, #tpu.memory_space<vmem>>, vector<1x16xf32>,
      %swap3A_1085 = vector.shape_cast %swap3A_1084 : vector<1x16xf32> to vector<16xf32>
      %swap3A_1086 = vector.shape_cast %mul3A_1079 : vector<16xf32> to vector<1x16xf32>
      tpu.vector_store %arg9[%swap3A_1082, %swap3A_1083], %swap3A_1086 {strides = array<i32>} : memref<256x128xf32, #tpu.memory_space<vmem>>, vector<1x16xf32>,
      %and3A_1087 = arith.constant 1 : i32
      %and3A_1088 = arith.andi %add3A_1052, %and3A_1087 : i32
      %mul3A_1089 = arith.constant 64 : i32
      %mul3A_1090 = arith.muli %and3A_1088, %mul3A_1089 : i32
      %add3A_1091 = arith.constant 16 : i32
      %add3A_1092 = arith.addi %mul3A_1090, %add3A_1091 : i32
      %add3A_1093 = arith.constant 16 : i32
      %add3A_1094 = arith.addi %mul3A_1060, %add3A_1093 : i32
      %shift_right_arithmetic3A_1095 = arith.constant 1 : i32
      %shift_right_arithmetic3A_1096 = arith.shrsi %add3A_1052, %shift_right_arithmetic3A_1095 : i32
      %get3A_1097 = arith.index_cast %shift_right_arithmetic3A_1096 : i32 to index
      %get3A_1098 = arith.index_cast %add3A_1092 : i32 to index
      %get3A_1099 = tpu.vector_load %arg9[%get3A_1097, %get3A_1098] {strides = array<i32>} : memref<256x128xf32, #tpu.memory_space<vmem>>, vector<1x16xf32>,
      %get3A_1100 = vector.shape_cast %get3A_1099 : vector<1x16xf32> to vector<16xf32>
      %get3A_1101 = arith.index_cast %add3A_1052 : i32 to index
      %get3A_1102 = arith.index_cast %add3A_1094 : i32 to index
      %get3A_1103 = tpu.vector_load %arg10[%get3A_1101, %get3A_1102] {strides = array<i32>} : memref<512x128xf32, #tpu.memory_space<vmem>>, vector<1x16xf32>,
      %get3A_1104 = vector.shape_cast %get3A_1103 : vector<1x16xf32> to vector<16xf32>
      %mul3A_1105 = arith.mulf %get3A_1100, %get3A_1104 : vector<16xf32>
      %shift_right_arithmetic3A_1106 = arith.constant 1 : i32
      %shift_right_arithmetic3A_1107 = arith.shrsi %add3A_1052, %shift_right_arithmetic3A_1106 : i32
      %swap3A_1108 = arith.index_cast %shift_right_arithmetic3A_1107 : i32 to index
      %swap3A_1109 = arith.index_cast %add3A_1092 : i32 to index
      %swap3A_1110 = tpu.vector_load %arg9[%swap3A_1108, %swap3A_1109] {strides = array<i32>} : memref<256x128xf32, #tpu.memory_space<vmem>>, vector<1x16xf32>,
      %swap3A_1111 = vector.shape_cast %swap3A_1110 : vector<1x16xf32> to vector<16xf32>
      %swap3A_1112 = vector.shape_cast %mul3A_1105 : vector<16xf32> to vector<1x16xf32>
      tpu.vector_store %arg9[%swap3A_1108, %swap3A_1109], %swap3A_1112 {strides = array<i32>} : memref<256x128xf32, #tpu.memory_space<vmem>>, vector<1x16xf32>,
      %and3A_1113 = arith.constant 1 : i32
      %and3A_1114 = arith.andi %add3A_1052, %and3A_1113 : i32
      %mul3A_1115 = arith.constant 64 : i32
      %mul3A_1116 = arith.muli %and3A_1114, %mul3A_1115 : i32
      %add3A_1117 = arith.constant 32 : i32
      %add3A_1118 = arith.addi %mul3A_1116, %add3A_1117 : i32
      %add3A_1119 = arith.constant 32 : i32
      %add3A_1120 = arith.addi %mul3A_1060, %add3A_1119 : i32
      %shift_right_arithmetic3A_1121 = arith.constant 1 : i32
      %shift_right_arithmetic3A_1122 = arith.shrsi %add3A_1052, %shift_right_arithmetic3A_1121 : i32
      %get3A_1123 = arith.index_cast %shift_right_arithmetic3A_1122 : i32 to index
      %get3A_1124 = arith.index_cast %add3A_1118 : i32 to index
      %get3A_1125 = tpu.vector_load %arg9[%get3A_1123, %get3A_1124] {strides = array<i32>} : memref<256x128xf32, #tpu.memory_space<vmem>>, vector<1x16xf32>,
      %get3A_1126 = vector.shape_cast %get3A_1125 : vector<1x16xf32> to vector<16xf32>
      %get3A_1127 = arith.index_cast %add3A_1052 : i32 to index
      %get3A_1128 = arith.index_cast %add3A_1120 : i32 to index
      %get3A_1129 = tpu.vector_load %arg10[%get3A_1127, %get3A_1128] {strides = array<i32>} : memref<512x128xf32, #tpu.memory_space<vmem>>, vector<1x16xf32>,
      %get3A_1130 = vector.shape_cast %get3A_1129 : vector<1x16xf32> to vector<16xf32>
      %mul3A_1131 = arith.mulf %get3A_1126, %get3A_1130 : vector<16xf32>
      %shift_right_arithmetic3A_1132 = arith.constant 1 : i32
      %shift_right_arithmetic3A_1133 = arith.shrsi %add3A_1052, %shift_right_arithmetic3A_1132 : i32
      %swap3A_1134 = arith.index_cast %shift_right_arithmetic3A_1133 : i32 to index
      %swap3A_1135 = arith.index_cast %add3A_1118 : i32 to index
      %swap3A_1136 = tpu.vector_load %arg9[%swap3A_1134, %swap3A_1135] {strides = array<i32>} : memref<256x128xf32, #tpu.memory_space<vmem>>, vector<1x16xf32>,
      %swap3A_1137 = vector.shape_cast %swap3A_1136 : vector<1x16xf32> to vector<16xf32>
      %swap3A_1138 = vector.shape_cast %mul3A_1131 : vector<16xf32> to vector<1x16xf32>
      tpu.vector_store %arg9[%swap3A_1134, %swap3A_1135], %swap3A_1138 {strides = array<i32>} : memref<256x128xf32, #tpu.memory_space<vmem>>, vector<1x16xf32>,
      %and3A_1139 = arith.constant 1 : i32
      %and3A_1140 = arith.andi %add3A_1052, %and3A_1139 : i32
      %mul3A_1141 = arith.constant 64 : i32
      %mul3A_1142 = arith.muli %and3A_1140, %mul3A_1141 : i32
      %add3A_1143 = arith.constant 48 : i32
      %add3A_1144 = arith.addi %mul3A_1142, %add3A_1143 : i32
      %add3A_1145 = arith.constant 48 : i32
      %add3A_1146 = arith.addi %mul3A_1060, %add3A_1145 : i32
      %shift_right_arithmetic3A_1147 = arith.constant 1 : i32
      %shift_right_arithmetic3A_1148 = arith.shrsi %add3A_1052, %shift_right_arithmetic3A_1147 : i32
      %get3A_1149 = arith.index_cast %shift_right_arithmetic3A_1148 : i32 to index
      %get3A_1150 = arith.index_cast %add3A_1144 : i32 to index
      %get3A_1151 = tpu.vector_load %arg9[%get3A_1149, %get3A_1150] {strides = array<i32>} : memref<256x128xf32, #tpu.memory_space<vmem>>, vector<1x16xf32>,
      %get3A_1152 = vector.shape_cast %get3A_1151 : vector<1x16xf32> to vector<16xf32>
      %get3A_1153 = arith.index_cast %add3A_1052 : i32 to index
      %get3A_1154 = arith.index_cast %add3A_1146 : i32 to index
      %get3A_1155 = tpu.vector_load %arg10[%get3A_1153, %get3A_1154] {strides = array<i32>} : memref<512x128xf32, #tpu.memory_space<vmem>>, vector<1x16xf32>,
      %get3A_1156 = vector.shape_cast %get3A_1155 : vector<1x16xf32> to vector<16xf32>
      %mul3A_1157 = arith.mulf %get3A_1152, %get3A_1156 : vector<16xf32>
      %shift_right_arithmetic3A_1158 = arith.constant 1 : i32
      %shift_right_arithmetic3A_1159 = arith.shrsi %add3A_1052, %shift_right_arithmetic3A_1158 : i32
      %swap3A_1160 = arith.index_cast %shift_right_arithmetic3A_1159 : i32 to index
      %swap3A_1161 = arith.index_cast %add3A_1144 : i32 to index
      %swap3A_1162 = tpu.vector_load %arg9[%swap3A_1160, %swap3A_1161] {strides = array<i32>} : memref<256x128xf32, #tpu.memory_space<vmem>>, vector<1x16xf32>,
      %swap3A_1163 = vector.shape_cast %swap3A_1162 : vector<1x16xf32> to vector<16xf32>
      %swap3A_1164 = vector.shape_cast %mul3A_1157 : vector<16xf32> to vector<1x16xf32>
      tpu.vector_store %arg9[%swap3A_1160, %swap3A_1161], %swap3A_1164 {strides = array<i32>} : memref<256x128xf32, #tpu.memory_space<vmem>>, vector<1x16xf32>,
      %add3A_1165 = arith.constant 10 : i32
      %add3A_1166 = arith.addi %mul3A_27, %add3A_1165 : i32
      %slice3A_1167 = vector.extract_strided_slice %get3A_29 {offsets = [10], sizes = [1], strides = [1]} : vector<16xi32> to vector<1xi32>
      %squeeze3A_1168 = vector.extract %slice3A_1167[0] : i32 from vector<1xi32>
      %shift_right_arithmetic3A_1169 = arith.constant 12 : i32
      %shift_right_arithmetic3A_1170 = arith.shrsi %squeeze3A_1168, %shift_right_arithmetic3A_1169 : i32
      %and3A_1171 = arith.constant 1 : i32
      %and3A_1172 = arith.andi %shift_right_arithmetic3A_1170, %and3A_1171 : i32
      %mul3A_1173 = arith.constant 64 : i32
      %mul3A_1174 = arith.muli %and3A_1172, %mul3A_1173 : i32
      %and3A_1175 = arith.constant 1 : i32
      %and3A_1176 = arith.andi %add3A_1166, %and3A_1175 : i32
      %mul3A_1177 = arith.constant 64 : i32
      %mul3A_1178 = arith.muli %and3A_1176, %mul3A_1177 : i32
      %add3A_1179 = arith.constant 0 : i32
      %add3A_1180 = arith.addi %mul3A_1178, %add3A_1179 : i32
      %add3A_1181 = arith.constant 0 : i32
      %add3A_1182 = arith.addi %mul3A_1174, %add3A_1181 : i32
      %shift_right_arithmetic3A_1183 = arith.constant 1 : i32
      %shift_right_arithmetic3A_1184 = arith.shrsi %add3A_1166, %shift_right_arithmetic3A_1183 : i32
      %get3A_1185 = arith.index_cast %shift_right_arithmetic3A_1184 : i32 to index
      %get3A_1186 = arith.index_cast %add3A_1180 : i32 to index
      %get3A_1187 = tpu.vector_load %arg9[%get3A_1185, %get3A_1186] {strides = array<i32>} : memref<256x128xf32, #tpu.memory_space<vmem>>, vector<1x16xf32>,
      %get3A_1188 = vector.shape_cast %get3A_1187 : vector<1x16xf32> to vector<16xf32>
      %get3A_1189 = arith.index_cast %add3A_1166 : i32 to index
      %get3A_1190 = arith.index_cast %add3A_1182 : i32 to index
      %get3A_1191 = tpu.vector_load %arg10[%get3A_1189, %get3A_1190] {strides = array<i32>} : memref<512x128xf32, #tpu.memory_space<vmem>>, vector<1x16xf32>,
      %get3A_1192 = vector.shape_cast %get3A_1191 : vector<1x16xf32> to vector<16xf32>
      %mul3A_1193 = arith.mulf %get3A_1188, %get3A_1192 : vector<16xf32>
      %shift_right_arithmetic3A_1194 = arith.constant 1 : i32
      %shift_right_arithmetic3A_1195 = arith.shrsi %add3A_1166, %shift_right_arithmetic3A_1194 : i32
      %swap3A_1196 = arith.index_cast %shift_right_arithmetic3A_1195 : i32 to index
      %swap3A_1197 = arith.index_cast %add3A_1180 : i32 to index
      %swap3A_1198 = tpu.vector_load %arg9[%swap3A_1196, %swap3A_1197] {strides = array<i32>} : memref<256x128xf32, #tpu.memory_space<vmem>>, vector<1x16xf32>,
      %swap3A_1199 = vector.shape_cast %swap3A_1198 : vector<1x16xf32> to vector<16xf32>
      %swap3A_1200 = vector.shape_cast %mul3A_1193 : vector<16xf32> to vector<1x16xf32>
      tpu.vector_store %arg9[%swap3A_1196, %swap3A_1197], %swap3A_1200 {strides = array<i32>} : memref<256x128xf32, #tpu.memory_space<vmem>>, vector<1x16xf32>,
      %and3A_1201 = arith.constant 1 : i32
      %and3A_1202 = arith.andi %add3A_1166, %and3A_1201 : i32
      %mul3A_1203 = arith.constant 64 : i32
      %mul3A_1204 = arith.muli %and3A_1202, %mul3A_1203 : i32
      %add3A_1205 = arith.constant 16 : i32
      %add3A_1206 = arith.addi %mul3A_1204, %add3A_1205 : i32
      %add3A_1207 = arith.constant 16 : i32
      %add3A_1208 = arith.addi %mul3A_1174, %add3A_1207 : i32
      %shift_right_arithmetic3A_1209 = arith.constant 1 : i32
      %shift_right_arithmetic3A_1210 = arith.shrsi %add3A_1166, %shift_right_arithmetic3A_1209 : i32
      %get3A_1211 = arith.index_cast %shift_right_arithmetic3A_1210 : i32 to index
      %get3A_1212 = arith.index_cast %add3A_1206 : i32 to index
      %get3A_1213 = tpu.vector_load %arg9[%get3A_1211, %get3A_1212] {strides = array<i32>} : memref<256x128xf32, #tpu.memory_space<vmem>>, vector<1x16xf32>,
      %get3A_1214 = vector.shape_cast %get3A_1213 : vector<1x16xf32> to vector<16xf32>
      %get3A_1215 = arith.index_cast %add3A_1166 : i32 to index
      %get3A_1216 = arith.index_cast %add3A_1208 : i32 to index
      %get3A_1217 = tpu.vector_load %arg10[%get3A_1215, %get3A_1216] {strides = array<i32>} : memref<512x128xf32, #tpu.memory_space<vmem>>, vector<1x16xf32>,
      %get3A_1218 = vector.shape_cast %get3A_1217 : vector<1x16xf32> to vector<16xf32>
      %mul3A_1219 = arith.mulf %get3A_1214, %get3A_1218 : vector<16xf32>
      %shift_right_arithmetic3A_1220 = arith.constant 1 : i32
      %shift_right_arithmetic3A_1221 = arith.shrsi %add3A_1166, %shift_right_arithmetic3A_1220 : i32
      %swap3A_1222 = arith.index_cast %shift_right_arithmetic3A_1221 : i32 to index
      %swap3A_1223 = arith.index_cast %add3A_1206 : i32 to index
      %swap3A_1224 = tpu.vector_load %arg9[%swap3A_1222, %swap3A_1223] {strides = array<i32>} : memref<256x128xf32, #tpu.memory_space<vmem>>, vector<1x16xf32>,
      %swap3A_1225 = vector.shape_cast %swap3A_1224 : vector<1x16xf32> to vector<16xf32>
      %swap3A_1226 = vector.shape_cast %mul3A_1219 : vector<16xf32> to vector<1x16xf32>
      tpu.vector_store %arg9[%swap3A_1222, %swap3A_1223], %swap3A_1226 {strides = array<i32>} : memref<256x128xf32, #tpu.memory_space<vmem>>, vector<1x16xf32>,
      %and3A_1227 = arith.constant 1 : i32
      %and3A_1228 = arith.andi %add3A_1166, %and3A_1227 : i32
      %mul3A_1229 = arith.constant 64 : i32
      %mul3A_1230 = arith.muli %and3A_1228, %mul3A_1229 : i32
      %add3A_1231 = arith.constant 32 : i32
      %add3A_1232 = arith.addi %mul3A_1230, %add3A_1231 : i32
      %add3A_1233 = arith.constant 32 : i32
      %add3A_1234 = arith.addi %mul3A_1174, %add3A_1233 : i32
      %shift_right_arithmetic3A_1235 = arith.constant 1 : i32
      %shift_right_arithmetic3A_1236 = arith.shrsi %add3A_1166, %shift_right_arithmetic3A_1235 : i32
      %get3A_1237 = arith.index_cast %shift_right_arithmetic3A_1236 : i32 to index
      %get3A_1238 = arith.index_cast %add3A_1232 : i32 to index
      %get3A_1239 = tpu.vector_load %arg9[%get3A_1237, %get3A_1238] {strides = array<i32>} : memref<256x128xf32, #tpu.memory_space<vmem>>, vector<1x16xf32>,
      %get3A_1240 = vector.shape_cast %get3A_1239 : vector<1x16xf32> to vector<16xf32>
      %get3A_1241 = arith.index_cast %add3A_1166 : i32 to index
      %get3A_1242 = arith.index_cast %add3A_1234 : i32 to index
      %get3A_1243 = tpu.vector_load %arg10[%get3A_1241, %get3A_1242] {strides = array<i32>} : memref<512x128xf32, #tpu.memory_space<vmem>>, vector<1x16xf32>,
      %get3A_1244 = vector.shape_cast %get3A_1243 : vector<1x16xf32> to vector<16xf32>
      %mul3A_1245 = arith.mulf %get3A_1240, %get3A_1244 : vector<16xf32>
      %shift_right_arithmetic3A_1246 = arith.constant 1 : i32
      %shift_right_arithmetic3A_1247 = arith.shrsi %add3A_1166, %shift_right_arithmetic3A_1246 : i32
      %swap3A_1248 = arith.index_cast %shift_right_arithmetic3A_1247 : i32 to index
      %swap3A_1249 = arith.index_cast %add3A_1232 : i32 to index
      %swap3A_1250 = tpu.vector_load %arg9[%swap3A_1248, %swap3A_1249] {strides = array<i32>} : memref<256x128xf32, #tpu.memory_space<vmem>>, vector<1x16xf32>,
      %swap3A_1251 = vector.shape_cast %swap3A_1250 : vector<1x16xf32> to vector<16xf32>
      %swap3A_1252 = vector.shape_cast %mul3A_1245 : vector<16xf32> to vector<1x16xf32>
      tpu.vector_store %arg9[%swap3A_1248, %swap3A_1249], %swap3A_1252 {strides = array<i32>} : memref<256x128xf32, #tpu.memory_space<vmem>>, vector<1x16xf32>,
      %and3A_1253 = arith.constant 1 : i32
      %and3A_1254 = arith.andi %add3A_1166, %and3A_1253 : i32
      %mul3A_1255 = arith.constant 64 : i32
      %mul3A_1256 = arith.muli %and3A_1254, %mul3A_1255 : i32
      %add3A_1257 = arith.constant 48 : i32
      %add3A_1258 = arith.addi %mul3A_1256, %add3A_1257 : i32
      %add3A_1259 = arith.constant 48 : i32
      %add3A_1260 = arith.addi %mul3A_1174, %add3A_1259 : i32
      %shift_right_arithmetic3A_1261 = arith.constant 1 : i32
      %shift_right_arithmetic3A_1262 = arith.shrsi %add3A_1166, %shift_right_arithmetic3A_1261 : i32
      %get3A_1263 = arith.index_cast %shift_right_arithmetic3A_1262 : i32 to index
      %get3A_1264 = arith.index_cast %add3A_1258 : i32 to index
      %get3A_1265 = tpu.vector_load %arg9[%get3A_1263, %get3A_1264] {strides = array<i32>} : memref<256x128xf32, #tpu.memory_space<vmem>>, vector<1x16xf32>,
      %get3A_1266 = vector.shape_cast %get3A_1265 : vector<1x16xf32> to vector<16xf32>
      %get3A_1267 = arith.index_cast %add3A_1166 : i32 to index
      %get3A_1268 = arith.index_cast %add3A_1260 : i32 to index
      %get3A_1269 = tpu.vector_load %arg10[%get3A_1267, %get3A_1268] {strides = array<i32>} : memref<512x128xf32, #tpu.memory_space<vmem>>, vector<1x16xf32>,
      %get3A_1270 = vector.shape_cast %get3A_1269 : vector<1x16xf32> to vector<16xf32>
      %mul3A_1271 = arith.mulf %get3A_1266, %get3A_1270 : vector<16xf32>
      %shift_right_arithmetic3A_1272 = arith.constant 1 : i32
      %shift_right_arithmetic3A_1273 = arith.shrsi %add3A_1166, %shift_right_arithmetic3A_1272 : i32
      %swap3A_1274 = arith.index_cast %shift_right_arithmetic3A_1273 : i32 to index
      %swap3A_1275 = arith.index_cast %add3A_1258 : i32 to index
      %swap3A_1276 = tpu.vector_load %arg9[%swap3A_1274, %swap3A_1275] {strides = array<i32>} : memref<256x128xf32, #tpu.memory_space<vmem>>, vector<1x16xf32>,
      %swap3A_1277 = vector.shape_cast %swap3A_1276 : vector<1x16xf32> to vector<16xf32>
      %swap3A_1278 = vector.shape_cast %mul3A_1271 : vector<16xf32> to vector<1x16xf32>
      tpu.vector_store %arg9[%swap3A_1274, %swap3A_1275], %swap3A_1278 {strides = array<i32>} : memref<256x128xf32, #tpu.memory_space<vmem>>, vector<1x16xf32>,
      %add3A_1279 = arith.constant 11 : i32
      %add3A_1280 = arith.addi %mul3A_27, %add3A_1279 : i32
      %slice3A_1281 = vector.extract_strided_slice %get3A_29 {offsets = [11], sizes = [1], strides = [1]} : vector<16xi32> to vector<1xi32>
      %squeeze3A_1282 = vector.extract %slice3A_1281[0] : i32 from vector<1xi32>
      %shift_right_arithmetic3A_1283 = arith.constant 12 : i32
      %shift_right_arithmetic3A_1284 = arith.shrsi %squeeze3A_1282, %shift_right_arithmetic3A_1283 : i32
      %and3A_1285 = arith.constant 1 : i32
      %and3A_1286 = arith.andi %shift_right_arithmetic3A_1284, %and3A_1285 : i32
      %mul3A_1287 = arith.constant 64 : i32
      %mul3A_1288 = arith.muli %and3A_1286, %mul3A_1287 : i32
      %and3A_1289 = arith.constant 1 : i32
      %and3A_1290 = arith.andi %add3A_1280, %and3A_1289 : i32
      %mul3A_1291 = arith.constant 64 : i32
      %mul3A_1292 = arith.muli %and3A_1290, %mul3A_1291 : i32
      %add3A_1293 = arith.constant 0 : i32
      %add3A_1294 = arith.addi %mul3A_1292, %add3A_1293 : i32
      %add3A_1295 = arith.constant 0 : i32
      %add3A_1296 = arith.addi %mul3A_1288, %add3A_1295 : i32
      %shift_right_arithmetic3A_1297 = arith.constant 1 : i32
      %shift_right_arithmetic3A_1298 = arith.shrsi %add3A_1280, %shift_right_arithmetic3A_1297 : i32
      %get3A_1299 = arith.index_cast %shift_right_arithmetic3A_1298 : i32 to index
      %get3A_1300 = arith.index_cast %add3A_1294 : i32 to index
      %get3A_1301 = tpu.vector_load %arg9[%get3A_1299, %get3A_1300] {strides = array<i32>} : memref<256x128xf32, #tpu.memory_space<vmem>>, vector<1x16xf32>,
      %get3A_1302 = vector.shape_cast %get3A_1301 : vector<1x16xf32> to vector<16xf32>
      %get3A_1303 = arith.index_cast %add3A_1280 : i32 to index
      %get3A_1304 = arith.index_cast %add3A_1296 : i32 to index
      %get3A_1305 = tpu.vector_load %arg10[%get3A_1303, %get3A_1304] {strides = array<i32>} : memref<512x128xf32, #tpu.memory_space<vmem>>, vector<1x16xf32>,
      %get3A_1306 = vector.shape_cast %get3A_1305 : vector<1x16xf32> to vector<16xf32>
      %mul3A_1307 = arith.mulf %get3A_1302, %get3A_1306 : vector<16xf32>
      %shift_right_arithmetic3A_1308 = arith.constant 1 : i32
      %shift_right_arithmetic3A_1309 = arith.shrsi %add3A_1280, %shift_right_arithmetic3A_1308 : i32
      %swap3A_1310 = arith.index_cast %shift_right_arithmetic3A_1309 : i32 to index
      %swap3A_1311 = arith.index_cast %add3A_1294 : i32 to index
      %swap3A_1312 = tpu.vector_load %arg9[%swap3A_1310, %swap3A_1311] {strides = array<i32>} : memref<256x128xf32, #tpu.memory_space<vmem>>, vector<1x16xf32>,
      %swap3A_1313 = vector.shape_cast %swap3A_1312 : vector<1x16xf32> to vector<16xf32>
      %swap3A_1314 = vector.shape_cast %mul3A_1307 : vector<16xf32> to vector<1x16xf32>
      tpu.vector_store %arg9[%swap3A_1310, %swap3A_1311], %swap3A_1314 {strides = array<i32>} : memref<256x128xf32, #tpu.memory_space<vmem>>, vector<1x16xf32>,
      %and3A_1315 = arith.constant 1 : i32
      %and3A_1316 = arith.andi %add3A_1280, %and3A_1315 : i32
      %mul3A_1317 = arith.constant 64 : i32
      %mul3A_1318 = arith.muli %and3A_1316, %mul3A_1317 : i32
      %add3A_1319 = arith.constant 16 : i32
      %add3A_1320 = arith.addi %mul3A_1318, %add3A_1319 : i32
      %add3A_1321 = arith.constant 16 : i32
      %add3A_1322 = arith.addi %mul3A_1288, %add3A_1321 : i32
      %shift_right_arithmetic3A_1323 = arith.constant 1 : i32
      %shift_right_arithmetic3A_1324 = arith.shrsi %add3A_1280, %shift_right_arithmetic3A_1323 : i32
      %get3A_1325 = arith.index_cast %shift_right_arithmetic3A_1324 : i32 to index
      %get3A_1326 = arith.index_cast %add3A_1320 : i32 to index
      %get3A_1327 = tpu.vector_load %arg9[%get3A_1325, %get3A_1326] {strides = array<i32>} : memref<256x128xf32, #tpu.memory_space<vmem>>, vector<1x16xf32>,
      %get3A_1328 = vector.shape_cast %get3A_1327 : vector<1x16xf32> to vector<16xf32>
      %get3A_1329 = arith.index_cast %add3A_1280 : i32 to index
      %get3A_1330 = arith.index_cast %add3A_1322 : i32 to index
      %get3A_1331 = tpu.vector_load %arg10[%get3A_1329, %get3A_1330] {strides = array<i32>} : memref<512x128xf32, #tpu.memory_space<vmem>>, vector<1x16xf32>,
      %get3A_1332 = vector.shape_cast %get3A_1331 : vector<1x16xf32> to vector<16xf32>
      %mul3A_1333 = arith.mulf %get3A_1328, %get3A_1332 : vector<16xf32>
      %shift_right_arithmetic3A_1334 = arith.constant 1 : i32
      %shift_right_arithmetic3A_1335 = arith.shrsi %add3A_1280, %shift_right_arithmetic3A_1334 : i32
      %swap3A_1336 = arith.index_cast %shift_right_arithmetic3A_1335 : i32 to index
      %swap3A_1337 = arith.index_cast %add3A_1320 : i32 to index
      %swap3A_1338 = tpu.vector_load %arg9[%swap3A_1336, %swap3A_1337] {strides = array<i32>} : memref<256x128xf32, #tpu.memory_space<vmem>>, vector<1x16xf32>,
      %swap3A_1339 = vector.shape_cast %swap3A_1338 : vector<1x16xf32> to vector<16xf32>
      %swap3A_1340 = vector.shape_cast %mul3A_1333 : vector<16xf32> to vector<1x16xf32>
      tpu.vector_store %arg9[%swap3A_1336, %swap3A_1337], %swap3A_1340 {strides = array<i32>} : memref<256x128xf32, #tpu.memory_space<vmem>>, vector<1x16xf32>,
      %and3A_1341 = arith.constant 1 : i32
      %and3A_1342 = arith.andi %add3A_1280, %and3A_1341 : i32
      %mul3A_1343 = arith.constant 64 : i32
      %mul3A_1344 = arith.muli %and3A_1342, %mul3A_1343 : i32
      %add3A_1345 = arith.constant 32 : i32
      %add3A_1346 = arith.addi %mul3A_1344, %add3A_1345 : i32
      %add3A_1347 = arith.constant 32 : i32
      %add3A_1348 = arith.addi %mul3A_1288, %add3A_1347 : i32
      %shift_right_arithmetic3A_1349 = arith.constant 1 : i32
      %shift_right_arithmetic3A_1350 = arith.shrsi %add3A_1280, %shift_right_arithmetic3A_1349 : i32
      %get3A_1351 = arith.index_cast %shift_right_arithmetic3A_1350 : i32 to index
      %get3A_1352 = arith.index_cast %add3A_1346 : i32 to index
      %get3A_1353 = tpu.vector_load %arg9[%get3A_1351, %get3A_1352] {strides = array<i32>} : memref<256x128xf32, #tpu.memory_space<vmem>>, vector<1x16xf32>,
      %get3A_1354 = vector.shape_cast %get3A_1353 : vector<1x16xf32> to vector<16xf32>
      %get3A_1355 = arith.index_cast %add3A_1280 : i32 to index
      %get3A_1356 = arith.index_cast %add3A_1348 : i32 to index
      %get3A_1357 = tpu.vector_load %arg10[%get3A_1355, %get3A_1356] {strides = array<i32>} : memref<512x128xf32, #tpu.memory_space<vmem>>, vector<1x16xf32>,
      %get3A_1358 = vector.shape_cast %get3A_1357 : vector<1x16xf32> to vector<16xf32>
      %mul3A_1359 = arith.mulf %get3A_1354, %get3A_1358 : vector<16xf32>
      %shift_right_arithmetic3A_1360 = arith.constant 1 : i32
      %shift_right_arithmetic3A_1361 = arith.shrsi %add3A_1280, %shift_right_arithmetic3A_1360 : i32
      %swap3A_1362 = arith.index_cast %shift_right_arithmetic3A_1361 : i32 to index
      %swap3A_1363 = arith.index_cast %add3A_1346 : i32 to index
      %swap3A_1364 = tpu.vector_load %arg9[%swap3A_1362, %swap3A_1363] {strides = array<i32>} : memref<256x128xf32, #tpu.memory_space<vmem>>, vector<1x16xf32>,
      %swap3A_1365 = vector.shape_cast %swap3A_1364 : vector<1x16xf32> to vector<16xf32>
      %swap3A_1366 = vector.shape_cast %mul3A_1359 : vector<16xf32> to vector<1x16xf32>
      tpu.vector_store %arg9[%swap3A_1362, %swap3A_1363], %swap3A_1366 {strides = array<i32>} : memref<256x128xf32, #tpu.memory_space<vmem>>, vector<1x16xf32>,
      %and3A_1367 = arith.constant 1 : i32
      %and3A_1368 = arith.andi %add3A_1280, %and3A_1367 : i32
      %mul3A_1369 = arith.constant 64 : i32
      %mul3A_1370 = arith.muli %and3A_1368, %mul3A_1369 : i32
      %add3A_1371 = arith.constant 48 : i32
      %add3A_1372 = arith.addi %mul3A_1370, %add3A_1371 : i32
      %add3A_1373 = arith.constant 48 : i32
      %add3A_1374 = arith.addi %mul3A_1288, %add3A_1373 : i32
      %shift_right_arithmetic3A_1375 = arith.constant 1 : i32
      %shift_right_arithmetic3A_1376 = arith.shrsi %add3A_1280, %shift_right_arithmetic3A_1375 : i32
      %get3A_1377 = arith.index_cast %shift_right_arithmetic3A_1376 : i32 to index
      %get3A_1378 = arith.index_cast %add3A_1372 : i32 to index
      %get3A_1379 = tpu.vector_load %arg9[%get3A_1377, %get3A_1378] {strides = array<i32>} : memref<256x128xf32, #tpu.memory_space<vmem>>, vector<1x16xf32>,
      %get3A_1380 = vector.shape_cast %get3A_1379 : vector<1x16xf32> to vector<16xf32>
      %get3A_1381 = arith.index_cast %add3A_1280 : i32 to index
      %get3A_1382 = arith.index_cast %add3A_1374 : i32 to index
      %get3A_1383 = tpu.vector_load %arg10[%get3A_1381, %get3A_1382] {strides = array<i32>} : memref<512x128xf32, #tpu.memory_space<vmem>>, vector<1x16xf32>,
      %get3A_1384 = vector.shape_cast %get3A_1383 : vector<1x16xf32> to vector<16xf32>
      %mul3A_1385 = arith.mulf %get3A_1380, %get3A_1384 : vector<16xf32>
      %shift_right_arithmetic3A_1386 = arith.constant 1 : i32
      %shift_right_arithmetic3A_1387 = arith.shrsi %add3A_1280, %shift_right_arithmetic3A_1386 : i32
      %swap3A_1388 = arith.index_cast %shift_right_arithmetic3A_1387 : i32 to index
      %swap3A_1389 = arith.index_cast %add3A_1372 : i32 to index
      %swap3A_1390 = tpu.vector_load %arg9[%swap3A_1388, %swap3A_1389] {strides = array<i32>} : memref<256x128xf32, #tpu.memory_space<vmem>>, vector<1x16xf32>,
      %swap3A_1391 = vector.shape_cast %swap3A_1390 : vector<1x16xf32> to vector<16xf32>
      %swap3A_1392 = vector.shape_cast %mul3A_1385 : vector<16xf32> to vector<1x16xf32>
      tpu.vector_store %arg9[%swap3A_1388, %swap3A_1389], %swap3A_1392 {strides = array<i32>} : memref<256x128xf32, #tpu.memory_space<vmem>>, vector<1x16xf32>,
      %add3A_1393 = arith.constant 12 : i32
      %add3A_1394 = arith.addi %mul3A_27, %add3A_1393 : i32
      %slice3A_1395 = vector.extract_strided_slice %get3A_29 {offsets = [12], sizes = [1], strides = [1]} : vector<16xi32> to vector<1xi32>
      %squeeze3A_1396 = vector.extract %slice3A_1395[0] : i32 from vector<1xi32>
      %shift_right_arithmetic3A_1397 = arith.constant 12 : i32
      %shift_right_arithmetic3A_1398 = arith.shrsi %squeeze3A_1396, %shift_right_arithmetic3A_1397 : i32
      %and3A_1399 = arith.constant 1 : i32
      %and3A_1400 = arith.andi %shift_right_arithmetic3A_1398, %and3A_1399 : i32
      %mul3A_1401 = arith.constant 64 : i32
      %mul3A_1402 = arith.muli %and3A_1400, %mul3A_1401 : i32
      %and3A_1403 = arith.constant 1 : i32
      %and3A_1404 = arith.andi %add3A_1394, %and3A_1403 : i32
      %mul3A_1405 = arith.constant 64 : i32
      %mul3A_1406 = arith.muli %and3A_1404, %mul3A_1405 : i32
      %add3A_1407 = arith.constant 0 : i32
      %add3A_1408 = arith.addi %mul3A_1406, %add3A_1407 : i32
      %add3A_1409 = arith.constant 0 : i32
      %add3A_1410 = arith.addi %mul3A_1402, %add3A_1409 : i32
      %shift_right_arithmetic3A_1411 = arith.constant 1 : i32
      %shift_right_arithmetic3A_1412 = arith.shrsi %add3A_1394, %shift_right_arithmetic3A_1411 : i32
      %get3A_1413 = arith.index_cast %shift_right_arithmetic3A_1412 : i32 to index
      %get3A_1414 = arith.index_cast %add3A_1408 : i32 to index
      %get3A_1415 = tpu.vector_load %arg9[%get3A_1413, %get3A_1414] {strides = array<i32>} : memref<256x128xf32, #tpu.memory_space<vmem>>, vector<1x16xf32>,
      %get3A_1416 = vector.shape_cast %get3A_1415 : vector<1x16xf32> to vector<16xf32>
      %get3A_1417 = arith.index_cast %add3A_1394 : i32 to index
      %get3A_1418 = arith.index_cast %add3A_1410 : i32 to index
      %get3A_1419 = tpu.vector_load %arg10[%get3A_1417, %get3A_1418] {strides = array<i32>} : memref<512x128xf32, #tpu.memory_space<vmem>>, vector<1x16xf32>,
      %get3A_1420 = vector.shape_cast %get3A_1419 : vector<1x16xf32> to vector<16xf32>
      %mul3A_1421 = arith.mulf %get3A_1416, %get3A_1420 : vector<16xf32>
      %shift_right_arithmetic3A_1422 = arith.constant 1 : i32
      %shift_right_arithmetic3A_1423 = arith.shrsi %add3A_1394, %shift_right_arithmetic3A_1422 : i32
      %swap3A_1424 = arith.index_cast %shift_right_arithmetic3A_1423 : i32 to index
      %swap3A_1425 = arith.index_cast %add3A_1408 : i32 to index
      %swap3A_1426 = tpu.vector_load %arg9[%swap3A_1424, %swap3A_1425] {strides = array<i32>} : memref<256x128xf32, #tpu.memory_space<vmem>>, vector<1x16xf32>,
      %swap3A_1427 = vector.shape_cast %swap3A_1426 : vector<1x16xf32> to vector<16xf32>
      %swap3A_1428 = vector.shape_cast %mul3A_1421 : vector<16xf32> to vector<1x16xf32>
      tpu.vector_store %arg9[%swap3A_1424, %swap3A_1425], %swap3A_1428 {strides = array<i32>} : memref<256x128xf32, #tpu.memory_space<vmem>>, vector<1x16xf32>,
      %and3A_1429 = arith.constant 1 : i32
      %and3A_1430 = arith.andi %add3A_1394, %and3A_1429 : i32
      %mul3A_1431 = arith.constant 64 : i32
      %mul3A_1432 = arith.muli %and3A_1430, %mul3A_1431 : i32
      %add3A_1433 = arith.constant 16 : i32
      %add3A_1434 = arith.addi %mul3A_1432, %add3A_1433 : i32
      %add3A_1435 = arith.constant 16 : i32
      %add3A_1436 = arith.addi %mul3A_1402, %add3A_1435 : i32
      %shift_right_arithmetic3A_1437 = arith.constant 1 : i32
      %shift_right_arithmetic3A_1438 = arith.shrsi %add3A_1394, %shift_right_arithmetic3A_1437 : i32
      %get3A_1439 = arith.index_cast %shift_right_arithmetic3A_1438 : i32 to index
      %get3A_1440 = arith.index_cast %add3A_1434 : i32 to index
      %get3A_1441 = tpu.vector_load %arg9[%get3A_1439, %get3A_1440] {strides = array<i32>} : memref<256x128xf32, #tpu.memory_space<vmem>>, vector<1x16xf32>,
      %get3A_1442 = vector.shape_cast %get3A_1441 : vector<1x16xf32> to vector<16xf32>
      %get3A_1443 = arith.index_cast %add3A_1394 : i32 to index
      %get3A_1444 = arith.index_cast %add3A_1436 : i32 to index
      %get3A_1445 = tpu.vector_load %arg10[%get3A_1443, %get3A_1444] {strides = array<i32>} : memref<512x128xf32, #tpu.memory_space<vmem>>, vector<1x16xf32>,
      %get3A_1446 = vector.shape_cast %get3A_1445 : vector<1x16xf32> to vector<16xf32>
      %mul3A_1447 = arith.mulf %get3A_1442, %get3A_1446 : vector<16xf32>
      %shift_right_arithmetic3A_1448 = arith.constant 1 : i32
      %shift_right_arithmetic3A_1449 = arith.shrsi %add3A_1394, %shift_right_arithmetic3A_1448 : i32
      %swap3A_1450 = arith.index_cast %shift_right_arithmetic3A_1449 : i32 to index
      %swap3A_1451 = arith.index_cast %add3A_1434 : i32 to index
      %swap3A_1452 = tpu.vector_load %arg9[%swap3A_1450, %swap3A_1451] {strides = array<i32>} : memref<256x128xf32, #tpu.memory_space<vmem>>, vector<1x16xf32>,
      %swap3A_1453 = vector.shape_cast %swap3A_1452 : vector<1x16xf32> to vector<16xf32>
      %swap3A_1454 = vector.shape_cast %mul3A_1447 : vector<16xf32> to vector<1x16xf32>
      tpu.vector_store %arg9[%swap3A_1450, %swap3A_1451], %swap3A_1454 {strides = array<i32>} : memref<256x128xf32, #tpu.memory_space<vmem>>, vector<1x16xf32>,
      %and3A_1455 = arith.constant 1 : i32
      %and3A_1456 = arith.andi %add3A_1394, %and3A_1455 : i32
      %mul3A_1457 = arith.constant 64 : i32
      %mul3A_1458 = arith.muli %and3A_1456, %mul3A_1457 : i32
      %add3A_1459 = arith.constant 32 : i32
      %add3A_1460 = arith.addi %mul3A_1458, %add3A_1459 : i32
      %add3A_1461 = arith.constant 32 : i32
      %add3A_1462 = arith.addi %mul3A_1402, %add3A_1461 : i32
      %shift_right_arithmetic3A_1463 = arith.constant 1 : i32
      %shift_right_arithmetic3A_1464 = arith.shrsi %add3A_1394, %shift_right_arithmetic3A_1463 : i32
      %get3A_1465 = arith.index_cast %shift_right_arithmetic3A_1464 : i32 to index
      %get3A_1466 = arith.index_cast %add3A_1460 : i32 to index
      %get3A_1467 = tpu.vector_load %arg9[%get3A_1465, %get3A_1466] {strides = array<i32>} : memref<256x128xf32, #tpu.memory_space<vmem>>, vector<1x16xf32>,
      %get3A_1468 = vector.shape_cast %get3A_1467 : vector<1x16xf32> to vector<16xf32>
      %get3A_1469 = arith.index_cast %add3A_1394 : i32 to index
      %get3A_1470 = arith.index_cast %add3A_1462 : i32 to index
      %get3A_1471 = tpu.vector_load %arg10[%get3A_1469, %get3A_1470] {strides = array<i32>} : memref<512x128xf32, #tpu.memory_space<vmem>>, vector<1x16xf32>,
      %get3A_1472 = vector.shape_cast %get3A_1471 : vector<1x16xf32> to vector<16xf32>
      %mul3A_1473 = arith.mulf %get3A_1468, %get3A_1472 : vector<16xf32>
      %shift_right_arithmetic3A_1474 = arith.constant 1 : i32
      %shift_right_arithmetic3A_1475 = arith.shrsi %add3A_1394, %shift_right_arithmetic3A_1474 : i32
      %swap3A_1476 = arith.index_cast %shift_right_arithmetic3A_1475 : i32 to index
      %swap3A_1477 = arith.index_cast %add3A_1460 : i32 to index
      %swap3A_1478 = tpu.vector_load %arg9[%swap3A_1476, %swap3A_1477] {strides = array<i32>} : memref<256x128xf32, #tpu.memory_space<vmem>>, vector<1x16xf32>,
      %swap3A_1479 = vector.shape_cast %swap3A_1478 : vector<1x16xf32> to vector<16xf32>
      %swap3A_1480 = vector.shape_cast %mul3A_1473 : vector<16xf32> to vector<1x16xf32>
      tpu.vector_store %arg9[%swap3A_1476, %swap3A_1477], %swap3A_1480 {strides = array<i32>} : memref<256x128xf32, #tpu.memory_space<vmem>>, vector<1x16xf32>,
      %and3A_1481 = arith.constant 1 : i32
      %and3A_1482 = arith.andi %add3A_1394, %and3A_1481 : i32
      %mul3A_1483 = arith.constant 64 : i32
      %mul3A_1484 = arith.muli %and3A_1482, %mul3A_1483 : i32
      %add3A_1485 = arith.constant 48 : i32
      %add3A_1486 = arith.addi %mul3A_1484, %add3A_1485 : i32
      %add3A_1487 = arith.constant 48 : i32
      %add3A_1488 = arith.addi %mul3A_1402, %add3A_1487 : i32
      %shift_right_arithmetic3A_1489 = arith.constant 1 : i32
      %shift_right_arithmetic3A_1490 = arith.shrsi %add3A_1394, %shift_right_arithmetic3A_1489 : i32
      %get3A_1491 = arith.index_cast %shift_right_arithmetic3A_1490 : i32 to index
      %get3A_1492 = arith.index_cast %add3A_1486 : i32 to index
      %get3A_1493 = tpu.vector_load %arg9[%get3A_1491, %get3A_1492] {strides = array<i32>} : memref<256x128xf32, #tpu.memory_space<vmem>>, vector<1x16xf32>,
      %get3A_1494 = vector.shape_cast %get3A_1493 : vector<1x16xf32> to vector<16xf32>
      %get3A_1495 = arith.index_cast %add3A_1394 : i32 to index
      %get3A_1496 = arith.index_cast %add3A_1488 : i32 to index
      %get3A_1497 = tpu.vector_load %arg10[%get3A_1495, %get3A_1496] {strides = array<i32>} : memref<512x128xf32, #tpu.memory_space<vmem>>, vector<1x16xf32>,
      %get3A_1498 = vector.shape_cast %get3A_1497 : vector<1x16xf32> to vector<16xf32>
      %mul3A_1499 = arith.mulf %get3A_1494, %get3A_1498 : vector<16xf32>
      %shift_right_arithmetic3A_1500 = arith.constant 1 : i32
      %shift_right_arithmetic3A_1501 = arith.shrsi %add3A_1394, %shift_right_arithmetic3A_1500 : i32
      %swap3A_1502 = arith.index_cast %shift_right_arithmetic3A_1501 : i32 to index
      %swap3A_1503 = arith.index_cast %add3A_1486 : i32 to index
      %swap3A_1504 = tpu.vector_load %arg9[%swap3A_1502, %swap3A_1503] {strides = array<i32>} : memref<256x128xf32, #tpu.memory_space<vmem>>, vector<1x16xf32>,
      %swap3A_1505 = vector.shape_cast %swap3A_1504 : vector<1x16xf32> to vector<16xf32>
      %swap3A_1506 = vector.shape_cast %mul3A_1499 : vector<16xf32> to vector<1x16xf32>
      tpu.vector_store %arg9[%swap3A_1502, %swap3A_1503], %swap3A_1506 {strides = array<i32>} : memref<256x128xf32, #tpu.memory_space<vmem>>, vector<1x16xf32>,
      %add3A_1507 = arith.constant 13 : i32
      %add3A_1508 = arith.addi %mul3A_27, %add3A_1507 : i32
      %slice3A_1509 = vector.extract_strided_slice %get3A_29 {offsets = [13], sizes = [1], strides = [1]} : vector<16xi32> to vector<1xi32>
      %squeeze3A_1510 = vector.extract %slice3A_1509[0] : i32 from vector<1xi32>
      %shift_right_arithmetic3A_1511 = arith.constant 12 : i32
      %shift_right_arithmetic3A_1512 = arith.shrsi %squeeze3A_1510, %shift_right_arithmetic3A_1511 : i32
      %and3A_1513 = arith.constant 1 : i32
      %and3A_1514 = arith.andi %shift_right_arithmetic3A_1512, %and3A_1513 : i32
      %mul3A_1515 = arith.constant 64 : i32
      %mul3A_1516 = arith.muli %and3A_1514, %mul3A_1515 : i32
      %and3A_1517 = arith.constant 1 : i32
      %and3A_1518 = arith.andi %add3A_1508, %and3A_1517 : i32
      %mul3A_1519 = arith.constant 64 : i32
      %mul3A_1520 = arith.muli %and3A_1518, %mul3A_1519 : i32
      %add3A_1521 = arith.constant 0 : i32
      %add3A_1522 = arith.addi %mul3A_1520, %add3A_1521 : i32
      %add3A_1523 = arith.constant 0 : i32
      %add3A_1524 = arith.addi %mul3A_1516, %add3A_1523 : i32
      %shift_right_arithmetic3A_1525 = arith.constant 1 : i32
      %shift_right_arithmetic3A_1526 = arith.shrsi %add3A_1508, %shift_right_arithmetic3A_1525 : i32
      %get3A_1527 = arith.index_cast %shift_right_arithmetic3A_1526 : i32 to index
      %get3A_1528 = arith.index_cast %add3A_1522 : i32 to index
      %get3A_1529 = tpu.vector_load %arg9[%get3A_1527, %get3A_1528] {strides = array<i32>} : memref<256x128xf32, #tpu.memory_space<vmem>>, vector<1x16xf32>,
      %get3A_1530 = vector.shape_cast %get3A_1529 : vector<1x16xf32> to vector<16xf32>
      %get3A_1531 = arith.index_cast %add3A_1508 : i32 to index
      %get3A_1532 = arith.index_cast %add3A_1524 : i32 to index
      %get3A_1533 = tpu.vector_load %arg10[%get3A_1531, %get3A_1532] {strides = array<i32>} : memref<512x128xf32, #tpu.memory_space<vmem>>, vector<1x16xf32>,
      %get3A_1534 = vector.shape_cast %get3A_1533 : vector<1x16xf32> to vector<16xf32>
      %mul3A_1535 = arith.mulf %get3A_1530, %get3A_1534 : vector<16xf32>
      %shift_right_arithmetic3A_1536 = arith.constant 1 : i32
      %shift_right_arithmetic3A_1537 = arith.shrsi %add3A_1508, %shift_right_arithmetic3A_1536 : i32
      %swap3A_1538 = arith.index_cast %shift_right_arithmetic3A_1537 : i32 to index
      %swap3A_1539 = arith.index_cast %add3A_1522 : i32 to index
      %swap3A_1540 = tpu.vector_load %arg9[%swap3A_1538, %swap3A_1539] {strides = array<i32>} : memref<256x128xf32, #tpu.memory_space<vmem>>, vector<1x16xf32>,
      %swap3A_1541 = vector.shape_cast %swap3A_1540 : vector<1x16xf32> to vector<16xf32>
      %swap3A_1542 = vector.shape_cast %mul3A_1535 : vector<16xf32> to vector<1x16xf32>
      tpu.vector_store %arg9[%swap3A_1538, %swap3A_1539], %swap3A_1542 {strides = array<i32>} : memref<256x128xf32, #tpu.memory_space<vmem>>, vector<1x16xf32>,
      %and3A_1543 = arith.constant 1 : i32
      %and3A_1544 = arith.andi %add3A_1508, %and3A_1543 : i32
      %mul3A_1545 = arith.constant 64 : i32
      %mul3A_1546 = arith.muli %and3A_1544, %mul3A_1545 : i32
      %add3A_1547 = arith.constant 16 : i32
      %add3A_1548 = arith.addi %mul3A_1546, %add3A_1547 : i32
      %add3A_1549 = arith.constant 16 : i32
      %add3A_1550 = arith.addi %mul3A_1516, %add3A_1549 : i32
      %shift_right_arithmetic3A_1551 = arith.constant 1 : i32
      %shift_right_arithmetic3A_1552 = arith.shrsi %add3A_1508, %shift_right_arithmetic3A_1551 : i32
      %get3A_1553 = arith.index_cast %shift_right_arithmetic3A_1552 : i32 to index
      %get3A_1554 = arith.index_cast %add3A_1548 : i32 to index
      %get3A_1555 = tpu.vector_load %arg9[%get3A_1553, %get3A_1554] {strides = array<i32>} : memref<256x128xf32, #tpu.memory_space<vmem>>, vector<1x16xf32>,
      %get3A_1556 = vector.shape_cast %get3A_1555 : vector<1x16xf32> to vector<16xf32>
      %get3A_1557 = arith.index_cast %add3A_1508 : i32 to index
      %get3A_1558 = arith.index_cast %add3A_1550 : i32 to index
      %get3A_1559 = tpu.vector_load %arg10[%get3A_1557, %get3A_1558] {strides = array<i32>} : memref<512x128xf32, #tpu.memory_space<vmem>>, vector<1x16xf32>,
      %get3A_1560 = vector.shape_cast %get3A_1559 : vector<1x16xf32> to vector<16xf32>
      %mul3A_1561 = arith.mulf %get3A_1556, %get3A_1560 : vector<16xf32>
      %shift_right_arithmetic3A_1562 = arith.constant 1 : i32
      %shift_right_arithmetic3A_1563 = arith.shrsi %add3A_1508, %shift_right_arithmetic3A_1562 : i32
      %swap3A_1564 = arith.index_cast %shift_right_arithmetic3A_1563 : i32 to index
      %swap3A_1565 = arith.index_cast %add3A_1548 : i32 to index
      %swap3A_1566 = tpu.vector_load %arg9[%swap3A_1564, %swap3A_1565] {strides = array<i32>} : memref<256x128xf32, #tpu.memory_space<vmem>>, vector<1x16xf32>,
      %swap3A_1567 = vector.shape_cast %swap3A_1566 : vector<1x16xf32> to vector<16xf32>
      %swap3A_1568 = vector.shape_cast %mul3A_1561 : vector<16xf32> to vector<1x16xf32>
      tpu.vector_store %arg9[%swap3A_1564, %swap3A_1565], %swap3A_1568 {strides = array<i32>} : memref<256x128xf32, #tpu.memory_space<vmem>>, vector<1x16xf32>,
      %and3A_1569 = arith.constant 1 : i32
      %and3A_1570 = arith.andi %add3A_1508, %and3A_1569 : i32
      %mul3A_1571 = arith.constant 64 : i32
      %mul3A_1572 = arith.muli %and3A_1570, %mul3A_1571 : i32
      %add3A_1573 = arith.constant 32 : i32
      %add3A_1574 = arith.addi %mul3A_1572, %add3A_1573 : i32
      %add3A_1575 = arith.constant 32 : i32
      %add3A_1576 = arith.addi %mul3A_1516, %add3A_1575 : i32
      %shift_right_arithmetic3A_1577 = arith.constant 1 : i32
      %shift_right_arithmetic3A_1578 = arith.shrsi %add3A_1508, %shift_right_arithmetic3A_1577 : i32
      %get3A_1579 = arith.index_cast %shift_right_arithmetic3A_1578 : i32 to index
      %get3A_1580 = arith.index_cast %add3A_1574 : i32 to index
      %get3A_1581 = tpu.vector_load %arg9[%get3A_1579, %get3A_1580] {strides = array<i32>} : memref<256x128xf32, #tpu.memory_space<vmem>>, vector<1x16xf32>,
      %get3A_1582 = vector.shape_cast %get3A_1581 : vector<1x16xf32> to vector<16xf32>
      %get3A_1583 = arith.index_cast %add3A_1508 : i32 to index
      %get3A_1584 = arith.index_cast %add3A_1576 : i32 to index
      %get3A_1585 = tpu.vector_load %arg10[%get3A_1583, %get3A_1584] {strides = array<i32>} : memref<512x128xf32, #tpu.memory_space<vmem>>, vector<1x16xf32>,
      %get3A_1586 = vector.shape_cast %get3A_1585 : vector<1x16xf32> to vector<16xf32>
      %mul3A_1587 = arith.mulf %get3A_1582, %get3A_1586 : vector<16xf32>
      %shift_right_arithmetic3A_1588 = arith.constant 1 : i32
      %shift_right_arithmetic3A_1589 = arith.shrsi %add3A_1508, %shift_right_arithmetic3A_1588 : i32
      %swap3A_1590 = arith.index_cast %shift_right_arithmetic3A_1589 : i32 to index
      %swap3A_1591 = arith.index_cast %add3A_1574 : i32 to index
      %swap3A_1592 = tpu.vector_load %arg9[%swap3A_1590, %swap3A_1591] {strides = array<i32>} : memref<256x128xf32, #tpu.memory_space<vmem>>, vector<1x16xf32>,
      %swap3A_1593 = vector.shape_cast %swap3A_1592 : vector<1x16xf32> to vector<16xf32>
      %swap3A_1594 = vector.shape_cast %mul3A_1587 : vector<16xf32> to vector<1x16xf32>
      tpu.vector_store %arg9[%swap3A_1590, %swap3A_1591], %swap3A_1594 {strides = array<i32>} : memref<256x128xf32, #tpu.memory_space<vmem>>, vector<1x16xf32>,
      %and3A_1595 = arith.constant 1 : i32
      %and3A_1596 = arith.andi %add3A_1508, %and3A_1595 : i32
      %mul3A_1597 = arith.constant 64 : i32
      %mul3A_1598 = arith.muli %and3A_1596, %mul3A_1597 : i32
      %add3A_1599 = arith.constant 48 : i32
      %add3A_1600 = arith.addi %mul3A_1598, %add3A_1599 : i32
      %add3A_1601 = arith.constant 48 : i32
      %add3A_1602 = arith.addi %mul3A_1516, %add3A_1601 : i32
      %shift_right_arithmetic3A_1603 = arith.constant 1 : i32
      %shift_right_arithmetic3A_1604 = arith.shrsi %add3A_1508, %shift_right_arithmetic3A_1603 : i32
      %get3A_1605 = arith.index_cast %shift_right_arithmetic3A_1604 : i32 to index
      %get3A_1606 = arith.index_cast %add3A_1600 : i32 to index
      %get3A_1607 = tpu.vector_load %arg9[%get3A_1605, %get3A_1606] {strides = array<i32>} : memref<256x128xf32, #tpu.memory_space<vmem>>, vector<1x16xf32>,
      %get3A_1608 = vector.shape_cast %get3A_1607 : vector<1x16xf32> to vector<16xf32>
      %get3A_1609 = arith.index_cast %add3A_1508 : i32 to index
      %get3A_1610 = arith.index_cast %add3A_1602 : i32 to index
      %get3A_1611 = tpu.vector_load %arg10[%get3A_1609, %get3A_1610] {strides = array<i32>} : memref<512x128xf32, #tpu.memory_space<vmem>>, vector<1x16xf32>,
      %get3A_1612 = vector.shape_cast %get3A_1611 : vector<1x16xf32> to vector<16xf32>
      %mul3A_1613 = arith.mulf %get3A_1608, %get3A_1612 : vector<16xf32>
      %shift_right_arithmetic3A_1614 = arith.constant 1 : i32
      %shift_right_arithmetic3A_1615 = arith.shrsi %add3A_1508, %shift_right_arithmetic3A_1614 : i32
      %swap3A_1616 = arith.index_cast %shift_right_arithmetic3A_1615 : i32 to index
      %swap3A_1617 = arith.index_cast %add3A_1600 : i32 to index
      %swap3A_1618 = tpu.vector_load %arg9[%swap3A_1616, %swap3A_1617] {strides = array<i32>} : memref<256x128xf32, #tpu.memory_space<vmem>>, vector<1x16xf32>,
      %swap3A_1619 = vector.shape_cast %swap3A_1618 : vector<1x16xf32> to vector<16xf32>
      %swap3A_1620 = vector.shape_cast %mul3A_1613 : vector<16xf32> to vector<1x16xf32>
      tpu.vector_store %arg9[%swap3A_1616, %swap3A_1617], %swap3A_1620 {strides = array<i32>} : memref<256x128xf32, #tpu.memory_space<vmem>>, vector<1x16xf32>,
      %add3A_1621 = arith.constant 14 : i32
      %add3A_1622 = arith.addi %mul3A_27, %add3A_1621 : i32
      %slice3A_1623 = vector.extract_strided_slice %get3A_29 {offsets = [14], sizes = [1], strides = [1]} : vector<16xi32> to vector<1xi32>
      %squeeze3A_1624 = vector.extract %slice3A_1623[0] : i32 from vector<1xi32>
      %shift_right_arithmetic3A_1625 = arith.constant 12 : i32
      %shift_right_arithmetic3A_1626 = arith.shrsi %squeeze3A_1624, %shift_right_arithmetic3A_1625 : i32
      %and3A_1627 = arith.constant 1 : i32
      %and3A_1628 = arith.andi %shift_right_arithmetic3A_1626, %and3A_1627 : i32
      %mul3A_1629 = arith.constant 64 : i32
      %mul3A_1630 = arith.muli %and3A_1628, %mul3A_1629 : i32
      %and3A_1631 = arith.constant 1 : i32
      %and3A_1632 = arith.andi %add3A_1622, %and3A_1631 : i32
      %mul3A_1633 = arith.constant 64 : i32
      %mul3A_1634 = arith.muli %and3A_1632, %mul3A_1633 : i32
      %add3A_1635 = arith.constant 0 : i32
      %add3A_1636 = arith.addi %mul3A_1634, %add3A_1635 : i32
      %add3A_1637 = arith.constant 0 : i32
      %add3A_1638 = arith.addi %mul3A_1630, %add3A_1637 : i32
      %shift_right_arithmetic3A_1639 = arith.constant 1 : i32
      %shift_right_arithmetic3A_1640 = arith.shrsi %add3A_1622, %shift_right_arithmetic3A_1639 : i32
      %get3A_1641 = arith.index_cast %shift_right_arithmetic3A_1640 : i32 to index
      %get3A_1642 = arith.index_cast %add3A_1636 : i32 to index
      %get3A_1643 = tpu.vector_load %arg9[%get3A_1641, %get3A_1642] {strides = array<i32>} : memref<256x128xf32, #tpu.memory_space<vmem>>, vector<1x16xf32>,
      %get3A_1644 = vector.shape_cast %get3A_1643 : vector<1x16xf32> to vector<16xf32>
      %get3A_1645 = arith.index_cast %add3A_1622 : i32 to index
      %get3A_1646 = arith.index_cast %add3A_1638 : i32 to index
      %get3A_1647 = tpu.vector_load %arg10[%get3A_1645, %get3A_1646] {strides = array<i32>} : memref<512x128xf32, #tpu.memory_space<vmem>>, vector<1x16xf32>,
      %get3A_1648 = vector.shape_cast %get3A_1647 : vector<1x16xf32> to vector<16xf32>
      %mul3A_1649 = arith.mulf %get3A_1644, %get3A_1648 : vector<16xf32>
      %shift_right_arithmetic3A_1650 = arith.constant 1 : i32
      %shift_right_arithmetic3A_1651 = arith.shrsi %add3A_1622, %shift_right_arithmetic3A_1650 : i32
      %swap3A_1652 = arith.index_cast %shift_right_arithmetic3A_1651 : i32 to index
      %swap3A_1653 = arith.index_cast %add3A_1636 : i32 to index
      %swap3A_1654 = tpu.vector_load %arg9[%swap3A_1652, %swap3A_1653] {strides = array<i32>} : memref<256x128xf32, #tpu.memory_space<vmem>>, vector<1x16xf32>,
      %swap3A_1655 = vector.shape_cast %swap3A_1654 : vector<1x16xf32> to vector<16xf32>
      %swap3A_1656 = vector.shape_cast %mul3A_1649 : vector<16xf32> to vector<1x16xf32>
      tpu.vector_store %arg9[%swap3A_1652, %swap3A_1653], %swap3A_1656 {strides = array<i32>} : memref<256x128xf32, #tpu.memory_space<vmem>>, vector<1x16xf32>,
      %and3A_1657 = arith.constant 1 : i32
      %and3A_1658 = arith.andi %add3A_1622, %and3A_1657 : i32
      %mul3A_1659 = arith.constant 64 : i32
      %mul3A_1660 = arith.muli %and3A_1658, %mul3A_1659 : i32
      %add3A_1661 = arith.constant 16 : i32
      %add3A_1662 = arith.addi %mul3A_1660, %add3A_1661 : i32
      %add3A_1663 = arith.constant 16 : i32
      %add3A_1664 = arith.addi %mul3A_1630, %add3A_1663 : i32
      %shift_right_arithmetic3A_1665 = arith.constant 1 : i32
      %shift_right_arithmetic3A_1666 = arith.shrsi %add3A_1622, %shift_right_arithmetic3A_1665 : i32
      %get3A_1667 = arith.index_cast %shift_right_arithmetic3A_1666 : i32 to index
      %get3A_1668 = arith.index_cast %add3A_1662 : i32 to index
      %get3A_1669 = tpu.vector_load %arg9[%get3A_1667, %get3A_1668] {strides = array<i32>} : memref<256x128xf32, #tpu.memory_space<vmem>>, vector<1x16xf32>,
      %get3A_1670 = vector.shape_cast %get3A_1669 : vector<1x16xf32> to vector<16xf32>
      %get3A_1671 = arith.index_cast %add3A_1622 : i32 to index
      %get3A_1672 = arith.index_cast %add3A_1664 : i32 to index
      %get3A_1673 = tpu.vector_load %arg10[%get3A_1671, %get3A_1672] {strides = array<i32>} : memref<512x128xf32, #tpu.memory_space<vmem>>, vector<1x16xf32>,
      %get3A_1674 = vector.shape_cast %get3A_1673 : vector<1x16xf32> to vector<16xf32>
      %mul3A_1675 = arith.mulf %get3A_1670, %get3A_1674 : vector<16xf32>
      %shift_right_arithmetic3A_1676 = arith.constant 1 : i32
      %shift_right_arithmetic3A_1677 = arith.shrsi %add3A_1622, %shift_right_arithmetic3A_1676 : i32
      %swap3A_1678 = arith.index_cast %shift_right_arithmetic3A_1677 : i32 to index
      %swap3A_1679 = arith.index_cast %add3A_1662 : i32 to index
      %swap3A_1680 = tpu.vector_load %arg9[%swap3A_1678, %swap3A_1679] {strides = array<i32>} : memref<256x128xf32, #tpu.memory_space<vmem>>, vector<1x16xf32>,
      %swap3A_1681 = vector.shape_cast %swap3A_1680 : vector<1x16xf32> to vector<16xf32>
      %swap3A_1682 = vector.shape_cast %mul3A_1675 : vector<16xf32> to vector<1x16xf32>
      tpu.vector_store %arg9[%swap3A_1678, %swap3A_1679], %swap3A_1682 {strides = array<i32>} : memref<256x128xf32, #tpu.memory_space<vmem>>, vector<1x16xf32>,
      %and3A_1683 = arith.constant 1 : i32
      %and3A_1684 = arith.andi %add3A_1622, %and3A_1683 : i32
      %mul3A_1685 = arith.constant 64 : i32
      %mul3A_1686 = arith.muli %and3A_1684, %mul3A_1685 : i32
      %add3A_1687 = arith.constant 32 : i32
      %add3A_1688 = arith.addi %mul3A_1686, %add3A_1687 : i32
      %add3A_1689 = arith.constant 32 : i32
      %add3A_1690 = arith.addi %mul3A_1630, %add3A_1689 : i32
      %shift_right_arithmetic3A_1691 = arith.constant 1 : i32
      %shift_right_arithmetic3A_1692 = arith.shrsi %add3A_1622, %shift_right_arithmetic3A_1691 : i32
      %get3A_1693 = arith.index_cast %shift_right_arithmetic3A_1692 : i32 to index
      %get3A_1694 = arith.index_cast %add3A_1688 : i32 to index
      %get3A_1695 = tpu.vector_load %arg9[%get3A_1693, %get3A_1694] {strides = array<i32>} : memref<256x128xf32, #tpu.memory_space<vmem>>, vector<1x16xf32>,
      %get3A_1696 = vector.shape_cast %get3A_1695 : vector<1x16xf32> to vector<16xf32>
      %get3A_1697 = arith.index_cast %add3A_1622 : i32 to index
      %get3A_1698 = arith.index_cast %add3A_1690 : i32 to index
      %get3A_1699 = tpu.vector_load %arg10[%get3A_1697, %get3A_1698] {strides = array<i32>} : memref<512x128xf32, #tpu.memory_space<vmem>>, vector<1x16xf32>,
      %get3A_1700 = vector.shape_cast %get3A_1699 : vector<1x16xf32> to vector<16xf32>
      %mul3A_1701 = arith.mulf %get3A_1696, %get3A_1700 : vector<16xf32>
      %shift_right_arithmetic3A_1702 = arith.constant 1 : i32
      %shift_right_arithmetic3A_1703 = arith.shrsi %add3A_1622, %shift_right_arithmetic3A_1702 : i32
      %swap3A_1704 = arith.index_cast %shift_right_arithmetic3A_1703 : i32 to index
      %swap3A_1705 = arith.index_cast %add3A_1688 : i32 to index
      %swap3A_1706 = tpu.vector_load %arg9[%swap3A_1704, %swap3A_1705] {strides = array<i32>} : memref<256x128xf32, #tpu.memory_space<vmem>>, vector<1x16xf32>,
      %swap3A_1707 = vector.shape_cast %swap3A_1706 : vector<1x16xf32> to vector<16xf32>
      %swap3A_1708 = vector.shape_cast %mul3A_1701 : vector<16xf32> to vector<1x16xf32>
      tpu.vector_store %arg9[%swap3A_1704, %swap3A_1705], %swap3A_1708 {strides = array<i32>} : memref<256x128xf32, #tpu.memory_space<vmem>>, vector<1x16xf32>,
      %and3A_1709 = arith.constant 1 : i32
      %and3A_1710 = arith.andi %add3A_1622, %and3A_1709 : i32
      %mul3A_1711 = arith.constant 64 : i32
      %mul3A_1712 = arith.muli %and3A_1710, %mul3A_1711 : i32
      %add3A_1713 = arith.constant 48 : i32
      %add3A_1714 = arith.addi %mul3A_1712, %add3A_1713 : i32
      %add3A_1715 = arith.constant 48 : i32
      %add3A_1716 = arith.addi %mul3A_1630, %add3A_1715 : i32
      %shift_right_arithmetic3A_1717 = arith.constant 1 : i32
      %shift_right_arithmetic3A_1718 = arith.shrsi %add3A_1622, %shift_right_arithmetic3A_1717 : i32
      %get3A_1719 = arith.index_cast %shift_right_arithmetic3A_1718 : i32 to index
      %get3A_1720 = arith.index_cast %add3A_1714 : i32 to index
      %get3A_1721 = tpu.vector_load %arg9[%get3A_1719, %get3A_1720] {strides = array<i32>} : memref<256x128xf32, #tpu.memory_space<vmem>>, vector<1x16xf32>,
      %get3A_1722 = vector.shape_cast %get3A_1721 : vector<1x16xf32> to vector<16xf32>
      %get3A_1723 = arith.index_cast %add3A_1622 : i32 to index
      %get3A_1724 = arith.index_cast %add3A_1716 : i32 to index
      %get3A_1725 = tpu.vector_load %arg10[%get3A_1723, %get3A_1724] {strides = array<i32>} : memref<512x128xf32, #tpu.memory_space<vmem>>, vector<1x16xf32>,
      %get3A_1726 = vector.shape_cast %get3A_1725 : vector<1x16xf32> to vector<16xf32>
      %mul3A_1727 = arith.mulf %get3A_1722, %get3A_1726 : vector<16xf32>
      %shift_right_arithmetic3A_1728 = arith.constant 1 : i32
      %shift_right_arithmetic3A_1729 = arith.shrsi %add3A_1622, %shift_right_arithmetic3A_1728 : i32
      %swap3A_1730 = arith.index_cast %shift_right_arithmetic3A_1729 : i32 to index
      %swap3A_1731 = arith.index_cast %add3A_1714 : i32 to index
      %swap3A_1732 = tpu.vector_load %arg9[%swap3A_1730, %swap3A_1731] {strides = array<i32>} : memref<256x128xf32, #tpu.memory_space<vmem>>, vector<1x16xf32>,
      %swap3A_1733 = vector.shape_cast %swap3A_1732 : vector<1x16xf32> to vector<16xf32>
      %swap3A_1734 = vector.shape_cast %mul3A_1727 : vector<16xf32> to vector<1x16xf32>
      tpu.vector_store %arg9[%swap3A_1730, %swap3A_1731], %swap3A_1734 {strides = array<i32>} : memref<256x128xf32, #tpu.memory_space<vmem>>, vector<1x16xf32>,
      %add3A_1735 = arith.constant 15 : i32
      %add3A_1736 = arith.addi %mul3A_27, %add3A_1735 : i32
      %slice3A_1737 = vector.extract_strided_slice %get3A_29 {offsets = [15], sizes = [1], strides = [1]} : vector<16xi32> to vector<1xi32>
      %squeeze3A_1738 = vector.extract %slice3A_1737[0] : i32 from vector<1xi32>
      %shift_right_arithmetic3A_1739 = arith.constant 12 : i32
      %shift_right_arithmetic3A_1740 = arith.shrsi %squeeze3A_1738, %shift_right_arithmetic3A_1739 : i32
      %and3A_1741 = arith.constant 1 : i32
      %and3A_1742 = arith.andi %shift_right_arithmetic3A_1740, %and3A_1741 : i32
      %mul3A_1743 = arith.constant 64 : i32
      %mul3A_1744 = arith.muli %and3A_1742, %mul3A_1743 : i32
      %and3A_1745 = arith.constant 1 : i32
      %and3A_1746 = arith.andi %add3A_1736, %and3A_1745 : i32
      %mul3A_1747 = arith.constant 64 : i32
      %mul3A_1748 = arith.muli %and3A_1746, %mul3A_1747 : i32
      %add3A_1749 = arith.constant 0 : i32
      %add3A_1750 = arith.addi %mul3A_1748, %add3A_1749 : i32
      %add3A_1751 = arith.constant 0 : i32
      %add3A_1752 = arith.addi %mul3A_1744, %add3A_1751 : i32
      %shift_right_arithmetic3A_1753 = arith.constant 1 : i32
      %shift_right_arithmetic3A_1754 = arith.shrsi %add3A_1736, %shift_right_arithmetic3A_1753 : i32
      %get3A_1755 = arith.index_cast %shift_right_arithmetic3A_1754 : i32 to index
      %get3A_1756 = arith.index_cast %add3A_1750 : i32 to index
      %get3A_1757 = tpu.vector_load %arg9[%get3A_1755, %get3A_1756] {strides = array<i32>} : memref<256x128xf32, #tpu.memory_space<vmem>>, vector<1x16xf32>,
      %get3A_1758 = vector.shape_cast %get3A_1757 : vector<1x16xf32> to vector<16xf32>
      %get3A_1759 = arith.index_cast %add3A_1736 : i32 to index
      %get3A_1760 = arith.index_cast %add3A_1752 : i32 to index
      %get3A_1761 = tpu.vector_load %arg10[%get3A_1759, %get3A_1760] {strides = array<i32>} : memref<512x128xf32, #tpu.memory_space<vmem>>, vector<1x16xf32>,
      %get3A_1762 = vector.shape_cast %get3A_1761 : vector<1x16xf32> to vector<16xf32>
      %mul3A_1763 = arith.mulf %get3A_1758, %get3A_1762 : vector<16xf32>
      %shift_right_arithmetic3A_1764 = arith.constant 1 : i32
      %shift_right_arithmetic3A_1765 = arith.shrsi %add3A_1736, %shift_right_arithmetic3A_1764 : i32
      %swap3A_1766 = arith.index_cast %shift_right_arithmetic3A_1765 : i32 to index
      %swap3A_1767 = arith.index_cast %add3A_1750 : i32 to index
      %swap3A_1768 = tpu.vector_load %arg9[%swap3A_1766, %swap3A_1767] {strides = array<i32>} : memref<256x128xf32, #tpu.memory_space<vmem>>, vector<1x16xf32>,
      %swap3A_1769 = vector.shape_cast %swap3A_1768 : vector<1x16xf32> to vector<16xf32>
      %swap3A_1770 = vector.shape_cast %mul3A_1763 : vector<16xf32> to vector<1x16xf32>
      tpu.vector_store %arg9[%swap3A_1766, %swap3A_1767], %swap3A_1770 {strides = array<i32>} : memref<256x128xf32, #tpu.memory_space<vmem>>, vector<1x16xf32>,
      %and3A_1771 = arith.constant 1 : i32
      %and3A_1772 = arith.andi %add3A_1736, %and3A_1771 : i32
      %mul3A_1773 = arith.constant 64 : i32
      %mul3A_1774 = arith.muli %and3A_1772, %mul3A_1773 : i32
      %add3A_1775 = arith.constant 16 : i32
      %add3A_1776 = arith.addi %mul3A_1774, %add3A_1775 : i32
      %add3A_1777 = arith.constant 16 : i32
      %add3A_1778 = arith.addi %mul3A_1744, %add3A_1777 : i32
      %shift_right_arithmetic3A_1779 = arith.constant 1 : i32
      %shift_right_arithmetic3A_1780 = arith.shrsi %add3A_1736, %shift_right_arithmetic3A_1779 : i32
      %get3A_1781 = arith.index_cast %shift_right_arithmetic3A_1780 : i32 to index
      %get3A_1782 = arith.index_cast %add3A_1776 : i32 to index
      %get3A_1783 = tpu.vector_load %arg9[%get3A_1781, %get3A_1782] {strides = array<i32>} : memref<256x128xf32, #tpu.memory_space<vmem>>, vector<1x16xf32>,
      %get3A_1784 = vector.shape_cast %get3A_1783 : vector<1x16xf32> to vector<16xf32>
      %get3A_1785 = arith.index_cast %add3A_1736 : i32 to index
      %get3A_1786 = arith.index_cast %add3A_1778 : i32 to index
      %get3A_1787 = tpu.vector_load %arg10[%get3A_1785, %get3A_1786] {strides = array<i32>} : memref<512x128xf32, #tpu.memory_space<vmem>>, vector<1x16xf32>,
      %get3A_1788 = vector.shape_cast %get3A_1787 : vector<1x16xf32> to vector<16xf32>
      %mul3A_1789 = arith.mulf %get3A_1784, %get3A_1788 : vector<16xf32>
      %shift_right_arithmetic3A_1790 = arith.constant 1 : i32
      %shift_right_arithmetic3A_1791 = arith.shrsi %add3A_1736, %shift_right_arithmetic3A_1790 : i32
      %swap3A_1792 = arith.index_cast %shift_right_arithmetic3A_1791 : i32 to index
      %swap3A_1793 = arith.index_cast %add3A_1776 : i32 to index
      %swap3A_1794 = tpu.vector_load %arg9[%swap3A_1792, %swap3A_1793] {strides = array<i32>} : memref<256x128xf32, #tpu.memory_space<vmem>>, vector<1x16xf32>,
      %swap3A_1795 = vector.shape_cast %swap3A_1794 : vector<1x16xf32> to vector<16xf32>
      %swap3A_1796 = vector.shape_cast %mul3A_1789 : vector<16xf32> to vector<1x16xf32>
      tpu.vector_store %arg9[%swap3A_1792, %swap3A_1793], %swap3A_1796 {strides = array<i32>} : memref<256x128xf32, #tpu.memory_space<vmem>>, vector<1x16xf32>,
      %and3A_1797 = arith.constant 1 : i32
      %and3A_1798 = arith.andi %add3A_1736, %and3A_1797 : i32
      %mul3A_1799 = arith.constant 64 : i32
      %mul3A_1800 = arith.muli %and3A_1798, %mul3A_1799 : i32
      %add3A_1801 = arith.constant 32 : i32
      %add3A_1802 = arith.addi %mul3A_1800, %add3A_1801 : i32
      %add3A_1803 = arith.constant 32 : i32
      %add3A_1804 = arith.addi %mul3A_1744, %add3A_1803 : i32
      %shift_right_arithmetic3A_1805 = arith.constant 1 : i32
      %shift_right_arithmetic3A_1806 = arith.shrsi %add3A_1736, %shift_right_arithmetic3A_1805 : i32
      %get3A_1807 = arith.index_cast %shift_right_arithmetic3A_1806 : i32 to index
      %get3A_1808 = arith.index_cast %add3A_1802 : i32 to index
      %get3A_1809 = tpu.vector_load %arg9[%get3A_1807, %get3A_1808] {strides = array<i32>} : memref<256x128xf32, #tpu.memory_space<vmem>>, vector<1x16xf32>,
      %get3A_1810 = vector.shape_cast %get3A_1809 : vector<1x16xf32> to vector<16xf32>
      %get3A_1811 = arith.index_cast %add3A_1736 : i32 to index
      %get3A_1812 = arith.index_cast %add3A_1804 : i32 to index
      %get3A_1813 = tpu.vector_load %arg10[%get3A_1811, %get3A_1812] {strides = array<i32>} : memref<512x128xf32, #tpu.memory_space<vmem>>, vector<1x16xf32>,
      %get3A_1814 = vector.shape_cast %get3A_1813 : vector<1x16xf32> to vector<16xf32>
      %mul3A_1815 = arith.mulf %get3A_1810, %get3A_1814 : vector<16xf32>
      %shift_right_arithmetic3A_1816 = arith.constant 1 : i32
      %shift_right_arithmetic3A_1817 = arith.shrsi %add3A_1736, %shift_right_arithmetic3A_1816 : i32
      %swap3A_1818 = arith.index_cast %shift_right_arithmetic3A_1817 : i32 to index
      %swap3A_1819 = arith.index_cast %add3A_1802 : i32 to index
      %swap3A_1820 = tpu.vector_load %arg9[%swap3A_1818, %swap3A_1819] {strides = array<i32>} : memref<256x128xf32, #tpu.memory_space<vmem>>, vector<1x16xf32>,
      %swap3A_1821 = vector.shape_cast %swap3A_1820 : vector<1x16xf32> to vector<16xf32>
      %swap3A_1822 = vector.shape_cast %mul3A_1815 : vector<16xf32> to vector<1x16xf32>
      tpu.vector_store %arg9[%swap3A_1818, %swap3A_1819], %swap3A_1822 {strides = array<i32>} : memref<256x128xf32, #tpu.memory_space<vmem>>, vector<1x16xf32>,
      %and3A_1823 = arith.constant 1 : i32
      %and3A_1824 = arith.andi %add3A_1736, %and3A_1823 : i32
      %mul3A_1825 = arith.constant 64 : i32
      %mul3A_1826 = arith.muli %and3A_1824, %mul3A_1825 : i32
      %add3A_1827 = arith.constant 48 : i32
      %add3A_1828 = arith.addi %mul3A_1826, %add3A_1827 : i32
      %add3A_1829 = arith.constant 48 : i32
      %add3A_1830 = arith.addi %mul3A_1744, %add3A_1829 : i32
      %shift_right_arithmetic3A_1831 = arith.constant 1 : i32
      %shift_right_arithmetic3A_1832 = arith.shrsi %add3A_1736, %shift_right_arithmetic3A_1831 : i32
      %get3A_1833 = arith.index_cast %shift_right_arithmetic3A_1832 : i32 to index
      %get3A_1834 = arith.index_cast %add3A_1828 : i32 to index
      %get3A_1835 = tpu.vector_load %arg9[%get3A_1833, %get3A_1834] {strides = array<i32>} : memref<256x128xf32, #tpu.memory_space<vmem>>, vector<1x16xf32>,
      %get3A_1836 = vector.shape_cast %get3A_1835 : vector<1x16xf32> to vector<16xf32>
      %get3A_1837 = arith.index_cast %add3A_1736 : i32 to index
      %get3A_1838 = arith.index_cast %add3A_1830 : i32 to index
      %get3A_1839 = tpu.vector_load %arg10[%get3A_1837, %get3A_1838] {strides = array<i32>} : memref<512x128xf32, #tpu.memory_space<vmem>>, vector<1x16xf32>,
      %get3A_1840 = vector.shape_cast %get3A_1839 : vector<1x16xf32> to vector<16xf32>
      %mul3A_1841 = arith.mulf %get3A_1836, %get3A_1840 : vector<16xf32>
      %shift_right_arithmetic3A_1842 = arith.constant 1 : i32
      %shift_right_arithmetic3A_1843 = arith.shrsi %add3A_1736, %shift_right_arithmetic3A_1842 : i32
      %swap3A_1844 = arith.index_cast %shift_right_arithmetic3A_1843 : i32 to index
      %swap3A_1845 = arith.index_cast %add3A_1828 : i32 to index
      %swap3A_1846 = tpu.vector_load %arg9[%swap3A_1844, %swap3A_1845] {strides = array<i32>} : memref<256x128xf32, #tpu.memory_space<vmem>>, vector<1x16xf32>,
      %swap3A_1847 = vector.shape_cast %swap3A_1846 : vector<1x16xf32> to vector<16xf32>
      %swap3A_1848 = vector.shape_cast %mul3A_1841 : vector<16xf32> to vector<1x16xf32>
      tpu.vector_store %arg9[%swap3A_1844, %swap3A_1845], %swap3A_1848 {strides = array<i32>} : memref<256x128xf32, #tpu.memory_space<vmem>>, vector<1x16xf32>,
    }
    %scan3A_22 = arith.constant 32 : i32
    %mul3A_23 = arith.constant 256 : i32
    %mul3A_24 = arith.muli %add3A, %mul3A_23 : i32
    "tpu.region"() ({
      %run_scoped3A = tpu.sem_alloc : memref<!tpu.dma_semaphore, #tpu.memory_space<semaphore_mem>>
      %dma_start3A = arith.constant 0 : i32
      %dma_start3A_25 = tpu.memref_slice %arg6[%mul3A_24, %dma_start3A] : memref<8192x128xf32, #tpu.memory_space<hbm>> -> memref<256x128xf32, #tpu.memory_space<hbm>>
      %dma_start3A_26 = arith.constant 0 : i32
      %dma_start3A_27 = tpu.memref_slice %arg6[%mul3A_24, %dma_start3A_26] : memref<8192x128xf32, #tpu.memory_space<hbm>> -> memref<256x128xf32, #tpu.memory_space<hbm>>
      tpu.enqueue_dma source(%arg9 : memref<256x128xf32, #tpu.memory_space<vmem>>) target(%dma_start3A_27 : memref<256x128xf32, #tpu.memory_space<hbm>>) target_semaphore(%run_scoped3A : memref<!tpu.dma_semaphore, #tpu.memory_space<semaphore_mem>>)
      %dma_wait3A_28 = arith.constant 0 : i32
      %dma_wait3A_29 = tpu.memref_slice %arg6[%mul3A_24, %dma_wait3A_28] : memref<8192x128xf32, #tpu.memory_space<hbm>> -> memref<256x128xf32, #tpu.memory_space<hbm>>
      %dma_wait3A_30 = arith.constant 0 : i32
      %dma_wait3A_31 = tpu.memref_slice %arg6[%mul3A_24, %dma_wait3A_30] : memref<8192x128xf32, #tpu.memory_space<hbm>> -> memref<256x128xf32, #tpu.memory_space<hbm>>
      tpu.wait_dma2 semaphore(%run_scoped3A : memref<!tpu.dma_semaphore, #tpu.memory_space<semaphore_mem>>) src(%arg9 : memref<256x128xf32, #tpu.memory_space<vmem>>) dst(%dma_wait3A_31 : memref<256x128xf32, #tpu.memory_space<hbm>>)
      tpu.yield
    }) : () -> ()
    return
  }
}

module attributes {stable_mosaic.version = 14 : i64} {
  func.func @_tc_transpose_body(%arg0: i32, %arg1: memref<64x8192xf32, #tpu.memory_space<vmem>>, %arg2: memref<4096x128xf32, #tpu.memory_space<vmem>>) attributes {dimension_semantics = [#tpu.dimension_semantics<arbitrary>], iteration_bounds = array<i64: 123>, scalar_prefetch = 0 : i64, scratch_operands = 0 : i64, tpu.core_type = #tpu.core_type<tc>, window_params = [{transform_indices = @transform_0, window_bounds = array<i64: 64, 8192>}, {transform_indices = @transform_1, window_bounds = array<i64: 4096, 128>}]} {
    %get3A = arith.constant 0 : index
    %get3A_0 = arith.constant 0 : index
    %get3A_1 = vector.load %arg1[%get3A, %get3A_0] : memref<64x8192xf32, #tpu.memory_space<vmem>>, vector<64x8192xf32>
    %transpose3A = tpu.transpose %get3A_1, [1, 0] : vector<64x8192xf32> -> vector<8192x64xf32>
    %slice3A = vector.extract_strided_slice %transpose3A {offsets = [0, 0], sizes = [4096, 64], strides = [1, 1]} : vector<8192x64xf32> to vector<4096x64xf32>
    %slice3A_2 = vector.extract_strided_slice %transpose3A {offsets = [4096, 0], sizes = [4096, 64], strides = [1, 1]} : vector<8192x64xf32> to vector<4096x64xf32>
    %concatenate3A = tpu.concatenate %slice3A, %slice3A_2 in 1 : vector<4096x64xf32>, vector<4096x64xf32> -> vector<4096x128xf32>
    %swap3A = arith.constant 0 : index
    %swap3A_3 = arith.constant 0 : index
    %swap3A_4 = vector.load %arg2[%swap3A, %swap3A_3] : memref<4096x128xf32, #tpu.memory_space<vmem>>, vector<4096x128xf32>
    tpu.vector_store %arg2[%swap3A, %swap3A_3], %concatenate3A {strides = array<i32>} : memref<4096x128xf32, #tpu.memory_space<vmem>>, vector<4096x128xf32>,
    return
  }
  func.func @transform_0(%arg0: i32) -> (i32, i32) {
    %c0_i32 = arith.constant 0 : i32
    %c0_i32_0 = arith.constant 0 : i32
    return %c0_i32, %arg0 : i32, i32
  }
  func.func @transform_1(%arg0: i32) -> (i32, i32) {
    %c0_i32 = arith.constant 0 : i32
    %c0_i32_0 = arith.constant 0 : i32
    return %arg0, %c0_i32 : i32, i32
  }
}

module attributes {stable_mosaic.version = 14 : i64} {
  func.func @_tc_reduce_body(%arg0: i32, %arg1: memref<1024x128xf32, #tpu.memory_space<vmem>>, %arg2: memref<1x1xf32, #tpu.memory_space<smem>>) attributes {dimension_semantics = [#tpu.dimension_semantics<arbitrary>], iteration_bounds = array<i64: 8>, scalar_prefetch = 0 : i64, scratch_operands = 0 : i64, tpu.core_type = #tpu.core_type<tc>, window_params = [{transform_indices = @transform_0, window_bounds = array<i64: 1024, 128>}, {transform_indices = @transform_1, window_bounds = array<i64: 1, 1>}]} {
    %get3A = arith.constant 0 : index
    %get3A_0 = arith.constant 0 : index
    %get3A_1 = vector.load %arg1[%get3A, %get3A_0] : memref<1024x128xf32, #tpu.memory_space<vmem>>, vector<1024x128xf32>
    %min3A = arith.constant 0.000000e+00 : f32
    %min3A_2 = vector.broadcast %min3A : f32 to vector<1024x128xf32>
    %min3A_3 = arith.minimumf %get3A_1, %min3A_2 : vector<1024x128xf32>
    %abs3A = math.absf %get3A_1 : vector<1024x128xf32>
    %neg3A = arith.constant 0.000000e+00 : f32
    %neg3A_4 = vector.broadcast %neg3A : f32 to vector<1024x128xf32>
    %neg3A_5 = arith.subf %neg3A_4, %abs3A : vector<1024x128xf32>
    %exp3A = math.exp %neg3A_5 : vector<1024x128xf32>
    %log1p3A = math.log1p %exp3A : vector<1024x128xf32>
    %sub3A = arith.subf %min3A_3, %log1p3A : vector<1024x128xf32>
    %reduce_sum3A = vector.shape_cast %sub3A : vector<1024x128xf32> to vector<1x1024x128xf32>
    %reduce_sum3A_6 = arith.constant dense<0.000000e+00> : vector<1xf32>
    %reduce_sum3A_7 = vector.multi_reduction <add>, %reduce_sum3A, %reduce_sum3A_6 [1, 2] : vector<1x1024x128xf32> to vector<1xf32>
    %reduce_sum3A_8 = vector.shape_cast %reduce_sum3A_7 : vector<1xf32> to vector<1x1x1xf32>
    %reduce_sum3A_9 = vector.extract %reduce_sum3A_8[0, 0, 0] : f32 from vector<1x1x1xf32>
    %neg3A_10 = arith.constant 0.000000e+00 : f32
    %neg3A_11 = arith.subf %neg3A_10, %reduce_sum3A_9 : f32
    %mul3A = arith.constant 9.53674316E-7 : f32
    %mul3A_12 = arith.mulf %neg3A_11, %mul3A : f32
    %eq3A = arith.constant 0 : i32
    %eq3A_13 = arith.cmpi eq, %arg0, %eq3A : i32
    %convert_element_type3A = arith.extui %eq3A_13 : i1 to i32
    %cond3A = arith.constant 0 : i32
    %cond3A_14 = arith.cmpi ne, %convert_element_type3A, %cond3A : i32
    scf.if %cond3A_14 {
      %swap3A = arith.constant 0 : index
      %swap3A_19 = arith.constant 0 : index
      %swap3A_20 = memref.load %arg2[%swap3A, %swap3A_19] : memref<1x1xf32, #tpu.memory_space<smem>>
      memref.store %mul3A_12, %arg2[%swap3A, %swap3A_19] : memref<1x1xf32, #tpu.memory_space<smem>>
    } else {
    }
    %gt3A = arith.constant 0 : i32
    %gt3A_15 = arith.cmpi sgt, %arg0, %gt3A : i32
    %convert_element_type3A_16 = arith.extui %gt3A_15 : i1 to i32
    %cond3A_17 = arith.constant 0 : i32
    %cond3A_18 = arith.cmpi ne, %convert_element_type3A_16, %cond3A_17 : i32
    scf.if %cond3A_18 {
      %get3A_19 = arith.constant 0 : index
      %get3A_20 = arith.constant 0 : index
      %get3A_21 = memref.load %arg2[%get3A_19, %get3A_20] : memref<1x1xf32, #tpu.memory_space<smem>>
      %add3A = arith.addf %get3A_21, %mul3A_12 : f32
      %swap3A = arith.constant 0 : index
      %swap3A_22 = arith.constant 0 : index
      %swap3A_23 = memref.load %arg2[%swap3A, %swap3A_22] : memref<1x1xf32, #tpu.memory_space<smem>>
      memref.store %add3A, %arg2[%swap3A, %swap3A_22] : memref<1x1xf32, #tpu.memory_space<smem>>
    } else {
    }
    return
  }
  func.func @transform_0(%arg0: i32) -> (i32, i32) {
    %c0_i32 = arith.constant 0 : i32
    %c0_i32_0 = arith.constant 0 : i32
    return %arg0, %c0_i32 : i32, i32
  }
  func.func @transform_1(%arg0: i32) -> (i32, i32) {
    %c0_i32 = arith.constant 0 : i32
    %c0_i32_0 = arith.constant 0 : i32
    %c0_i32_1 = arith.constant 0 : i32
    return %c0_i32, %c0_i32_0 : i32, i32
  }
}

</mosaic_0001>

<sc_bundles>
// kernel: kernel.5.cloned.1.call-start
scs
__scs_entry_jumppad:
0x0: {  	(pc) =	sbr.rel $0x88, $3  }
0x1: {  	(tag) =	ssettag $0x0;
	lr =	simm.s32 $0x1  }
0x2: {  	[smem:$0x3F9D] =	sst lr;
	_ =	strace $0xD0000000  }
0x3: {  	_ = 	snop  }
0x4: {  	_ = 	snop  }
0x5: {  	_ = 	snop  }
0x6: {  	_ = 	snop  }
0x7: {  	_ = 	snop  }
__scs_overlays_trampoline_lowered:
0x8: {  	[smem:$0x3FAC] =	sst s0  }
0x9: {  	[smem:$0x3FAD] =	sst s1  }
0xa: {  	[smem:$0x3FAE] =	sst s2  }
0xb: {  	[smem:$0x3FAF] =	sst s3  }
0xc: {  	[smem:$0x3FB0] =	sst s4  }
0xd: {  	[smem:$0x3FB1] =	sst s5  }
0xe: {  	[smem:$0x3FB2] =	sst s6  }
0xf: {  	[smem:$0x3FB3] =	sst s7  }
0x10: {  	[smem:$0x3FB4] =	sst s8  }
0x11: {  	[smem:$0x3FB5] =	sst s9;
	s0 =	simm.s32 @!p0 $0x0  }
0x12: {  	s1 =	sld [smem:$0x3F9B];
	s0 =	simm.s32 @p0 $0x1  }
0x13: {  	[smem:$0x3FB6] =	sst s0;
	s0 =	simm.s32 @!p1 $0x0  }
0x14: {  	s2 =	sld [smem:$0x3F9A];
	s0 =	simm.s32 @p1 $0x1  }
0x15: {  	[smem:$0x3FB7] =	sst s0;
	s0 =	simm.s32 @!p2 $0x0  }
0x16: {  	s3 =	sld [smem:$0x3FDB];
	s0 =	simm.s32 @p2 $0x1  }
0x17: {  	s4 =	simm.s32 $0x1BF5;
	[smem:$0x3FB9] =	sst s0  }
0x18: {  	s0 =	sld [smem:$0x3F9C];
	_ =	swait.ge [sflag:s4], $0x0  }
0x19: {  	s7 =	sld [smem:$0x3F9D]  }
0x1a: {  	s8 =	sadd.s32 $0xFFFFE003, lr  }
0x1b: {  	s9 =	sadd.s32 $0xFFFFFEF7, lr;
	s5 =	simm.s32 $0xFFFFFFFF;
	p2 =	slt.u32 s8, $0xFFFFF086  }
0x1c: {  	p1 =	slt.u32 s9, $0xF7A;
	s5 =	simm.s32 @!p2 $0x0  }
0x1d: {  	s5 =	simm.s32 @p1 $0x1;
	p0 =	seq.s32 s7, s2  }
0x1e: {  	s7 =	smul.u32 @!p0 $0xF7A, s2;
	p2 =	seq.s32 @!p0 s5, $0x0  }
0x1f: {  	s9 =	smul.u32 $0xF7A, s1;
	s8 =	simm.s32 @!p0 $0x1BF5;
	p2 =	por !p2, p0  }
0x20: {  	[sflag:s8] =	ssyncset.s32 @!p0 $0xFFFFF086;
	s6 =	sadd.s32 @!p0 s3, s7;
	s7 =	simm.s32 @!p0 $0x108  }
0x21: {  	s3 =	sadd.s32 s3, s9;
	s6 =	sadd.s32 @!p0 $0x88, s6;
	s7 =	simm.s32 @p2 $0x1082  }
0x22: {  	[simem:s7], [sflag:s8] =	dma.local @!p0 [hbm:s6], $0xF7A  }
0x23: {  	s9 =	sor.u32 $0xD0000000, s2;
	s6 =	simm.s32 $0x108;
	_ =	swait.ge @!p0 [sflag:s8], $0x0  }
0x24: {  	s3 =	sadd.s32 $0x88, s3;
	s6 =	simm.s32 @!p1 $0x1082;
	[sflag:s4] =	ssyncset.s32 $0xFFFFF086  }
0x25: {  	[simem:s6], [sflag:s4] =	dma.local [hbm:s3], $0xF7A  }
0x26: {  	[smem:$0x3F9D] =	sst s1;
	(tag) =	ssettag s2;
	_ =	strace s9  }
0x27: {  	s1 =	sld [smem:$0x3FAD]  }
0x28: {  	s2 =	sld [smem:$0x3FAE]  }
0x29: {  	s4 =	sld [smem:$0x3FB0]  }
0x2a: {  	p0 =	seq.s32 s5, $0x0;
	s5 =	sld [smem:$0x3FB1]  }
0x2b: {  	s6 =	sld [smem:$0x3FB2]  }
0x2c: {  	s7 =	sld [smem:$0x3FB3]  }
0x2d: {  	s3 =	simm.s32 $0x108;
	s8 =	sld [smem:$0x3FB4]  }
0x2e: {  	s3 =	simm.s32 @!p0 $0x1082;
	s9 =	sld [smem:$0x3FB5]  }
0x2f: {  	lr =	sadd.s32 s0, s3;
	s0 =	sld [smem:$0x3FAC]  }
0x30: {  	s3 =	sld [smem:$0x3FAF]  }
0x31: {  	[smem:$0x3FB8] =	sst s10  }
0x32: {  	s10 =	sld [smem:$0x3FB6];
	_ =	sdelay $0x3  }
0x33: {  	p0 =	seq.s32 s10, $0x1;
	s10 =	sld [smem:$0x3FB8];
	_ =	sdelay $0x3  }
0x34: {  	[smem:$0x3FB8] =	sst s10  }
0x35: {  	s10 =	sld [smem:$0x3FB7];
	_ =	sdelay $0x3  }
0x36: {  	p1 =	seq.s32 s10, $0x1;
	s10 =	sld [smem:$0x3FB8];
	_ =	sdelay $0x3  }
0x37: {  	[smem:$0x3FB8] =	sst s10  }
0x38: {  	s10 =	sld [smem:$0x3FB9]  }
0x39: {  	_ = 	snop;
	(pc) =	sbr.ind lr, $3  }
0x3a: {  	_ = 	snop  }
0x3b: {  	_ = 	snop  }
0x3c: {  	p2 =	seq.s32 s10, $0x1;
	s10 =	sld [smem:$0x3FB8]  }
0x3d: {  	_ =	shalt  }
0x3e: {  	_ =	shalt  }
0x3f: {  	_ =	shalt  }
0x40: {  	_ =	shalt  }
0x41: {  	_ =	shalt  }
0x42: {  	_ =	shalt  }
0x43: {  	_ =	shalt  }
0x44: {  	_ =	shalt  }
0x45: {  	_ =	shalt  }
0x46: {  	_ =	shalt  }
0x47: {  	_ =	shalt  }
0x48: {  	_ =	shalt  }
0x49: {  	_ =	shalt  }
0x4a: {  	_ =	shalt  }
0x4b: {  	_ =	shalt  }
0x4c: {  	_ =	shalt  }
0x4d: {  	_ =	shalt  }
0x4e: {  	_ =	shalt  }
0x4f: {  	_ =	shalt  }
0x50: {  	_ =	shalt  }
0x51: {  	_ =	shalt  }
0x52: {  	_ =	shalt  }
0x53: {  	_ =	shalt  }
0x54: {  	_ =	shalt  }
0x55: {  	_ =	shalt  }
0x56: {  	_ =	shalt  }
0x57: {  	_ =	shalt  }
0x58: {  	_ =	shalt  }
0x59: {  	_ =	shalt  }
0x5a: {  	_ =	shalt  }
0x5b: {  	_ =	shalt  }
0x5c: {  	_ =	shalt  }
0x5d: {  	_ =	shalt  }
0x5e: {  	_ =	shalt  }
0x5f: {  	_ =	shalt  }
0x60: {  	_ =	shalt  }
0x61: {  	_ =	shalt  }
0x62: {  	_ =	shalt  }
0x63: {  	_ =	shalt  }
0x64: {  	_ =	shalt  }
0x65: {  	_ =	shalt  }
0x66: {  	_ =	shalt  }
0x67: {  	_ =	shalt  }
0x68: {  	_ =	shalt  }
0x69: {  	_ =	shalt  }
0x6a: {  	_ =	shalt  }
0x6b: {  	_ =	shalt  }
0x6c: {  	_ =	shalt  }
0x6d: {  	_ =	shalt  }
0x6e: {  	_ =	shalt  }
0x6f: {  	_ =	shalt  }
0x70: {  	_ =	shalt  }
0x71: {  	_ =	shalt  }
0x72: {  	_ =	shalt  }
0x73: {  	_ =	shalt  }
0x74: {  	_ =	shalt  }
0x75: {  	_ =	shalt  }
0x76: {  	_ =	shalt  }
0x77: {  	_ =	shalt  }
0x78: {  	_ =	shalt  }
0x79: {  	_ =	shalt  }
0x7a: {  	_ =	shalt  }
0x7b: {  	_ =	shalt  }
0x7c: {  	_ =	shalt  }
0x7d: {  	_ =	shalt  }
0x7e: {  	_ =	shalt  }
0x7f: {  	_ =	shalt  }
0x80: {  	_ =	shalt  }
0x81: {  	_ =	shalt  }
0x82: {  	_ =	shalt  }
0x83: {  	_ =	shalt  }
0x84: {  	_ =	shalt  }
0x85: {  	_ =	shalt  }
0x86: {  	_ =	shalt  }
0x87: {  	_ =	shalt  }
.Lfunc_end0:
.L_simem_size_0:
called_computation_lowered:
.L_overlay_start_0:
0x88: {  	s2 =	sld [smem:$0x3FD9]  }
0x89: {  	s3 =	sld [smem:$0x3FFE];
	_ =	sdelay $0x1  }
0x8a: {  	s1 =	srdreg.scid  }
0x8b: {  	s0 =	sand.u32 $0x1, s1  }
0x8c: {  	s17 =	sshll.u32 s0, $0xA;
	s2 =	sadd.s32 s3, s2  }
0x8d: {  	s2 =	sadd.s32 s2, s17  }
0x8e: {  	[smem:$0x3FC4] =	sst s2  }
0x8f: {  	_ = 	snop  }
0x90: {  	s2 =	sld [smem:$0x3FC9]  }
0x91: {  	s18 =	sld [smem:$0x3FC8];
	(tm) =	ssettm $0x1  }
0x92: {  	s4 =	sld [smem:$0x3FFB];
	_ =	sdelay $0x3  }
0x93: {  	_ =	strace s4  }
0x94: {  	s4 =	sld [smem:$0x3FFC];
	_ =	sdelay $0x3  }
0x95: {  	_ =	strace s4  }
0x96: {  	s4 =	sld [smem:$0x3FFD];
	_ =	sdelay $0x3  }
0x97: {  	_ =	strace s4  }
0x98: {  	_ =	strace $0x8FFFFFFF  }
0x99: {  	s19 =	sld [smem:$0x3FDB];
	_ =	sdelay $0x1  }
0x9a: {  	s5 =	simm.s32 $_scs_section_size  }
0x9b: {  	s6 =	simm.s32 $_size__tile_overlayer_lowered;
	s7 =	simm.s32 $_tile_overlayer_lowered  }
0x9c: {  	s22 =	simm.s32 $0x1BFF;
	s21 =	sshll.u32 s7, $0x1;
	s4 =	sadd.s32 s5, s19  }
0x9d: {  	s8 =	simm.s32 $0x0;
	s20 =	sshll.u32 s6, $0x1;
	s6 =	sadd.s32 s21, s4  }
0x9e: {  	[timem:s8], [sflag:s22] =	dma.local [hbm:s6], s20  }
0x9f: {  	_ =	swait.ge [sflag:s22], s20  }
0xa0: {  	s5 =	ssub.s32 $0x0, s20;
	[sflag:s22] =	ssyncset.done $0x0  }
0xa1: {  	[sflag:s22] =	ssyncadd.s32 s5;
	_ =	sdelay $0x1  }
0xa2: {  	s23 =	simm.s32 $0x1B8B  }
0xa3: {  	_ =	swait.ge [sflag:s23], $0x1  }
0xa4: {  	[sflag:s23] =	ssyncset.done $0x0  }
0xa5: {  	s25 =	simm.s32 $0x1B8E;
	s24 =	sld [smem:$0x3FFE];
	[sflag:s23] =	ssyncadd.s32 $0xFFFFFFFF  }
0xa6: {  	s26 =	simm.s32 $execute0_lowered;
	[smem:$0x3FD2] =	sst s25  }
0xa7: {  	s6 =	sshll.u32 s26, $0x1;
	_ =	strace $0x80000046;
	[dreg:$0x1] =	wrdreg $0xFFFFFFFF  }
0xa8: {  	s28 =	simm.s32 $_size_execute0_lowered;
	s4 =	sadd.s32 s4, s6;
	[dreg:$0x0] =	wrdreg $0x0  }
0xa9: {  	s6 =	sshll.u32 s28, $0x1;
	[dreg:$0x2] =	wrdreg s4  }
0xaa: {  	[dreg:$0x3] =	wrdreg s6  }
0xab: {  	[dreg:$0x4] =	wrdreg $0xC0  }
0xac: {  	_ =	task [dreg:s8], $0x5FFFF  }
0xad: {  	[dreg:$0x1] =	wrdreg $0xFFFFFFFF  }
0xae: {  	[dreg:$0x0] =	wrdreg $0x60  }
0xaf: {  	[dreg:$0x2] =	wrdreg s24  }
0xb0: {  	[dreg:$0x3] =	wrdreg s2  }
0xb1: {  	[dreg:$0x4] =	wrdreg s18  }
0xb2: {  	[dreg:$0x5] =	wrdreg $0x9  }
0xb3: {  	_ =	task.clear_ibuf [dreg:s8], $0x6FFFF;
	_ =	strace $0x90000046  }
0xb4: {  	s29 =	simm.s32 $0x9;
	_ =	strace $0x80000048  }
0xb5: {  	_ =	swait.ge [sflag:s29], $0x1  }
0xb6: {  	[sflag:s29] =	ssyncadd.s32 $0xFFFFFFFF  }
0xb7: {  	_ =	strace $0x90000048  }
0xb8: {  	_ =	sfence  }
0xb9: {  	s30 =	sld [smem:$0x0];
	_ =	sdelay $0x2  }
0xba: {  	s31 =	sshll.u32 s1, $0xD;
	s1 =	sshrl.u32 s1, $0x2  }
0xbb: {  	s3 =	sand.u32 $0x4000, s31;
	s1 =	sadd.s32 s1, s30  }
0xbc: {  	s0 =	sor.u32 s3, s0;
	s1 =	sshll.u32 s1, $0x11  }
0xbd: {  	s0 =	sor.u32 s1, s0  }
0xbe: {  	s0 =	sadd.s32 $0x8F2B, s0  }
0xbf: {  	[sflag:s0] =	ssyncadd.remote.s32 $0x1  }
0xc0: {  	_ =	sfence.sel $0xFFFF  }
0xc1: {  	[dreg:$0x0] =	wrdreg $0xFFFFFFFF;
	(pc) =	sbr.abs _section_cstart, $3  }
0xc2: {  	[dreg:$0x1] =	wrdreg $0xFFFFFFFF  }
0xc3: {  	_ =	task.clear_ibuf [dreg:s8], $0x2FFFF;
	_ =	strace $0x9FFFFFFF  }
0xc4: {  	(tm) =	ssettm $0x7FFFFFFF  }
0xc5: {  	_ =	shalt  }
tec
execute0_lowered:
.L_overlay_start_1:
0x0: {  	(tag) =	ssettag $0x1  }
0x1: {  	s0 =	rddreg [dreg:$0x0]  }
0x2: {  	s1 =	rddreg [dreg:$0x1]  }
0x3: {  	s5 =	rddreg [dreg:$0x2];
	s2 =	simm.s32 $0x0  }
0x4: {  	s3 =	srdreg.scid;
	s6 =	stileid.u32;
	s20 =	simm.s32 $0x80  }
0x5: {  	[smem:$0x7FF] =	sst s2;
	s4 =	sand.u32 $0x1, s3;
	s6 =	sshll.u32 s6, $0x1  }
0x6: {  	s3 =	sadd.s32 $0x7B0600, s0;
	_ =	strace $0x80000047;
	s6 =	sor.u32 s4, s6  }
0x7: {  	s7 =	ssub.s32 $0x2, s4;
	s8 =	sshll.u32 s6, $0xC;
	s6 =	sshll.u32 s6, $0x6  }
0x8: {  	s4 =	sadd.s32 $0x600, s0;
	s9 =	sshrl.u32 s7, $0x1;
	s1 =	sadd.s32 s1, s6  }
0x9: {  	s0 =	sadd.s32 s8, s0;
	s30 =	sadd.s32 s5, s6;
	[dreg:$0x11] =	wrdreg s1  }
0xa: {  	s7 =	ssub.s32 s7, s9;
	[dreg:$0x12] =	wrdreg s30;
	s0 =	sadd.s32 $0x16F2A00, s0  }
0xb: {  	s22 =	simm.s32 $0x400;
	s31 =	smax.u32 s7, $0x1;
	[dreg:$0x13] =	wrdreg s0  }
0xc: {  	s5 =	simm.s32 $0x2;
	s1 =	simm.s32 $0x0;
	[dreg:$0x14] =	wrdreg s31  }
.LBB2_1:
0xd: {  	[dreg:$0x15] =	wrdreg s1  }
0xe: {  	s0 =	rddreg [dreg:$0x11]  }
0xf: {  	[tilespmem:s2], [sflag:$0x2] =	stream.linear.gather [hbm4b:s0+s2], $0x200, $0x38;
	[tilespmem:$0x18400] =	vst v63  }
0x10: {  	_ =	swait.ge [sflag:s5], $0x200  }
0x11: {  	[sflag:s5] =	ssyncset.done $0x0  }
0x12: {  	s8 =	simm.s32 $0x200;
	s9 =	rddreg [dreg:$0x12];
	[sflag:s5] =	ssyncadd.s32 $0xFFFFFE00  }
0x13: {  	[tilespmem:s8], [sflag:$0x2] =	stream.linear.gather [hbm4b:s9+s2], $0x200, $0x38;
	[tilespmem:$0x18400] =	vst v63  }
0x14: {  	_ =	swait.ge [sflag:s5], $0x200  }
0x15: {  	[sflag:s5] =	ssyncset.done $0x0  }
0x16: {  	[sflag:s5] =	ssyncadd.s32 $0xFFFFFE00  }
0x17: {  	v0 =	vld [tilespmem:s8+$0x0]  }
0x18: {  	v1 =	vld [tilespmem:s2+$0x0];
	_ =	sdelay $0x3  }
0x19: {  	(v2sf) =	vpush v0, $0x7  }
0x1a: {  	v1 =	vshll.u32 v1, $0x4;
	(v2sf) =	vpush v0, $0x0  }
0x1b: {  	(v2sf) =	vpush v1, $0x1  }
0x1c: {  	(v2sf) =	vpush v1, $0x0;
	_ =	sdelay $0x1  }
0x1d: {  	(v2sf) =	vpush v0, $0x1  }
0x1e: {  	(v2sf) =	vpush v1, $0x2;
	_ =	sdelay $0x1  }
0x1f: {  	(v2sf) =	vpush v1, $0x8  }
0x20: {  	s17 =	simm.s32 $0x2000;
	s14 =	simm.s32 $0x0;
	s1 =	simm.s32 $0x8480;
	(v2sf) =	vpush v1, $0x3  }
0x21: {  	s18 =	simm.s32 $0x8700;
	s7 =	simm.s32 $0x440;
	s6 =	simm.s32 $0x480  }
0x22: {  	s30 =	simm.s32 $0x780;
	s19 =	simm.s32 $0x7C0;
	s29 =	simm.s32 $0x6C0;
	(v2sf) =	vpush v1, $0x4  }
0x23: {  	s26 =	simm.s32 $0x700;
	s24 =	simm.s32 $0x740;
	s10 =	simm.s32 $0x600  }
0x24: {  	s11 =	simm.s32 $0x640;
	s12 =	simm.s32 $0x680;
	[dreg:$0x7] =	wrdreg s10;
	(v2sf) =	vpush v0, $0x2  }
0x25: {  	s13 =	simm.s32 $0x5C0;
	s25 =	simm.s32 $0x10;
	[dreg:$0x5] =	wrdreg s11  }
0x26: {  	s28 =	simm.s32 $0x210;
	[dreg:$0x4] =	wrdreg s12;
	s0 =	spop (v2sf)  }
0x27: {  	s31 =	simm.s32 $0x8A80;
	[dreg:$0x8] =	wrdreg s13;
	s15 =	spop (v2sf)  }
0x28: {  	s8 =	simm.s32 $0x8400;
	s9 =	sshrl.u32 s15, $0x1;
	s10 =	spop (v2sf)  }
0x29: {  	s5 =	sand.u32 $0xFFF, s15;
	s9 =	sand.u32 $0x1FFF000, s9;
	s11 =	spop (v2sf)  }
0x2a: {  	s10 =	sand.u32 $0x1FFFFFF0, s10;
	s11 =	sand.u32 $0x1FFFFFF0, s11;
	s5 =	sor.u32 s5, s9  }
0x2b: {  	(v2sf) =	vpush v0, $0x3;
	s16 =	spop (v2sf);
	s10 =	sadd.s32 s3, s10;
	s12 =	sshll.u32 s5, $0x4  }
0x2c: {  	s21 =	sshrl.u32 s16, $0x1;
	s11 =	sadd.s32 s3, s11;
	s13 =	spop (v2sf)  }
0x2d: {  	[tilespmem:s22], [sflag:$0x1] =	stream.strided.gather [hbm4b:s11+s20], $0x0, s22, s20, $0x38;
	[tilespmem:$0x18400] =	vst v63  }
0x2e: {  	s9 =	sand.u32 $0xFFF, s16;
	s15 =	sand.u32 $0x1FFF000, s21;
	s5 =	spop (v2sf)  }
0x2f: {  	s23 =	sadd.s32 s4, s12;
	s12 =	sor.u32 s9, s15;
	s15 =	spop (v2sf)  }
0x30: {  	[tilespmem:s22], [sflag:$0x1] =	stream.linear.gather [hbm4b:s11+s2], $0x40, $0x38;
	[tilespmem:$0x18400] =	vst v63  }
0x31: {  	s21 =	simm.s32 $0x580;
	s13 =	sand.u32 $0x1FFFFFF0, s13;
	s11 =	spop (v2sf)  }
0x32: {  	(v2sf) =	vpush v0, $0x4;
	[tilespmem:s8], [sflag:$0x1] =	stream.linear.gather [hbm4b:s23+s2], $0x80, $0x38;
	[tilespmem:$0x18400] =	vst v63  }
0x33: {  	s13 =	sadd.s32 s3, s13;
	s9 =	sand.u32 $0x1FFFFFF0, s15;
	s16 =	spop (v2sf)  }
0x34: {  	[tilespmem:s7], [sflag:$0x1] =	stream.strided.gather [hbm4b:s10+s20], $0x0, s22, s20, $0x38;
	[tilespmem:$0x18400] =	vst v63  }
0x35: {  	s9 =	sadd.s32 s3, s9;
	s11 =	sand.u32 $0x1FFFFFF0, s11;
	s23 =	sshrl.u32 s16, $0x1  }
0x36: {  	[tilespmem:s7], [sflag:$0x1] =	stream.linear.gather [hbm4b:s10+s2], $0x40, $0x38;
	[tilespmem:$0x18400] =	vst v63  }
0x37: {  	s8 =	sshll.u32 s12, $0x4;
	s12 =	sand.u32 $0x1FFF000, s23;
	s10 =	sand.u32 $0xFFF, s16  }
0x38: {  	s8 =	sadd.s32 s4, s8;
	s7 =	simm.s32 $0x540;
	s10 =	sor.u32 s10, s12  }
0x39: {  	(v2sf) =	vpush v1, $0x5;
	[tilespmem:s1], [sflag:$0x1] =	stream.linear.gather [hbm4b:s8+s2], $0x80, $0x38;
	[tilespmem:$0x18400] =	vst v63  }
0x3a: {  	s12 =	sshrl.u32 s0, $0x1;
	s0 =	sand.u32 $0xFFF, s0;
	s1 =	spop (v2sf)  }
0x3b: {  	(v2sf) =	vpush v1, $0x6;
	[tilespmem:s6], [sflag:$0x1] =	stream.strided.gather [hbm4b:s13+s20], $0x0, s22, s20, $0x38;
	[tilespmem:$0x18400] =	vst v63  }
0x3c: {  	s8 =	simm.s32 $0x8500;
	s10 =	sshll.u32 s10, $0x4;
	s16 =	sshrl.u32 s1, $0x1  }
0x3d: {  	(v2sf) =	vpush v0, $0x5;
	[tilespmem:s6], [sflag:$0x1] =	stream.linear.gather [hbm4b:s13+s2], $0x40, $0x38;
	[tilespmem:$0x18400] =	vst v63  }
0x3e: {  	s10 =	sadd.s32 s4, s10;
	s1 =	sand.u32 $0xFFF, s1;
	s23 =	sand.u32 $0x1FFF000, s16  }
0x3f: {  	s13 =	simm.s32 $0x500;
	s16 =	simm.s32 $0x8580;
	s6 =	sor.u32 s1, s23  }
0x40: {  	(v2sf) =	vpush v0, $0x6;
	[tilespmem:s8], [sflag:$0x1] =	stream.linear.gather [hbm4b:s10+s2], $0x80, $0x38;
	[tilespmem:$0x18400] =	vst v63  }
0x41: {  	s1 =	spop (v2sf);
	s10 =	simm.s32 $0x4C0;
	s6 =	sshll.u32 s6, $0x4  }
0x42: {  	[tilespmem:s10], [sflag:$0x1] =	stream.strided.gather [hbm4b:s9+s20], $0x0, s22, s20, $0x38;
	[tilespmem:$0x18400] =	vst v63  }
0x43: {  	s23 =	simm.s32 $0x800;
	s15 =	sshrl.u32 s1, $0x1;
	s6 =	sadd.s32 s4, s6  }
0x44: {  	(v2sf) =	vpush v1, $0x7;
	[tilespmem:s10], [sflag:$0x1] =	stream.linear.gather [hbm4b:s9+s2], $0x40, $0x38;
	[tilespmem:$0x18400] =	vst v63  }
0x45: {  	s8 =	sand.u32 $0x1FFF000, s15;
	s15 =	sand.u32 $0x1FFF000, s12;
	s9 =	sand.u32 $0xFFF, s1  }
0x46: {  	s1 =	sadd.s32 s3, s11;
	s10 =	simm.s32 $0x8600;
	s8 =	sor.u32 s9, s8  }
0x47: {  	(v2sf) =	vpush v0, $0x8;
	[tilespmem:s16], [sflag:$0x1] =	stream.linear.gather [hbm4b:s6+s2], $0x80, $0x38;
	[tilespmem:$0x18400] =	vst v63  }
0x48: {  	s16 =	spop (v2sf);
	s8 =	sshll.u32 s8, $0x4;
	s6 =	simm.s32 $0x8780  }
0x49: {  	[tilespmem:s13], [sflag:$0x1] =	stream.strided.gather [hbm4b:s1+s20], $0x0, s22, s20, $0x38;
	[tilespmem:$0x18400] =	vst v63  }
0x4a: {  	s11 =	spop (v2sf);
	s8 =	sadd.s32 s4, s8;
	s16 =	sand.u32 $0x1FFFFFF0, s16  }
0x4b: {  	[tilespmem:s13], [sflag:$0x1] =	stream.linear.gather [hbm4b:s1+s2], $0x40, $0x38;
	[tilespmem:$0x18400] =	vst v63  }
0x4c: {  	s12 =	sadd.s32 s3, s16;
	s11 =	sand.u32 $0x1FFFFFF0, s11;
	s13 =	spop (v2sf);
	(v2sf) =	vpush v1, $0x9  }
0x4d: {  	[tilespmem:s10], [sflag:$0x1] =	stream.linear.gather [hbm4b:s8+s2], $0x80, $0x38;
	[tilespmem:$0x18400] =	vst v63  }
0x4e: {  	s1 =	sshrl.u32 s13, $0x1;
	s10 =	sand.u32 $0xFFF, s13;
	s13 =	sor.u32 s0, s15  }
0x4f: {  	s15 =	simm.s32 $0x8680;
	s16 =	spop (v2sf);
	s9 =	sand.u32 $0x1FFF000, s1  }
0x50: {  	[tilespmem:s7], [sflag:$0x1] =	stream.strided.gather [hbm4b:s12+s20], $0x0, s22, s20, $0x38;
	[tilespmem:$0x18400] =	vst v63  }
0x51: {  	s1 =	sshrl.u32 s16, $0x1;
	s10 =	sor.u32 s10, s9;
	s9 =	sshll.u32 s13, $0x4  }
0x52: {  	[tilespmem:s7], [sflag:$0x1] =	stream.linear.gather [hbm4b:s12+s2], $0x40, $0x38;
	[tilespmem:$0x18400] =	vst v63  }
0x53: {  	s0 =	sshll.u32 s10, $0x4;
	s10 =	sand.u32 $0x1FFF000, s1;
	s7 =	spop (v2sf)  }
0x54: {  	s0 =	sadd.s32 s4, s0;
	s12 =	sand.u32 $0xFFF, s16;
	s16 =	simm.s32 $0x8A00  }
0x55: {  	[tilespmem:s15], [sflag:$0x1] =	stream.linear.gather [hbm4b:s0+s2], $0x80, $0x38;
	[tilespmem:$0x18400] =	vst v63  }
0x56: {  	[dreg:$0x6] =	wrdreg s16;
	s16 =	sor.u32 s12, s10;
	s15 =	spop (v2sf)  }
0x57: {  	s10 =	sshrl.u32 s15, $0x1;
	s12 =	sand.u32 $0xFFF, s15;
	s15 =	simm.s32 $0x8980  }
0x58: {  	s13 =	sshll.u32 s16, $0x4;
	s0 =	sand.u32 $0x1FFF000, s10;
	[dreg:$0x9] =	wrdreg s15  }
0x59: {  	(v2sf) =	vpush v0, $0x9;
	s15 =	sadd.s32 s3, s11;
	s10 =	sand.u32 $0x1FFFFFF0, s5;
	s8 =	sor.u32 s12, s0  }
0x5a: {  	(v2sf) =	vpush v1, $0xA;
	[tilespmem:s21], [sflag:$0x1] =	stream.strided.gather [hbm4b:s15+s20], $0x0, s22, s20, $0x38;
	[tilespmem:$0x18400] =	vst v63  }
0x5b: {  	(v2sf) =	vpush v0, $0xA;
	s12 =	sand.u32 $0x1FFFFFF0, s7;
	s7 =	simm.s32 $0x8900;
	s11 =	spop (v2sf)  }
.LBB2_2:
0x5c: {  	_ =	sdelay $0x4  }
0x5d: {  	[tilespmem:s21], [sflag:$0x1] =	stream.linear.gather [hbm4b:s15+s2], $0x40, $0x38;
	[tilespmem:$0x18400] =	vst v63  }
0x5e: {  	s13 =	sadd.s32 s4, s13  }
0x5f: {  	[tilespmem:s18], [sflag:$0x1] =	stream.linear.gather [hbm4b:s13+s2], $0x80, $0x38;
	[tilespmem:$0x18400] =	vst v63  }
0x60: {  	s12 =	sadd.s32 s3, s12;
	s0 =	rddreg [dreg:$0x8]  }
0x61: {  	[tilespmem:s0], [sflag:$0x1] =	stream.strided.gather [hbm4b:s12+s20], $0x0, s22, s20, $0x38;
	[tilespmem:$0x18400] =	vst v63  }
0x62: {  	(v2sf) =	vpush v1, $0xB  }
0x63: {  	[tilespmem:s0], [sflag:$0x1] =	stream.linear.gather [hbm4b:s12+s2], $0x40, $0x38;
	[tilespmem:$0x18400] =	vst v63  }
0x64: {  	s9 =	sadd.s32 s4, s9;
	s16 =	spop (v2sf);
	(v2sf) =	vpush v0, $0xB  }
0x65: {  	[tilespmem:s6], [sflag:$0x1] =	stream.linear.gather [hbm4b:s9+s2], $0x80, $0x38;
	[tilespmem:$0x18400] =	vst v63  }
0x66: {  	s18 =	sshrl.u32 s16, $0x1  }
0x67: {  	s21 =	spop (v2sf);
	(v2sf) =	vpush v1, $0xC;
	s16 =	sand.u32 $0xFFF, s16;
	s13 =	sand.u32 $0x1FFF000, s18  }
0x68: {  	s0 =	sadd.s32 s3, s10;
	s18 =	sand.u32 $0x1FFFFFF0, s21;
	s16 =	sor.u32 s16, s13  }
0x69: {  	s21 =	spop (v2sf);
	s9 =	sshll.u32 s16, $0x4;
	s16 =	rddreg [dreg:$0x7]  }
0x6a: {  	(v2sf) =	vpush v0, $0xC;
	[tilespmem:s16], [sflag:$0x1] =	stream.strided.gather [hbm4b:s0+s20], $0x0, s22, s20, $0x38;
	[tilespmem:$0x18400] =	vst v63  }
0x6b: {  	s15 =	sadd.s32 $0x8800, s14;
	s8 =	sshll.u32 s8, $0x4;
	s11 =	sand.u32 $0x1FFFFFF0, s11  }
0x6c: {  	[tilespmem:s16], [sflag:$0x1] =	stream.linear.gather [hbm4b:s0+s2], $0x40, $0x38;
	[tilespmem:$0x18400] =	vst v63  }
0x6d: {  	s8 =	sadd.s32 s4, s8;
	s12 =	sshrl.u32 s21, $0x1;
	s21 =	sand.u32 $0xFFF, s21  }
0x6e: {  	(v2sf) =	vpush v1, $0xD;
	[tilespmem:s15], [sflag:$0x1] =	stream.linear.gather [hbm4b:s8+s2], $0x80, $0x38;
	[tilespmem:$0x18400] =	vst v63  }
0x6f: {  	s13 =	sadd.s32 s3, s11;
	s10 =	sand.u32 $0x1FFF000, s12;
	s16 =	rddreg [dreg:$0x5]  }
0x70: {  	[tilespmem:s16], [sflag:$0x1] =	stream.strided.gather [hbm4b:s13+s20], $0x0, s22, s20, $0x38;
	[tilespmem:$0x18400] =	vst v63  }
0x71: {  	s10 =	sor.u32 s21, s10;
	s21 =	sadd.s32 $0x8880, s14;
	s15 =	spop (v2sf)  }
0x72: {  	(v2sf) =	vpush v0, $0xD;
	[tilespmem:s16], [sflag:$0x1] =	stream.linear.gather [hbm4b:s13+s2], $0x40, $0x38;
	[tilespmem:$0x18400] =	vst v63  }
0x73: {  	s8 =	sshll.u32 s10, $0x4;
	s13 =	sadd.s32 s4, s9;
	s12 =	spop (v2sf)  }
0x74: {  	[tilespmem:s21], [sflag:$0x1] =	stream.linear.gather [hbm4b:s13+s2], $0x80, $0x38;
	[tilespmem:$0x18400] =	vst v63  }
0x75: {  	s10 =	sand.u32 $0x1FFFFFF0, s15;
	s21 =	sadd.s32 s3, s18;
	s15 =	sshrl.u32 s12, $0x1  }
0x76: {  	s16 =	spop (v2sf);
	s0 =	sand.u32 $0xFFF, s12;
	s12 =	rddreg [dreg:$0x4]  }
0x77: {  	[tilespmem:s12], [sflag:$0x1] =	stream.strided.gather [hbm4b:s21+s20], $0x0, s22, s20, $0x38;
	[tilespmem:$0x18400] =	vst v63  }
0x78: {  	(v2sf) =	vpush v1, $0xE;
	s9 =	sand.u32 $0x1FFF000, s15;
	s11 =	sand.u32 $0x1FFFFFF0, s16  }
0x79: {  	s15 =	spop (v2sf);
	s16 =	sadd.s32 s4, s8;
	s9 =	sor.u32 s0, s9  }
0x7a: {  	(v2sf) =	vpush v0, $0xE;
	[tilespmem:s12], [sflag:$0x1] =	stream.linear.gather [hbm4b:s21+s2], $0x40, $0x38;
	[tilespmem:$0x18400] =	vst v63  }
0x7b: {  	s18 =	sshrl.u32 s15, $0x1;
	s0 =	sadd.s32 s3, s10;
	s10 =	sand.u32 $0xFFF, s15  }
0x7c: {  	[tilespmem:s7], [sflag:$0x1] =	stream.linear.gather [hbm4b:s16+s2], $0x80, $0x38;
	[tilespmem:$0x18400] =	vst v63  }
0x7d: {  	s21 =	spop (v2sf);
	s8 =	sand.u32 $0x1FFF000, s18;
	s9 =	sshll.u32 s9, $0x4  }
0x7e: {  	(v2sf) =	vpush v1, $0xF;
	[tilespmem:s29], [sflag:$0x1] =	stream.strided.gather [hbm4b:s0+s20], $0x0, s22, s20, $0x38;
	[tilespmem:$0x18400] =	vst v63  }
0x7f: {  	s15 =	rddreg [dreg:$0x9];
	s12 =	sadd.s32 s4, s9;
	s7 =	sor.u32 s10, s8  }
0x80: {  	(v2sf) =	vpush v0, $0xF;
	[tilespmem:s29], [sflag:$0x1] =	stream.linear.gather [hbm4b:s0+s2], $0x40, $0x38;
	[tilespmem:$0x18400] =	vst v63  }
0x81: {  	s8 =	sand.u32 $0x1FFFFFF0, s21;
	s7 =	sshll.u32 s7, $0x4;
	s13 =	spop (v2sf)  }
0x82: {  	[tilespmem:s15], [sflag:$0x1] =	stream.linear.gather [hbm4b:s12+s2], $0x80, $0x38;
	[tilespmem:$0x18400] =	vst v63  }
0x83: {  	s16 =	sadd.s32 s3, s11;
	s11 =	sadd.s32 s4, s7;
	s18 =	sshrl.u32 s13, $0x1  }
0x84: {  	[tilespmem:s26], [sflag:$0x1] =	stream.strided.gather [hbm4b:s16+s20], $0x0, s22, s20, $0x38;
	[tilespmem:$0x18400] =	vst v63  }
0x85: {  	s9 =	sand.u32 $0xFFF, s13;
	s13 =	rddreg [dreg:$0x6];
	s6 =	sand.u32 $0x1FFF000, s18  }
0x86: {  	[tilespmem:s26], [sflag:$0x1] =	stream.linear.gather [hbm4b:s16+s2], $0x40, $0x38;
	[tilespmem:$0x18400] =	vst v63  }
0x87: {  	s6 =	sor.u32 s9, s6;
	s15 =	sadd.s32 s3, s8;
	s21 =	spop (v2sf)  }
0x88: {  	[tilespmem:s13], [sflag:$0x1] =	stream.linear.gather [hbm4b:s11+s2], $0x80, $0x38;
	[tilespmem:$0x18400] =	vst v63  }
0x89: {  	s6 =	sshll.u32 s6, $0x4;
	s10 =	sand.u32 $0x1FFFFFF0, s21;
	s12 =	spop (v2sf)  }
0x8a: {  	[tilespmem:s24], [sflag:$0x1] =	stream.strided.gather [hbm4b:s15+s20], $0x0, s22, s20, $0x38;
	[tilespmem:$0x18400] =	vst v63  }
0x8b: {  	s21 =	sadd.s32 s4, s6;
	s16 =	sshrl.u32 s12, $0x1;
	s7 =	sand.u32 $0xFFF, s12  }
0x8c: {  	[tilespmem:s24], [sflag:$0x1] =	stream.linear.gather [hbm4b:s15+s2], $0x40, $0x38;
	[tilespmem:$0x18400] =	vst v63  }
0x8d: {  	s8 =	sand.u32 $0x1FFF000, s16;
	s11 =	sadd.s32 s3, s10;
	s18 =	spop (v2sf)  }
0x8e: {  	[tilespmem:s31], [sflag:$0x1] =	stream.linear.gather [hbm4b:s21+s2], $0x80, $0x38;
	[tilespmem:$0x18400] =	vst v63  }
0x8f: {  	s13 =	sadd.s32 $0x8B00, s14;
	s12 =	spop (v2sf);
	s24 =	sor.u32 s7, s8  }
0x90: {  	[tilespmem:s30], [sflag:$0x1] =	stream.strided.gather [hbm4b:s11+s20], $0x0, s22, s20, $0x38;
	[tilespmem:$0x18400] =	vst v63  }
0x91: {  	s26 =	sand.u32 $0x1FFFFFF0, s18;
	s15 =	sshrl.u32 s12, $0x1;
	s6 =	sshll.u32 s24, $0x4  }
0x92: {  	[tilespmem:s30], [sflag:$0x1] =	stream.linear.gather [hbm4b:s11+s2], $0x40, $0x38;
	[tilespmem:$0x18400] =	vst v63  }
0x93: {  	s8 =	sand.u32 $0xFFF, s12;
	s18 =	sand.u32 $0x1FFF000, s15;
	s16 =	sadd.s32 s4, s6  }
0x94: {  	[tilespmem:s13], [sflag:$0x1] =	stream.linear.gather [hbm4b:s16+s2], $0x80, $0x38;
	[tilespmem:$0x18400] =	vst v63  }
0x95: {  	s21 =	sadd.s32 s3, s26;
	s6 =	sor.u32 s8, s18  }
0x96: {  	[tilespmem:s19], [sflag:$0x1] =	stream.strided.gather [hbm4b:s21+s20], $0x0, s22, s20, $0x38;
	[tilespmem:$0x18400] =	vst v63  }
0x97: {  	s6 =	sshll.u32 s6, $0x4  }
0x98: {  	[tilespmem:s19], [sflag:$0x1] =	stream.linear.gather [hbm4b:s21+s2], $0x40, $0x38;
	[tilespmem:$0x18400] =	vst v63  }
0x99: {  	s24 =	sadd.s32 $0x8B80, s14;
	s6 =	sadd.s32 s4, s6  }
0x9a: {  	[tilespmem:s24], [sflag:$0x1] =	stream.linear.gather [hbm4b:s6+s2], $0x80, $0x38;
	[tilespmem:$0x18400] =	vst v63  }
0x9b: {  	v0 =	vld [tilespmem:s28+$0x0];
	_ =	sdelay $0x1  }
0x9c: {  	v1 =	vld [tilespmem:s25+$0x0];
	_ =	sdelay $0x2  }
0x9d: {  	s1 =	smov.u32 s17;
	s5 =	smov.u32 s23;
	(v2sf) =	vpush v0, $0x7  }
0x9e: {  	p0 =	sne.s32 s17, $0x3E000;
	s17 =	sadd.s32 $0x2000, s17;
	s29 =	simm.s32 $0x80;
	(v2sf) =	vpush v0, $0x0  }
0x9f: {  	s10 =	sadd.s32 $0x300, s23;
	s14 =	sshra.s32 s1, $0x2;
	s1 =	sadd.s32 $0x380, s23;
	v1 =	vshll.u32 v1, $0x4  }
0xa0: {  	s12 =	sadd.s32 $0x80, s23;
	s26 =	sadd.s32 $0x8700, s14;
	[dreg:$0xf] =	wrdreg s1;
	(v2sf) =	vpush v1, $0x1  }
0xa1: {  	s7 =	sadd.s32 $0x2C0, s23;
	s8 =	sadd.s32 $0x200, s23;
	[dreg:$0xa] =	wrdreg s26  }
0xa2: {  	s15 =	sadd.s32 $0x40, s23;
	s18 =	sadd.s32 $0x140, s5;
	[dreg:$0x7] =	wrdreg s8;
	(v2sf) =	vpush v1, $0x0  }
0xa3: {  	s9 =	sadd.s32 $0x8480, s14;
	[dreg:$0xc] =	wrdreg s18;
	s26 =	sadd.s32 $0x8980, s14;
	(v2sf) =	vpush v0, $0x1  }
0xa4: {  	s1 =	sadd.s32 $0x10, s28;
	[dreg:$0x9] =	wrdreg s26;
	s11 =	sadd.s32 $0x240, s23;
	(v2sf) =	vpush v1, $0x2  }
0xa5: {  	s31 =	sadd.s32 $0x8780, s14;
	[dreg:$0x5] =	wrdreg s11;
	s13 =	sadd.s32 $0x280, s23  }
0xa6: {  	s8 =	sadd.s32 $0x100, s5;
	s16 =	sadd.s32 $0x1C0, s23;
	[dreg:$0x4] =	wrdreg s13  }
0xa7: {  	s11 =	sadd.s32 $0xC0, s5;
	[dreg:$0x8] =	wrdreg s16;
	s20 =	sadd.s32 $0x8580, s14;
	(v2sf) =	vpush v1, $0x8  }
0xa8: {  	s16 =	sadd.s32 $0x8500, s14;
	s22 =	sadd.s32 $0x8A00, s14;
	[dreg:$0xe] =	wrdreg s20;
	(v2sf) =	vpush v1, $0x3  }
0xa9: {  	[dreg:$0x6] =	wrdreg s22;
	s21 =	sadd.s32 $0x180, s5;
	s19 =	sadd.s32 $0x8A80, s14  }
0xaa: {  	[dreg:$0xb] =	wrdreg s19;
	s19 =	simm.s32 $0x400;
	s2 =	sadd.s32 $0x3C0, s23;
	(v2sf) =	vpush v1, $0x4  }
0xab: {  	s24 =	sadd.s32 $0x8400, s14;
	s6 =	sadd.s32 $0x340, s23;
	[dreg:$0x10] =	wrdreg s2;
	(v2sf) =	vpush v0, $0x2  }
0xac: {  	s23 =	sadd.s32 $0x400, s23;
	[dreg:$0xd] =	wrdreg s6;
	s0 =	spop (v2sf)  }
0xad: {  	s25 =	sadd.s32 $0x10, s25;
	(v2sf) =	vpush v0, $0x3;
	s2 =	sshrl.u32 s0, $0x1;
	s6 =	spop (v2sf)  }
0xae: {  	s13 =	sand.u32 $0xFFF, s0;
	s28 =	sshrl.u32 s6, $0x1;
	s18 =	sand.u32 $0x1FFF000, s2  }
0xaf: {  	s22 =	spop (v2sf);
	s20 =	sand.u32 $0xFFF, s6;
	s6 =	simm.s32 $0x0  }
0xb0: {  	s2 =	smov.u32 s17;
	s17 =	smov.u32 s25;
	s28 =	sand.u32 $0x1FFF000, s28  }
0xb1: {  	s30 =	spop (v2sf);
	s18 =	sor.u32 s13, s18;
	s22 =	sand.u32 $0x1FFFFFF0, s22  }
0xb2: {  	s30 =	sand.u32 $0x1FFFFFF0, s30;
	s20 =	sor.u32 s20, s28;
	s28 =	spop (v2sf)  }
0xb3: {  	s20 =	sshll.u32 s20, $0x4;
	s0 =	sshrl.u32 s28, $0x1;
	s26 =	spop (v2sf)  }
0xb4: {  	s28 =	sand.u32 $0xFFF, s28;
	s30 =	sadd.s32 s3, s30;
	s0 =	sand.u32 $0x1FFF000, s0  }
0xb5: {  	[tilespmem:s5], [sflag:$0x1] =	stream.strided.gather [hbm4b:s30+s29], $0x0, s19, s29, $0x38;
	[tilespmem:$0x18400] =	vst v63  }
0xb6: {  	s25 =	sand.u32 $0x1FFFFFF0, s26;
	s13 =	spop (v2sf);
	s0 =	sor.u32 s28, s0  }
0xb7: {  	s20 =	sadd.s32 s4, s20;
	s28 =	spop (v2sf);
	s0 =	sshll.u32 s0, $0x4  }
0xb8: {  	(v2sf) =	vpush v0, $0x4;
	[tilespmem:s5], [sflag:$0x1] =	stream.linear.gather [hbm4b:s30+s6], $0x40, $0x38;
	[tilespmem:$0x18400] =	vst v63  }
0xb9: {  	s26 =	spop (v2sf);
	s5 =	sadd.s32 s3, s22;
	s22 =	sand.u32 $0x1FFFFFF0, s28  }
0xba: {  	s30 =	rddreg [dreg:$0xf];
	s28 =	spop (v2sf);
	s0 =	sadd.s32 s4, s0  }
0xbb: {  	[tilespmem:s24], [sflag:$0x1] =	stream.linear.gather [hbm4b:s20+s6], $0x80, $0x38;
	[tilespmem:$0x18400] =	vst v63  }
0xbc: {  	s20 =	sshrl.u32 s28, $0x1;
	s24 =	sand.u32 $0x1FFFFFF0, s26;
	s26 =	spop (v2sf)  }
0xbd: {  	[tilespmem:s15], [sflag:$0x1] =	stream.strided.gather [hbm4b:s5+s29], $0x0, s19, s29, $0x38;
	[tilespmem:$0x18400] =	vst v63  }
0xbe: {  	s28 =	sand.u32 $0xFFF, s28;
	s20 =	sand.u32 $0x1FFF000, s20;
	s29 =	smov.u32 s7  }
0xbf: {  	(v2sf) =	vpush v1, $0x5;
	s20 =	sor.u32 s28, s20;
	s28 =	smov.u32 s1;
	s7 =	sshrl.u32 s26, $0x1  }
0xc0: {  	s1 =	sand.u32 $0x1FFF000, s7;
	s7 =	sand.u32 $0xFFF, s26;
	s26 =	smov.u32 s10  }
0xc1: {  	[tilespmem:s15], [sflag:$0x1] =	stream.linear.gather [hbm4b:s5+s6], $0x40, $0x38;
	[tilespmem:$0x18400] =	vst v63  }
0xc2: {  	s6 =	smov.u32 s31;
	s5 =	sadd.s32 s3, s25;
	s25 =	smov.u32 s17  }
0xc3: {  	(v2sf) =	vpush v1, $0x6;
	s17 =	smov.u32 s2;
	s2 =	simm.s32 $0x0;
	s15 =	sshll.u32 s20, $0x4  }
0xc4: {  	[tilespmem:s9], [sflag:$0x1] =	stream.linear.gather [hbm4b:s0+s2], $0x80, $0x38;
	[tilespmem:$0x18400] =	vst v63  }
0xc5: {  	(v2sf) =	vpush v0, $0x5;
	s20 =	simm.s32 $0x80;
	s31 =	rddreg [dreg:$0xb];
	s0 =	sadd.s32 s4, s15  }
0xc6: {  	[tilespmem:s12], [sflag:$0x1] =	stream.strided.gather [hbm4b:s5+s20], $0x0, s19, s20, $0x38;
	[tilespmem:$0x18400] =	vst v63  }
0xc7: {  	s9 =	sor.u32 s7, s1;
	s7 =	sadd.s32 s3, s22;
	s1 =	spop (v2sf)  }
0xc8: {  	[tilespmem:s12], [sflag:$0x1] =	stream.linear.gather [hbm4b:s5+s2], $0x40, $0x38;
	[tilespmem:$0x18400] =	vst v63  }
0xc9: {  	(v2sf) =	vpush v0, $0x6;
	s22 =	simm.s32 $0x400;
	s15 =	sadd.s32 $0x8680, s14;
	s10 =	sshrl.u32 s1, $0x1  }
0xca: {  	(v2sf) =	vpush v1, $0x7;
	[tilespmem:s16], [sflag:$0x1] =	stream.linear.gather [hbm4b:s0+s2], $0x80, $0x38;
	[tilespmem:$0x18400] =	vst v63  }
0xcb: {  	s9 =	sshll.u32 s9, $0x4;
	s12 =	sand.u32 $0x1FFF000, s10;
	s16 =	sand.u32 $0xFFF, s1  }
0xcc: {  	s19 =	rddreg [dreg:$0x10];
	s9 =	sadd.s32 s4, s9;
	s0 =	sor.u32 s16, s12  }
0xcd: {  	[tilespmem:s11], [sflag:$0x1] =	stream.strided.gather [hbm4b:s7+s20], $0x0, s22, s20, $0x38;
	[tilespmem:$0x18400] =	vst v63  }
0xce: {  	s10 =	sand.u32 $0x1FFFFFF0, s13;
	s1 =	spop (v2sf);
	s0 =	sshll.u32 s0, $0x4  }
0xcf: {  	(v2sf) =	vpush v0, $0x8;
	[tilespmem:s11], [sflag:$0x1] =	stream.linear.gather [hbm4b:s7+s2], $0x40, $0x38;
	[tilespmem:$0x18400] =	vst v63  }
0xd0: {  	s16 =	rddreg [dreg:$0xe];
	s12 =	sand.u32 $0x1FFFFFF0, s1;
	s0 =	sadd.s32 s4, s0  }
0xd1: {  	[tilespmem:s16], [sflag:$0x1] =	stream.linear.gather [hbm4b:s9+s2], $0x80, $0x38;
	[tilespmem:$0x18400] =	vst v63  }
0xd2: {  	s7 =	sadd.s32 s3, s24;
	s9 =	sshll.u32 s18, $0x4;
	s18 =	spop (v2sf)  }
0xd3: {  	[tilespmem:s8], [sflag:$0x1] =	stream.strided.gather [hbm4b:s7+s20], $0x0, s22, s20, $0x38;
	[tilespmem:$0x18400] =	vst v63  }
0xd4: {  	s5 =	sadd.s32 s3, s12;
	s24 =	rddreg [dreg:$0xd];
	(v2sf) =	vpush v1, $0x9;
	s1 =	spop (v2sf)  }
0xd5: {  	[tilespmem:s8], [sflag:$0x1] =	stream.linear.gather [hbm4b:s7+s2], $0x40, $0x38;
	[tilespmem:$0x18400] =	vst v63  }
0xd6: {  	s11 =	sadd.s32 $0x8600, s14;
	s16 =	sand.u32 $0x1FFFFFF0, s18;
	s7 =	sshrl.u32 s1, $0x1  }
0xd7: {  	[tilespmem:s11], [sflag:$0x1] =	stream.linear.gather [hbm4b:s0+s2], $0x80, $0x38;
	[tilespmem:$0x18400] =	vst v63  }
0xd8: {  	s18 =	spop (v2sf);
	s12 =	sand.u32 $0xFFF, s1;
	s11 =	sand.u32 $0x1FFF000, s7  }
0xd9: {  	s1 =	rddreg [dreg:$0xc];
	s7 =	spop (v2sf);
	s0 =	sor.u32 s12, s11  }
0xda: {  	[tilespmem:s1], [sflag:$0x1] =	stream.strided.gather [hbm4b:s5+s20], $0x0, s22, s20, $0x38;
	[tilespmem:$0x18400] =	vst v63  }
0xdb: {  	s11 =	sshrl.u32 s18, $0x1;
	s12 =	sand.u32 $0x1FFFFFF0, s7;
	s0 =	sshll.u32 s0, $0x4  }
0xdc: {  	s8 =	sand.u32 $0x1FFF000, s11;
	s7 =	sand.u32 $0xFFF, s18;
	s18 =	rddreg [dreg:$0xa]  }
0xdd: {  	[tilespmem:s1], [sflag:$0x1] =	stream.linear.gather [hbm4b:s5+s2], $0x40, $0x38;
	[tilespmem:$0x18400] =	vst v63  }
0xde: {  	s11 =	sor.u32 s7, s8;
	s0 =	sadd.s32 s4, s0;
	s1 =	spop (v2sf)  }
.Ltmp0:
0xdf: {  	s13 =	sshll.u32 s11, $0x4;
	s8 =	sshrl.u32 s1, $0x1;
	(pc) =	sbr.rel @p0 .LBB2_2-.Ltmp0, $4  }
0xe0: {  	[tilespmem:s15], [sflag:$0x1] =	stream.linear.gather [hbm4b:s0+s2], $0x80, $0x38;
	[tilespmem:$0x18400] =	vst v63  }
0xe1: {  	(v2sf) =	vpush v0, $0x9;
	s15 =	sadd.s32 s3, s16;
	s11 =	sand.u32 $0x1FFF000, s8;
	s16 =	sand.u32 $0xFFF, s1  }
0xe2: {  	(v2sf) =	vpush v1, $0xA;
	[tilespmem:s21], [sflag:$0x1] =	stream.strided.gather [hbm4b:s15+s20], $0x0, s22, s20, $0x38;
	[tilespmem:$0x18400] =	vst v63  }
0xe3: {  	(v2sf) =	vpush v0, $0xA;
	s7 =	sadd.s32 $0x8900, s14;
	s8 =	sor.u32 s16, s11;
	s11 =	spop (v2sf)  }
0xe4: {  	[tilespmem:s21], [sflag:$0x1] =	stream.linear.gather [hbm4b:s15+s2], $0x40, $0x38;
	[tilespmem:$0x18400] =	vst v63  }
0xe5: {  	s0 =	sadd.s32 s4, s13  }
0xe6: {  	[tilespmem:s18], [sflag:$0x1] =	stream.linear.gather [hbm4b:s0+s2], $0x80, $0x38;
	[tilespmem:$0x18400] =	vst v63  }
0xe7: {  	s5 =	sadd.s32 s3, s12;
	s1 =	rddreg [dreg:$0x8]  }
0xe8: {  	[tilespmem:s1], [sflag:$0x1] =	stream.strided.gather [hbm4b:s5+s20], $0x0, s22, s20, $0x38;
	[tilespmem:$0x18400] =	vst v63  }
0xe9: {  	_ = 	snop  }
0xea: {  	[tilespmem:s1], [sflag:$0x1] =	stream.linear.gather [hbm4b:s5+s2], $0x40, $0x38;
	[tilespmem:$0x18400] =	vst v63  }
0xeb: {  	s9 =	sadd.s32 s4, s9  }
0xec: {  	[tilespmem:s6], [sflag:$0x1] =	stream.linear.gather [hbm4b:s9+s2], $0x80, $0x38;
	[tilespmem:$0x18400] =	vst v63  }
0xed: {  	s10 =	sadd.s32 s3, s10;
	s12 =	rddreg [dreg:$0x7]  }
0xee: {  	[tilespmem:s12], [sflag:$0x1] =	stream.strided.gather [hbm4b:s10+s20], $0x0, s22, s20, $0x38;
	[tilespmem:$0x18400] =	vst v63  }
0xef: {  	s13 =	sshll.u32 s8, $0x4  }
0xf0: {  	[tilespmem:s12], [sflag:$0x1] =	stream.linear.gather [hbm4b:s10+s2], $0x40, $0x38;
	[tilespmem:$0x18400] =	vst v63  }
0xf1: {  	s15 =	sadd.s32 $0x8800, s14;
	s16 =	sand.u32 $0x1FFFFFF0, s11;
	s0 =	sadd.s32 s4, s13  }
0xf2: {  	[tilespmem:s15], [sflag:$0x1] =	stream.linear.gather [hbm4b:s0+s2], $0x80, $0x38;
	[tilespmem:$0x18400] =	vst v63  }
0xf3: {  	s17 =	rddreg [dreg:$0x5];
	(v2sf) =	vpush v1, $0xB;
	s18 =	spop (v2sf);
	s0 =	sadd.s32 s3, s16  }
0xf4: {  	[tilespmem:s17], [sflag:$0x1] =	stream.strided.gather [hbm4b:s0+s20], $0x0, s22, s20, $0x38;
	[tilespmem:$0x18400] =	vst v63  }
0xf5: {  	s21 =	sshrl.u32 s18, $0x1  }
0xf6: {  	[tilespmem:s17], [sflag:$0x1] =	stream.linear.gather [hbm4b:s0+s2], $0x40, $0x38;
	[tilespmem:$0x18400] =	vst v63  }
0xf7: {  	s1 =	sand.u32 $0x1FFF000, s21;
	s0 =	sand.u32 $0xFFF, s18  }
0xf8: {  	s25 =	spop (v2sf);
	(v2sf) =	vpush v0, $0xB;
	s0 =	sor.u32 s0, s1  }
0xf9: {  	s0 =	sshll.u32 s0, $0x4  }
0xfa: {  	s23 =	sadd.s32 $0x8880, s14;
	s0 =	sadd.s32 s4, s0  }
0xfb: {  	[tilespmem:s23], [sflag:$0x1] =	stream.linear.gather [hbm4b:s0+s2], $0x80, $0x38;
	[tilespmem:$0x18400] =	vst v63  }
0xfc: {  	s5 =	spop (v2sf);
	(v2sf) =	vpush v1, $0xC;
	s0 =	sand.u32 $0x1FFFFFF0, s25  }
0xfd: {  	s28 =	rddreg [dreg:$0x4];
	s0 =	sadd.s32 s3, s0  }
0xfe: {  	[tilespmem:s28], [sflag:$0x1] =	stream.strided.gather [hbm4b:s0+s20], $0x0, s22, s20, $0x38;
	[tilespmem:$0x18400] =	vst v63  }
0xff: {  	s6 =	sshrl.u32 s5, $0x1  }
0x100: {  	[tilespmem:s28], [sflag:$0x1] =	stream.linear.gather [hbm4b:s0+s2], $0x40, $0x38;
	[tilespmem:$0x18400] =	vst v63  }
0x101: {  	s1 =	sand.u32 $0x1FFF000, s6;
	s0 =	sand.u32 $0xFFF, s5  }
0x102: {  	s8 =	spop (v2sf);
	(v2sf) =	vpush v0, $0xC;
	s0 =	sor.u32 s0, s1  }
0x103: {  	s0 =	sshll.u32 s0, $0x4  }
0x104: {  	s0 =	sadd.s32 s4, s0  }
0x105: {  	[tilespmem:s7], [sflag:$0x1] =	stream.linear.gather [hbm4b:s0+s2], $0x80, $0x38;
	[tilespmem:$0x18400] =	vst v63  }
0x106: {  	s0 =	sand.u32 $0x1FFFFFF0, s8  }
0x107: {  	s9 =	spop (v2sf);
	s0 =	sadd.s32 s3, s0  }
0x108: {  	[tilespmem:s29], [sflag:$0x1] =	stream.strided.gather [hbm4b:s0+s20], $0x0, s22, s20, $0x38;
	[tilespmem:$0x18400] =	vst v63  }
0x109: {  	(v2sf) =	vpush v1, $0xD;
	s10 =	sshrl.u32 s9, $0x1  }
0x10a: {  	[tilespmem:s29], [sflag:$0x1] =	stream.linear.gather [hbm4b:s0+s2], $0x40, $0x38;
	[tilespmem:$0x18400] =	vst v63  }
0x10b: {  	s12 =	spop (v2sf);
	(v2sf) =	vpush v0, $0xD;
	s1 =	sand.u32 $0x1FFF000, s10;
	s0 =	sand.u32 $0xFFF, s9  }
0x10c: {  	s0 =	sor.u32 s0, s1  }
0x10d: {  	s0 =	sshll.u32 s0, $0x4  }
0x10e: {  	s11 =	rddreg [dreg:$0x9];
	s0 =	sadd.s32 s4, s0  }
0x10f: {  	[tilespmem:s11], [sflag:$0x1] =	stream.linear.gather [hbm4b:s0+s2], $0x80, $0x38;
	[tilespmem:$0x18400] =	vst v63  }
0x110: {  	s0 =	sand.u32 $0x1FFFFFF0, s12  }
0x111: {  	s13 =	spop (v2sf);
	(v2sf) =	vpush v1, $0xE;
	s0 =	sadd.s32 s3, s0  }
0x112: {  	(v2sf) =	vpush v0, $0xE;
	[tilespmem:s26], [sflag:$0x1] =	stream.strided.gather [hbm4b:s0+s20], $0x0, s22, s20, $0x38;
	[tilespmem:$0x18400] =	vst v63  }
0x113: {  	s15 =	sshrl.u32 s13, $0x1  }
0x114: {  	[tilespmem:s26], [sflag:$0x1] =	stream.linear.gather [hbm4b:s0+s2], $0x40, $0x38;
	[tilespmem:$0x18400] =	vst v63  }
0x115: {  	s1 =	sand.u32 $0x1FFF000, s15;
	s0 =	sand.u32 $0xFFF, s13  }
0x116: {  	s0 =	sor.u32 s0, s1  }
0x117: {  	s0 =	sshll.u32 s0, $0x4  }
0x118: {  	s16 =	rddreg [dreg:$0x6];
	s17 =	spop (v2sf);
	s0 =	sadd.s32 s4, s0  }
0x119: {  	(v2sf) =	vpush v1, $0xF;
	[tilespmem:s16], [sflag:$0x1] =	stream.linear.gather [hbm4b:s0+s2], $0x80, $0x38;
	[tilespmem:$0x18400] =	vst v63  }
0x11a: {  	s18 =	spop (v2sf);
	(v2sf) =	vpush v0, $0xF;
	s0 =	sand.u32 $0x1FFFFFF0, s17  }
0x11b: {  	s0 =	sadd.s32 s3, s0  }
0x11c: {  	[tilespmem:s24], [sflag:$0x1] =	stream.strided.gather [hbm4b:s0+s20], $0x0, s22, s20, $0x38;
	[tilespmem:$0x18400] =	vst v63  }
0x11d: {  	s21 =	sshrl.u32 s18, $0x1  }
0x11e: {  	[tilespmem:s24], [sflag:$0x1] =	stream.linear.gather [hbm4b:s0+s2], $0x40, $0x38;
	[tilespmem:$0x18400] =	vst v63  }
0x11f: {  	s1 =	sand.u32 $0x1FFF000, s21;
	s0 =	sand.u32 $0xFFF, s18  }
0x120: {  	s23 =	spop (v2sf);
	s0 =	sor.u32 s0, s1  }
0x121: {  	s24 =	spop (v2sf);
	s0 =	sshll.u32 s0, $0x4  }
0x122: {  	s5 =	sshrl.u32 s24, $0x1;
	s1 =	sand.u32 $0x1FFFFFF0, s23;
	s0 =	sadd.s32 s4, s0  }
0x123: {  	[tilespmem:s31], [sflag:$0x1] =	stream.linear.gather [hbm4b:s0+s2], $0x80, $0x38;
	[tilespmem:$0x18400] =	vst v63  }
0x124: {  	s5 =	sand.u32 $0x1FFF000, s5;
	s1 =	sadd.s32 s3, s1;
	s0 =	sand.u32 $0xFFF, s24  }
0x125: {  	[tilespmem:s30], [sflag:$0x1] =	stream.strided.gather [hbm4b:s1+s20], $0x0, s22, s20, $0x38;
	[tilespmem:$0x18400] =	vst v63  }
0x126: {  	s0 =	sor.u32 s0, s5  }
0x127: {  	[tilespmem:s30], [sflag:$0x1] =	stream.linear.gather [hbm4b:s1+s2], $0x40, $0x38;
	[tilespmem:$0x18400] =	vst v63  }
0x128: {  	s0 =	sshll.u32 s0, $0x4;
	s25 =	spop (v2sf)  }
0x129: {  	s26 =	sadd.s32 $0x8B00, s14;
	s0 =	sadd.s32 s4, s0;
	s28 =	spop (v2sf)  }
0x12a: {  	[tilespmem:s26], [sflag:$0x1] =	stream.linear.gather [hbm4b:s0+s2], $0x80, $0x38;
	[tilespmem:$0x18400] =	vst v63  }
0x12b: {  	s29 =	sshrl.u32 s28, $0x1  }
0x12c: {  	s1 =	sand.u32 $0x1FFFFFF0, s25;
	s0 =	sand.u32 $0xFFF, s28;
	s5 =	sand.u32 $0x1FFF000, s29  }
0x12d: {  	s1 =	sadd.s32 s3, s1;
	s0 =	sor.u32 s0, s5  }
0x12e: {  	[tilespmem:s19], [sflag:$0x1] =	stream.strided.gather [hbm4b:s1+s20], $0x0, s22, s20, $0x38;
	[tilespmem:$0x18400] =	vst v63  }
0x12f: {  	s0 =	sshll.u32 s0, $0x4  }
0x130: {  	[tilespmem:s19], [sflag:$0x1] =	stream.linear.gather [hbm4b:s1+s2], $0x40, $0x38;
	[tilespmem:$0x18400] =	vst v63  }
0x131: {  	s31 =	simm.s32 $0x1;
	s30 =	sadd.s32 $0x8B80, s14;
	s0 =	sadd.s32 s4, s0  }
0x132: {  	[tilespmem:s30], [sflag:$0x1] =	stream.linear.gather [hbm4b:s0+s2], $0x80, $0x38;
	[tilespmem:$0x18400] =	vst v63  }
0x133: {  	_ =	swait.ge [sflag:s31], $0x8000  }
0x134: {  	[sflag:s31] =	ssyncset.done $0x0  }
0x135: {  	[sflag:s31] =	ssyncadd.s32 $0xFFFF8000  }
0x136: {  	_ =	swait.ge [sflag:s31], $0x10000  }
0x137: {  	s15 =	simm.s32 $0x3C0;
	s16 =	simm.s32 $0x200;
	[sflag:s31] =	ssyncset.done $0x0  }
0x138: {  	s17 =	simm.s32 $0x600;
	s14 =	simm.s32 $0x0;
	[sflag:s31] =	ssyncadd.s32 $0xFFFF0000  }
.LBB2_4:
0x139: {  	v0 =	vld [tilespmem:s16+$0x0];
	_ =	sdelay $0x4  }
0x13a: {  	v0 =	vshrl.u32 v0, $0x6  }
0x13b: {  	(v2sf) =	vpush v0, $0x1  }
0x13c: {  	(v2sf) =	vpush v0, $0x0;
	_ =	sdelay $0xd  }
0x13d: {  	s1 =	spop (v2sf)  }
0x13e: {  	s0 =	spop (v2sf)  }
0x13f: {  	s5 =	sand.u32 $0x40, s0;
	s0 =	sshra.s32 s14, $0x2  }
0x140: {  	v1 =	vld [tilespmem:s17+$0xFFFFFE00];
	s5 =	sadd.s32 s0, s5  }
0x141: {  	v2 =	vld [tilespmem:s5+$0x8400];
	_ =	sdelay $0x4  }
0x142: {  	v1 =	vmul.f32 v2, v1;
	_ =	sdelay $0x1  }
0x143: {  	v24 =	vld [tilespmem:s17+$0xFFFFFE10];
	[tilespmem:s17+$0xFFFFFE00] =	vst v1  }
0x144: {  	v25 =	vld [tilespmem:s5+$0x8410];
	_ =	sdelay $0x4  }
0x145: {  	v1 =	vmul.f32 v25, v24;
	_ =	sdelay $0x1  }
0x146: {  	v26 =	vld [tilespmem:s17+$0xFFFFFE20];
	[tilespmem:s17+$0xFFFFFE10] =	vst v1  }
0x147: {  	v27 =	vld [tilespmem:s5+$0x8420];
	_ =	sdelay $0x4  }
0x148: {  	v1 =	vmul.f32 v27, v26;
	_ =	sdelay $0x1  }
0x149: {  	v28 =	vld [tilespmem:s17+$0xFFFFFE30];
	[tilespmem:s17+$0xFFFFFE20] =	vst v1  }
0x14a: {  	v29 =	vld [tilespmem:s5+$0x8430];
	_ =	sdelay $0x4  }
0x14b: {  	v1 =	vmul.f32 v29, v28  }
0x14c: {  	s1 =	sand.u32 $0x40, s1  }
0x14d: {  	v30 =	vld [tilespmem:s17+$0xFFFFFE40];
	s1 =	sadd.s32 s0, s1;
	[tilespmem:s17+$0xFFFFFE30] =	vst v1  }
0x14e: {  	v31 =	vld [tilespmem:s1+$0x8480];
	_ =	sdelay $0x4  }
0x14f: {  	v1 =	vmul.f32 v31, v30;
	_ =	sdelay $0x1  }
0x150: {  	v32 =	vld [tilespmem:s17+$0xFFFFFE50];
	[tilespmem:s17+$0xFFFFFE40] =	vst v1  }
0x151: {  	v33 =	vld [tilespmem:s1+$0x8490];
	_ =	sdelay $0x4  }
0x152: {  	(v2sf) =	vpush v0, $0x3;
	v1 =	vmul.f32 v33, v32  }
0x153: {  	(v2sf) =	vpush v0, $0x2  }
0x154: {  	v34 =	vld [tilespmem:s17+$0xFFFFFE60];
	[tilespmem:s17+$0xFFFFFE50] =	vst v1  }
0x155: {  	v35 =	vld [tilespmem:s1+$0x84A0];
	_ =	sdelay $0x4  }
0x156: {  	v1 =	vmul.f32 v35, v34;
	_ =	sdelay $0x1  }
0x157: {  	v36 =	vld [tilespmem:s17+$0xFFFFFE70];
	[tilespmem:s17+$0xFFFFFE60] =	vst v1  }
0x158: {  	v37 =	vld [tilespmem:s1+$0x84B0];
	_ =	sdelay $0x3  }
0x159: {  	s28 =	spop (v2sf)  }
0x15a: {  	s29 =	spop (v2sf);
	v1 =	vmul.f32 v37, v36  }
0x15b: {  	s5 =	sand.u32 $0x40, s29  }
0x15c: {  	v38 =	vld [tilespmem:s17+$0xFFFFFE80];
	s5 =	sadd.s32 s0, s5;
	[tilespmem:s17+$0xFFFFFE70] =	vst v1  }
0x15d: {  	v39 =	vld [tilespmem:s5+$0x8500];
	_ =	sdelay $0x4  }
0x15e: {  	v1 =	vmul.f32 v39, v38;
	_ =	sdelay $0x1  }
0x15f: {  	v40 =	vld [tilespmem:s17+$0xFFFFFE90];
	[tilespmem:s17+$0xFFFFFE80] =	vst v1  }
0x160: {  	v41 =	vld [tilespmem:s5+$0x8510];
	_ =	sdelay $0x4  }
0x161: {  	v1 =	vmul.f32 v41, v40;
	_ =	sdelay $0x1  }
0x162: {  	v42 =	vld [tilespmem:s17+$0xFFFFFEA0];
	[tilespmem:s17+$0xFFFFFE90] =	vst v1  }
0x163: {  	v43 =	vld [tilespmem:s5+$0x8520];
	_ =	sdelay $0x4  }
0x164: {  	v1 =	vmul.f32 v43, v42;
	_ =	sdelay $0x1  }
0x165: {  	v44 =	vld [tilespmem:s17+$0xFFFFFEB0];
	[tilespmem:s17+$0xFFFFFEA0] =	vst v1  }
0x166: {  	v45 =	vld [tilespmem:s5+$0x8530];
	_ =	sdelay $0x4  }
0x167: {  	v1 =	vmul.f32 v45, v44  }
0x168: {  	s1 =	sand.u32 $0x40, s28  }
0x169: {  	v46 =	vld [tilespmem:s17+$0xFFFFFEC0];
	s1 =	sadd.s32 s0, s1;
	[tilespmem:s17+$0xFFFFFEB0] =	vst v1  }
0x16a: {  	v47 =	vld [tilespmem:s1+$0x8580];
	_ =	sdelay $0x4  }
0x16b: {  	v1 =	vmul.f32 v47, v46  }
0x16c: {  	s30 =	sadd.s32 $0xFFFFFD00, s15  }
0x16d: {  	s6 =	sor.u32 $0x50, s30;
	[tilespmem:s17+$0xFFFFFEC0] =	vst v1  }
0x16e: {  	v1 =	vld [tilespmem:s6+$0x400]  }
0x16f: {  	v48 =	vld [tilespmem:s1+$0x8590];
	_ =	sdelay $0x4  }
0x170: {  	v1 =	vmul.f32 v48, v1;
	_ =	sdelay $0x1  }
0x171: {  	s31 =	sor.u32 $0x60, s30;
	[tilespmem:s6+$0x400] =	vst v1  }
0x172: {  	(v2sf) =	vpush v0, $0x5;
	v1 =	vld [tilespmem:s31+$0x400]  }
0x173: {  	(v2sf) =	vpush v0, $0x4;
	v49 =	vld [tilespmem:s1+$0x85A0];
	_ =	sdelay $0x4  }
0x174: {  	v1 =	vmul.f32 v49, v1;
	_ =	sdelay $0x1  }
0x175: {  	s5 =	sor.u32 $0x70, s30;
	[tilespmem:s31+$0x400] =	vst v1  }
0x176: {  	v1 =	vld [tilespmem:s5+$0x400]  }
0x177: {  	v50 =	vld [tilespmem:s1+$0x85B0];
	_ =	sdelay $0x4  }
0x178: {  	s7 =	spop (v2sf);
	v1 =	vmul.f32 v50, v1  }
0x179: {  	s8 =	spop (v2sf)  }
0x17a: {  	s9 =	sand.u32 $0x40, s8;
	[tilespmem:s5+$0x400] =	vst v1  }
0x17b: {  	s5 =	sadd.s32 s0, s9;
	v1 =	vld [tilespmem:s17+$0xFFFFFF00]  }
0x17c: {  	v51 =	vld [tilespmem:s5+$0x8600];
	_ =	sdelay $0x4  }
0x17d: {  	v1 =	vmul.f32 v51, v1;
	_ =	sdelay $0x1  }
0x17e: {  	v52 =	vld [tilespmem:s17+$0xFFFFFF10];
	[tilespmem:s17+$0xFFFFFF00] =	vst v1  }
0x17f: {  	v53 =	vld [tilespmem:s5+$0x8610];
	_ =	sdelay $0x4  }
0x180: {  	v1 =	vmul.f32 v53, v52;
	_ =	sdelay $0x1  }
0x181: {  	v54 =	vld [tilespmem:s17+$0xFFFFFF20];
	[tilespmem:s17+$0xFFFFFF10] =	vst v1  }
0x182: {  	v55 =	vld [tilespmem:s5+$0x8620];
	_ =	sdelay $0x4  }
0x183: {  	v1 =	vmul.f32 v55, v54;
	_ =	sdelay $0x1  }
0x184: {  	v56 =	vld [tilespmem:s17+$0xFFFFFF30];
	[tilespmem:s17+$0xFFFFFF20] =	vst v1  }
0x185: {  	v57 =	vld [tilespmem:s5+$0x8630];
	_ =	sdelay $0x4  }
0x186: {  	v1 =	vmul.f32 v57, v56  }
0x187: {  	s1 =	sand.u32 $0x40, s7  }
0x188: {  	s1 =	sadd.s32 s0, s1;
	v58 =	vld [tilespmem:s17+$0xFFFFFF40];
	[tilespmem:s17+$0xFFFFFF30] =	vst v1  }
0x189: {  	v59 =	vld [tilespmem:s1+$0x8680];
	_ =	sdelay $0x4  }
0x18a: {  	v1 =	vmul.f32 v59, v58  }
0x18b: {  	s10 =	sadd.s32 $0xFFFFFD80, s15  }
0x18c: {  	s11 =	sor.u32 $0x50, s10;
	[tilespmem:s17+$0xFFFFFF40] =	vst v1  }
0x18d: {  	v1 =	vld [tilespmem:s11+$0x400]  }
0x18e: {  	v60 =	vld [tilespmem:s1+$0x8690];
	_ =	sdelay $0x4  }
0x18f: {  	v1 =	vmul.f32 v60, v1;
	_ =	sdelay $0x1  }
0x190: {  	s12 =	sor.u32 $0x60, s10;
	[tilespmem:s11+$0x400] =	vst v1  }
0x191: {  	(v2sf) =	vpush v0, $0x7;
	v1 =	vld [tilespmem:s12+$0x400]  }
0x192: {  	(v2sf) =	vpush v0, $0x6;
	v61 =	vld [tilespmem:s1+$0x86A0];
	_ =	sdelay $0x4  }
0x193: {  	v1 =	vmul.f32 v61, v1;
	_ =	sdelay $0x1  }
0x194: {  	s5 =	sor.u32 $0x70, s10;
	[tilespmem:s12+$0x400] =	vst v1  }
0x195: {  	v1 =	vld [tilespmem:s5+$0x400]  }
0x196: {  	v62 =	vld [tilespmem:s1+$0x86B0];
	_ =	sdelay $0x4  }
0x197: {  	s13 =	spop (v2sf);
	v1 =	vmul.f32 v62, v1  }
0x198: {  	s18 =	spop (v2sf)  }
0x199: {  	s19 =	sand.u32 $0x40, s18;
	[tilespmem:s5+$0x400] =	vst v1  }
0x19a: {  	s5 =	sadd.s32 s0, s19;
	v1 =	vld [tilespmem:s17+$0xFFFFFF80]  }
0x19b: {  	v63 =	vld [tilespmem:s5+$0x8700];
	_ =	sdelay $0x4  }
0x19c: {  	v1 =	vmul.f32 v63, v1;
	_ =	sdelay $0x1  }
0x19d: {  	v4 =	vld [tilespmem:s17+$0xFFFFFF90];
	[tilespmem:s17+$0xFFFFFF80] =	vst v1  }
0x19e: {  	v5 =	vld [tilespmem:s5+$0x8710];
	_ =	sdelay $0x4  }
0x19f: {  	v1 =	vmul.f32 v5, v4;
	_ =	sdelay $0x1  }
0x1a0: {  	v6 =	vld [tilespmem:s17+$0xFFFFFFA0];
	[tilespmem:s17+$0xFFFFFF90] =	vst v1  }
0x1a1: {  	v7 =	vld [tilespmem:s5+$0x8720];
	_ =	sdelay $0x4  }
0x1a2: {  	v1 =	vmul.f32 v7, v6;
	_ =	sdelay $0x1  }
0x1a3: {  	v8 =	vld [tilespmem:s17+$0xFFFFFFB0];
	[tilespmem:s17+$0xFFFFFFA0] =	vst v1  }
0x1a4: {  	v9 =	vld [tilespmem:s5+$0x8730];
	_ =	sdelay $0x4  }
0x1a5: {  	v1 =	vmul.f32 v9, v8  }
0x1a6: {  	s1 =	sand.u32 $0x40, s13  }
0x1a7: {  	s1 =	sadd.s32 s0, s1;
	v10 =	vld [tilespmem:s17+$0xFFFFFFC0];
	[tilespmem:s17+$0xFFFFFFB0] =	vst v1  }
0x1a8: {  	v11 =	vld [tilespmem:s1+$0x8780];
	_ =	sdelay $0x4  }
0x1a9: {  	v1 =	vmul.f32 v11, v10  }
0x1aa: {  	s21 =	sadd.s32 $0xFFFFFE00, s15  }
0x1ab: {  	s23 =	sor.u32 $0x50, s21;
	[tilespmem:s17+$0xFFFFFFC0] =	vst v1  }
0x1ac: {  	v1 =	vld [tilespmem:s23+$0x400]  }
0x1ad: {  	v12 =	vld [tilespmem:s1+$0x8790];
	_ =	sdelay $0x4  }
0x1ae: {  	v1 =	vmul.f32 v12, v1;
	_ =	sdelay $0x1  }
0x1af: {  	s24 =	sor.u32 $0x60, s21;
	[tilespmem:s23+$0x400] =	vst v1  }
0x1b0: {  	(v2sf) =	vpush v0, $0x9;
	v1 =	vld [tilespmem:s24+$0x400]  }
0x1b1: {  	(v2sf) =	vpush v0, $0x8;
	v13 =	vld [tilespmem:s1+$0x87A0];
	_ =	sdelay $0x4  }
0x1b2: {  	v1 =	vmul.f32 v13, v1;
	_ =	sdelay $0x1  }
0x1b3: {  	s5 =	sor.u32 $0x70, s21;
	[tilespmem:s24+$0x400] =	vst v1  }
0x1b4: {  	v1 =	vld [tilespmem:s5+$0x400]  }
0x1b5: {  	v14 =	vld [tilespmem:s1+$0x87B0];
	_ =	sdelay $0x4  }
0x1b6: {  	s25 =	spop (v2sf);
	v1 =	vmul.f32 v14, v1  }
0x1b7: {  	s26 =	spop (v2sf)  }
0x1b8: {  	s28 =	sand.u32 $0x40, s26;
	[tilespmem:s5+$0x400] =	vst v1  }
0x1b9: {  	s5 =	sadd.s32 s0, s28;
	v1 =	vld [tilespmem:s17+$0x0]  }
0x1ba: {  	v15 =	vld [tilespmem:s5+$0x8800];
	_ =	sdelay $0x4  }
0x1bb: {  	v1 =	vmul.f32 v15, v1;
	_ =	sdelay $0x1  }
0x1bc: {  	v16 =	vld [tilespmem:s17+$0x10];
	[tilespmem:s17+$0x0] =	vst v1  }
0x1bd: {  	v17 =	vld [tilespmem:s5+$0x8810];
	_ =	sdelay $0x4  }
0x1be: {  	v1 =	vmul.f32 v17, v16;
	_ =	sdelay $0x1  }
0x1bf: {  	v18 =	vld [tilespmem:s17+$0x20];
	[tilespmem:s17+$0x10] =	vst v1  }
0x1c0: {  	v19 =	vld [tilespmem:s5+$0x8820];
	_ =	sdelay $0x4  }
0x1c1: {  	v1 =	vmul.f32 v19, v18;
	_ =	sdelay $0x1  }
0x1c2: {  	v20 =	vld [tilespmem:s17+$0x30];
	[tilespmem:s17+$0x20] =	vst v1  }
0x1c3: {  	v21 =	vld [tilespmem:s5+$0x8830];
	_ =	sdelay $0x4  }
0x1c4: {  	v1 =	vmul.f32 v21, v20  }
0x1c5: {  	s1 =	sand.u32 $0x40, s25  }
0x1c6: {  	s1 =	sadd.s32 s0, s1;
	v22 =	vld [tilespmem:s17+$0x40];
	[tilespmem:s17+$0x30] =	vst v1  }
0x1c7: {  	v23 =	vld [tilespmem:s1+$0x8880];
	_ =	sdelay $0x4  }
0x1c8: {  	v1 =	vmul.f32 v23, v22  }
0x1c9: {  	s29 =	sadd.s32 $0xFFFFFE80, s15  }
0x1ca: {  	s30 =	sor.u32 $0x50, s29;
	[tilespmem:s17+$0x40] =	vst v1  }
0x1cb: {  	v1 =	vld [tilespmem:s30+$0x400]  }
0x1cc: {  	v24 =	vld [tilespmem:s1+$0x8890];
	_ =	sdelay $0x4  }
0x1cd: {  	v1 =	vmul.f32 v24, v1;
	_ =	sdelay $0x1  }
0x1ce: {  	s31 =	sor.u32 $0x60, s29;
	[tilespmem:s30+$0x400] =	vst v1  }
0x1cf: {  	(v2sf) =	vpush v0, $0xB;
	v1 =	vld [tilespmem:s31+$0x400]  }
0x1d0: {  	(v2sf) =	vpush v0, $0xA;
	v25 =	vld [tilespmem:s1+$0x88A0];
	_ =	sdelay $0x4  }
0x1d1: {  	v1 =	vmul.f32 v25, v1;
	_ =	sdelay $0x1  }
0x1d2: {  	s5 =	sor.u32 $0x70, s29;
	[tilespmem:s31+$0x400] =	vst v1  }
0x1d3: {  	v1 =	vld [tilespmem:s5+$0x400]  }
0x1d4: {  	v26 =	vld [tilespmem:s1+$0x88B0];
	_ =	sdelay $0x4  }
0x1d5: {  	s7 =	spop (v2sf);
	v1 =	vmul.f32 v26, v1  }
0x1d6: {  	s8 =	spop (v2sf)  }
0x1d7: {  	s9 =	sand.u32 $0x40, s8;
	[tilespmem:s5+$0x400] =	vst v1  }
0x1d8: {  	s5 =	sadd.s32 s0, s9;
	v1 =	vld [tilespmem:s17+$0x80]  }
0x1d9: {  	v27 =	vld [tilespmem:s5+$0x8900];
	_ =	sdelay $0x4  }
0x1da: {  	v1 =	vmul.f32 v27, v1;
	_ =	sdelay $0x1  }
0x1db: {  	v28 =	vld [tilespmem:s17+$0x90];
	[tilespmem:s17+$0x80] =	vst v1  }
0x1dc: {  	v29 =	vld [tilespmem:s5+$0x8910];
	_ =	sdelay $0x4  }
0x1dd: {  	v1 =	vmul.f32 v29, v28;
	_ =	sdelay $0x1  }
0x1de: {  	v30 =	vld [tilespmem:s17+$0xA0];
	[tilespmem:s17+$0x90] =	vst v1  }
0x1df: {  	v31 =	vld [tilespmem:s5+$0x8920];
	_ =	sdelay $0x4  }
0x1e0: {  	v1 =	vmul.f32 v31, v30;
	_ =	sdelay $0x1  }
0x1e1: {  	v32 =	vld [tilespmem:s17+$0xB0];
	[tilespmem:s17+$0xA0] =	vst v1  }
0x1e2: {  	v33 =	vld [tilespmem:s5+$0x8930];
	_ =	sdelay $0x4  }
0x1e3: {  	v1 =	vmul.f32 v33, v32  }
0x1e4: {  	s1 =	sand.u32 $0x40, s7  }
0x1e5: {  	s1 =	sadd.s32 s0, s1;
	v34 =	vld [tilespmem:s17+$0xC0];
	[tilespmem:s17+$0xB0] =	vst v1  }
0x1e6: {  	v35 =	vld [tilespmem:s1+$0x8980];
	_ =	sdelay $0x4  }
0x1e7: {  	v1 =	vmul.f32 v35, v34  }
0x1e8: {  	s10 =	sadd.s32 $0xFFFFFF00, s15  }
0x1e9: {  	s11 =	sor.u32 $0x50, s10;
	[tilespmem:s17+$0xC0] =	vst v1  }
0x1ea: {  	v1 =	vld [tilespmem:s11+$0x400]  }
0x1eb: {  	v36 =	vld [tilespmem:s1+$0x8990];
	_ =	sdelay $0x4  }
0x1ec: {  	v1 =	vmul.f32 v36, v1;
	_ =	sdelay $0x1  }
0x1ed: {  	s12 =	sor.u32 $0x60, s10;
	[tilespmem:s11+$0x400] =	vst v1  }
0x1ee: {  	(v2sf) =	vpush v0, $0xD;
	v1 =	vld [tilespmem:s12+$0x400]  }
0x1ef: {  	(v2sf) =	vpush v0, $0xC;
	v37 =	vld [tilespmem:s1+$0x89A0];
	_ =	sdelay $0x4  }
0x1f0: {  	v1 =	vmul.f32 v37, v1;
	_ =	sdelay $0x1  }
0x1f1: {  	s5 =	sor.u32 $0x70, s10;
	[tilespmem:s12+$0x400] =	vst v1  }
0x1f2: {  	v1 =	vld [tilespmem:s5+$0x400]  }
0x1f3: {  	v38 =	vld [tilespmem:s1+$0x89B0];
	_ =	sdelay $0x4  }
0x1f4: {  	s13 =	spop (v2sf);
	v1 =	vmul.f32 v38, v1  }
0x1f5: {  	s18 =	spop (v2sf)  }
0x1f6: {  	s19 =	sand.u32 $0x40, s18;
	[tilespmem:s5+$0x400] =	vst v1  }
0x1f7: {  	s5 =	sadd.s32 s0, s19;
	v1 =	vld [tilespmem:s17+$0x100]  }
0x1f8: {  	v39 =	vld [tilespmem:s5+$0x8A00];
	_ =	sdelay $0x4  }
0x1f9: {  	v1 =	vmul.f32 v39, v1;
	_ =	sdelay $0x1  }
0x1fa: {  	v40 =	vld [tilespmem:s17+$0x110];
	[tilespmem:s17+$0x100] =	vst v1  }
0x1fb: {  	v41 =	vld [tilespmem:s5+$0x8A10];
	_ =	sdelay $0x4  }
0x1fc: {  	v1 =	vmul.f32 v41, v40;
	_ =	sdelay $0x1  }
0x1fd: {  	v42 =	vld [tilespmem:s17+$0x120];
	[tilespmem:s17+$0x110] =	vst v1  }
0x1fe: {  	v43 =	vld [tilespmem:s5+$0x8A20];
	_ =	sdelay $0x4  }
0x1ff: {  	v1 =	vmul.f32 v43, v42;
	_ =	sdelay $0x1  }
0x200: {  	v44 =	vld [tilespmem:s17+$0x130];
	[tilespmem:s17+$0x120] =	vst v1  }
0x201: {  	v45 =	vld [tilespmem:s5+$0x8A30];
	_ =	sdelay $0x4  }
0x202: {  	v1 =	vmul.f32 v45, v44  }
0x203: {  	s1 =	sand.u32 $0x40, s13  }
0x204: {  	s1 =	sadd.s32 s0, s1;
	v46 =	vld [tilespmem:s17+$0x140];
	[tilespmem:s17+$0x130] =	vst v1  }
0x205: {  	v47 =	vld [tilespmem:s1+$0x8A80];
	_ =	sdelay $0x4  }
0x206: {  	v1 =	vmul.f32 v47, v46  }
0x207: {  	s21 =	sadd.s32 $0xFFFFFF80, s15  }
0x208: {  	s23 =	sor.u32 $0x50, s21;
	[tilespmem:s17+$0x140] =	vst v1  }
0x209: {  	v1 =	vld [tilespmem:s23+$0x400]  }
0x20a: {  	v48 =	vld [tilespmem:s1+$0x8A90];
	_ =	sdelay $0x4  }
0x20b: {  	v1 =	vmul.f32 v48, v1;
	_ =	sdelay $0x1  }
0x20c: {  	s24 =	sor.u32 $0x60, s21;
	[tilespmem:s23+$0x400] =	vst v1  }
0x20d: {  	(v2sf) =	vpush v0, $0xF;
	v1 =	vld [tilespmem:s24+$0x400]  }
0x20e: {  	(v2sf) =	vpush v0, $0xE;
	v49 =	vld [tilespmem:s1+$0x8AA0];
	_ =	sdelay $0x4  }
0x20f: {  	v50 =	vmul.f32 v49, v1;
	_ =	sdelay $0x1  }
0x210: {  	s5 =	sor.u32 $0x70, s21;
	[tilespmem:s24+$0x400] =	vst v50  }
0x211: {  	v0 =	vld [tilespmem:s5+$0x400]  }
0x212: {  	v51 =	vld [tilespmem:s1+$0x8AB0];
	_ =	sdelay $0x4  }
0x213: {  	s25 =	spop (v2sf);
	v0 =	vmul.f32 v51, v0  }
0x214: {  	s26 =	spop (v2sf)  }
0x215: {  	s28 =	sand.u32 $0x40, s26;
	[tilespmem:s5+$0x400] =	vst v0  }
0x216: {  	s5 =	sadd.s32 s0, s28;
	v0 =	vld [tilespmem:s17+$0x180]  }
0x217: {  	v52 =	vld [tilespmem:s5+$0x8B00];
	_ =	sdelay $0x4  }
0x218: {  	v0 =	vmul.f32 v52, v0;
	_ =	sdelay $0x1  }
0x219: {  	v53 =	vld [tilespmem:s17+$0x190];
	[tilespmem:s17+$0x180] =	vst v0  }
0x21a: {  	v54 =	vld [tilespmem:s5+$0x8B10];
	_ =	sdelay $0x4  }
0x21b: {  	v0 =	vmul.f32 v54, v53;
	_ =	sdelay $0x1  }
0x21c: {  	v55 =	vld [tilespmem:s17+$0x1A0];
	[tilespmem:s17+$0x190] =	vst v0  }
0x21d: {  	v56 =	vld [tilespmem:s5+$0x8B20];
	_ =	sdelay $0x4  }
0x21e: {  	v0 =	vmul.f32 v56, v55;
	_ =	sdelay $0x1  }
0x21f: {  	v57 =	vld [tilespmem:s17+$0x1B0];
	[tilespmem:s17+$0x1A0] =	vst v0  }
0x220: {  	v58 =	vld [tilespmem:s5+$0x8B30];
	_ =	sdelay $0x4  }
0x221: {  	v0 =	vmul.f32 v58, v57  }
0x222: {  	s1 =	sand.u32 $0x40, s25  }
0x223: {  	s0 =	sadd.s32 s0, s1;
	v59 =	vld [tilespmem:s17+$0x1C0];
	[tilespmem:s17+$0x1B0] =	vst v0  }
0x224: {  	v60 =	vld [tilespmem:s0+$0x8B80];
	_ =	sdelay $0x4  }
0x225: {  	v0 =	vmul.f32 v60, v59;
	_ =	sdelay $0x1  }
0x226: {  	s29 =	sor.u32 $0x50, s15;
	[tilespmem:s17+$0x1C0] =	vst v0  }
0x227: {  	v0 =	vld [tilespmem:s29+$0x400]  }
0x228: {  	v61 =	vld [tilespmem:s0+$0x8B90];
	_ =	sdelay $0x4  }
0x229: {  	v0 =	vmul.f32 v61, v0;
	_ =	sdelay $0x1  }
0x22a: {  	s30 =	sor.u32 $0x60, s15;
	[tilespmem:s29+$0x400] =	vst v0  }
0x22b: {  	v0 =	vld [tilespmem:s30+$0x400]  }
0x22c: {  	v62 =	vld [tilespmem:s0+$0x8BA0];
	_ =	sdelay $0x4  }
0x22d: {  	v0 =	vmul.f32 v62, v0;
	_ =	sdelay $0x1  }
0x22e: {  	s31 =	sor.u32 $0x70, s15;
	[tilespmem:s30+$0x400] =	vst v0  }
0x22f: {  	v0 =	vld [tilespmem:s31+$0x400]  }
0x230: {  	v63 =	vld [tilespmem:s0+$0x8BB0];
	_ =	sdelay $0x1  }
0x231: {  	p0 =	sne.s32 s14, $0x3E000  }
.Ltmp1:
0x232: {  	_ = 	snop;
	(pc) =	sbr.rel @p0 .LBB2_4-.Ltmp1, $4  }
0x233: {  	_ = 	snop  }
0x234: {  	v0 =	vmul.f32 v63, v0  }
0x235: {  	s16 =	sadd.s32 $0x10, s16  }
0x236: {  	s14 =	sadd.s32 $0x2000, s14;
	s15 =	sadd.s32 $0x400, s15;
	s17 =	sadd.s32 $0x400, s17;
	[tilespmem:s31+$0x400] =	vst v0  }
0x237: {  	s0 =	rddreg [dreg:$0x13];
	s5 =	simm.s32 $0x2  }
0x238: {  	[hbm4b:s0+s2] =	stream.linear.scatter [tilespmem:s22], [sflag:$0x2], $0x8000, $0x38;
	[tilespmem:$0x18400] =	vst v63  }
0x239: {  	_ =	swait.ge [sflag:s5], $0x8000  }
0x23a: {  	s1 =	rddreg [dreg:$0x15]  }
0x23b: {  	s31 =	rddreg [dreg:$0x14];
	s1 =	sadd.s32 $0x1, s1  }
0x23c: {  	p0 =	sne.s32 s1, s31  }
.Ltmp2:
0x23d: {  	_ = 	snop;
	(pc) =	sbr.rel @p0 .LBB2_1-.Ltmp2, $3  }
0x23e: {  	_ =	sdelay $0x1  }
0x23f: {  	[sflag:s5] =	ssyncset.done $0x0  }
0x240: {  	[sflag:s5] =	ssyncadd.s32 $0xFFFF8000  }
0x241: {  	_ =	sfence.sel $0x180000  }
0x242: {  	[bflag:$0x0] =	sbarrier.arrive $0xFFFF  }
0x243: {  	_ =	strace $0x90000047  }
0x244: {  	s0 =	stileid.u32;
	[bflag:$0x2] =	sbarrier.arrive $0xFFFF  }
0x245: {  	p0 =	sne.s32 s0, $0x0;
	s0 =	rddreg [dreg:$0x3]  }
0x246: {  	s0 =	sadd.s32 @!p0 $0x100000, s0  }
0x247: {  	[sflag:s0] =	ssyncadd.tile.s32 @!p0 $0x1;
	_ =	shalt  }
.Lfunc_end2:
_tile_overlayer_lowered:
.L_overlay_start_2:
0x248: {  	(tag) =	ssettag $0x2  }
0x249: {  	s0 =	rddreg [dreg:$0x0];
	s2 =	stileid.u32  }
0x24a: {  	s1 =	rddreg [dreg:$0x1];
	p0 =	sne.s32 s2, $0x0  }
0x24b: {  	s3 =	rddreg [dreg:$0x2];
	[bflag:$0x3] =	sbarrier.arrive $0xFFFF;
	s2 =	simm.s32 @!p0 $0x1C02  }
0x24c: {  	[timem:s3], [sflag:s2] =	dma.local @!p0 [hbm:s0], s1  }
0x24d: {  	s0 =	simm.s32 @!p0 $0x2  }
0x24e: {  	_ =	swait.ge @!p0 [sflag:s0], s1  }
0x24f: {  	s1 =	ssub.s32 @!p0 $0x0, s1;
	[sflag:s0] =	ssyncset.done @!p0 $0x0  }
0x250: {  	[sflag:s0] =	ssyncadd.s32 @!p0 s1  }
0x251: {  	[bflag:$0x3] =	sbarrier.arrive $0xFFFF  }
0x252: {  	_ =	shalt  }

</sc_bundles>
